<compile_context>
chip_gen: v7x
topology: tpu7x:2x2x1
jax: 0.10.2.dev20260603
libtpu: 0.0.44.dev20260713+nightly
codegen_flags: <defaults>
</compile_context>

<pallas_src>
import functools
import math

import jax
import jax.numpy as jnp
from jax import lax
from jax.experimental import pallas as pl
from jax.experimental.pallas import tpu as pltpu
from jax.experimental.pallas import tpu_sc as plsc

_VOCAB = 1000
_VOCAB_PAD = 1024
_EMB = 128
_BATCH = 4096
_SEQ = 200
_SCALE = float(_EMB) ** 0.5

_NC = 2
_NS = 16
_NW = _NC * _NS

_ROWS = _BATCH * _SEQ
_ROWS_PER_W = _ROWS // _NW
_CHUNK = _SEQ
_NCHUNK = _ROWS_PER_W // _CHUNK
_SUBS = ((0, 128), (128, 72))
_TROWS = _VOCAB_PAD // _NS
_NBUF = 3
_KSPLIT = 40


def _sinusoid_signal():
    position = jnp.arange(_SEQ, dtype=jnp.float32)
    num_ts = _EMB // 2
    inc = math.log(10000.0) / (num_ts - 1)
    inv_ts = jnp.exp(jnp.arange(num_ts, dtype=jnp.float32) * -inc)
    scaled = position[:, None] * inv_ts[None, :]
    return jnp.concatenate([jnp.sin(scaled), jnp.cos(scaled)], axis=1)


@functools.partial(
    pl.kernel,
    out_type=jax.ShapeDtypeStruct((_ROWS, _EMB), jnp.float32),
    mesh=plsc.VectorSubcoreMesh(core_axis_name="c", subcore_axis_name="s"),
    scratch_types=(
        [pltpu.VMEM((_CHUNK,), jnp.int32)] * _NBUF
        + [pltpu.VMEM((_CHUNK, _EMB), jnp.float32)] * _NBUF
        + [
            pltpu.VMEM((_SEQ, _EMB), jnp.float32),
            pltpu.VMEM((_KSPLIT,), jnp.int32),
            pltpu.VMEM_SHARED((_VOCAB_PAD, _EMB), jnp.float32),
            pltpu.VMEM_SHARED((_SEQ, _EMB), jnp.float32),
        ]
        + [pltpu.SemaphoreType.DMA] * (4 * _NBUF)
    ),
)
def _embed_kernel(idx_hbm, table_hbm, sig_hbm, sig_idx_hbm, out_hbm, *refs):
    idx_v = refs[0:_NBUF]
    rows_v = refs[_NBUF:2 * _NBUF]
    sig_v = refs[2 * _NBUF]
    sig_idx_v = refs[2 * _NBUF + 1]
    table_sp = refs[2 * _NBUF + 2]
    sig_sp = refs[2 * _NBUF + 3]
    sems = refs[2 * _NBUF + 4:]
    sem_g = sems[0:_NBUF]
    sem_o = sems[_NBUF:2 * _NBUF]
    sem_i = sems[2 * _NBUF:3 * _NBUF]
    sem_a = sems[3 * _NBUF:4 * _NBUF]

    sid = lax.axis_index("s")
    wid = sid * _NC + lax.axis_index("c")
    row_base_w = wid * _ROWS_PER_W

    trow = sid * _TROWS
    pltpu.sync_copy(table_hbm.at[pl.ds(trow, _TROWS)],
                    rows_v[0].at[pl.ds(0, _TROWS)])

    def scale_body(r, c2):
        for c in range(_EMB // 16):
            sl = pl.ds(c * 16, 16)
            rows_v[0][r, sl] = rows_v[0][r, sl] * _SCALE
        return c2

    lax.fori_loop(0, _TROWS, scale_body, 0, unroll=False)
    pltpu.sync_copy(rows_v[0].at[pl.ds(0, _TROWS)],
                    table_sp.at[pl.ds(trow, _TROWS)])
    pltpu.sync_copy(sig_hbm, sig_v)
    pltpu.sync_copy(sig_idx_hbm, sig_idx_v)

    @pl.when(sid == 0)
    def _stage_signal():
        pltpu.sync_copy(sig_v, sig_sp)

    plsc.subcore_barrier()

    def start_idx(q, b):
        row_base = row_base_w + q * _CHUNK
        pltpu.async_copy(idx_hbm.at[pl.ds(row_base, _CHUNK)], idx_v[b],
                         sem_i[b])

    def wait_idx(b):
        pltpu.make_async_copy(
            idx_hbm.at[pl.ds(0, _CHUNK)], idx_v[b], sem_i[b]
        ).wait()

    def start_gather(b):
        for off, n in _SUBS:
            pltpu.async_copy(
                table_sp.at[idx_v[b].at[pl.ds(off, n)]],
                rows_v[b].at[pl.ds(off, n)],
                sem_g[b],
            )

    def wait_gather(b):
        pltpu.make_async_copy(
            table_hbm.at[pl.ds(0, _CHUNK)], rows_v[b], sem_g[b]
        ).wait()

    def start_sig_add_stream(b):
        pltpu.async_copy(
            sig_sp.at[sig_idx_v],
            rows_v[b].at[pl.ds(0, _KSPLIT)],
            sem_a[b],
            add=True,
        )

    def wait_sig_add_stream(b):
        pltpu.make_async_copy(
            table_hbm.at[pl.ds(0, _KSPLIT)],
            rows_v[b].at[pl.ds(0, _KSPLIT)],
            sem_a[b],
        ).wait()

    def wait_out(b):
        pltpu.make_async_copy(
            rows_v[b], out_hbm.at[pl.ds(0, _CHUNK)], sem_o[b]
        ).wait()

    def add_signal(b):
        def row_body(s, c2):
            for c in range(_EMB // 16):
                sl = pl.ds(c * 16, 16)
                plsc.addupdate(rows_v[b].at[s, sl], sig_v[s, sl])
            return c2

        lax.fori_loop(0, _CHUNK, row_body, 0, unroll=4)

    def chunk_iter(q, b):
        b1 = (b + 1) % _NBUF
        b2 = (b + 2) % _NBUF

        @pl.when(q + 1 < _NCHUNK)
        def _prefetch_gather():
            wait_idx(b1)

            @pl.when(q >= _NBUF - 1)
            def _():
                wait_out(b1)
            start_gather(b1)

        @pl.when(q + 2 < _NCHUNK)
        def _prefetch_idx():
            start_idx(q + 2, b2)

        wait_gather(b)
        add_signal(b)
        row_base = row_base_w + q * _CHUNK
        pltpu.async_copy(rows_v[b], out_hbm.at[pl.ds(row_base, _CHUNK)],
                         sem_o[b])

    pltpu.sync_copy(idx_hbm.at[pl.ds(row_base_w, _CHUNK)], idx_v[0])
    start_gather(0)
    start_idx(1, 1)

    def ring_body(g, carry):
        for b in range(_NBUF):
            chunk_iter(_NBUF * g + b, b)
        return carry

    _NFULL = (_NCHUNK // _NBUF) * _NBUF
    lax.fori_loop(0, _NCHUNK // _NBUF, ring_body, 0, unroll=False)
    for q in range(_NFULL, _NCHUNK):
        chunk_iter(q, q % _NBUF)
    for q in range(_NCHUNK - 2, _NCHUNK):
        wait_out(q % _NBUF)


def kernel(inputs, table):
    idx = inputs.astype(jnp.int32).reshape(_ROWS)
    table_p = jnp.pad(table, ((0, _VOCAB_PAD - _VOCAB), (0, 0)))
    sig = _sinusoid_signal()
    sig_idx = jnp.arange(_KSPLIT, dtype=jnp.int32)
    out = _embed_kernel(idx, table_p, sig, sig_idx)
    return out.reshape(_BATCH, _SEQ, _EMB)

# --- scband reference (transcript-rebuilt; emitter-appended) ---
"""Pipeline reference for scband-position-embedding-wrapper-56315611185355 (READ-ONLY COPY).

The authoritative reference and input builder live on the scoring server;
editing this copy changes nothing except your own understanding.
"""

import math
import jax, jax.numpy as jnp
import numpy as np

VOCAB = 1000
EMB_DIM = 128
BATCH = 4096
SEQ = 200


def setup_inputs(seed: int = 0) -> dict:
    key = jax.random.key(seed)
    k_idx, k_tab = jax.random.split(key)
    inputs = jax.random.randint(k_idx, (BATCH, SEQ), 0, VOCAB, dtype=jnp.int64)
    table = jax.random.normal(k_tab, (VOCAB, EMB_DIM), dtype=jnp.float32) * (EMB_DIM ** -0.5)
    return {"inputs": inputs, "table": table}


def _add_sinusoids(x, min_timescale=1.0, max_timescale=10000.0):
    length = x.shape[1]
    channels = x.shape[2]
    dtype = x.dtype
    position = jnp.arange(length, dtype=dtype)
    num_timescales = channels // 2
    log_timescale_increment = math.log(float(max_timescale) / float(min_timescale)) / (num_timescales - 1)
    inv_timescales = min_timescale * jnp.exp(jnp.arange(num_timescales, dtype=dtype) * -log_timescale_increment)
    scaled_time = position[:, None] * inv_timescales[None, :]
    signal = jnp.concatenate([jnp.sin(scaled_time), jnp.cos(scaled_time)], axis=1)
    pad = channels % 2
    if pad:
        signal = jnp.pad(signal, ((0, 0), (0, pad)))
    signal = signal.reshape(1, length, channels)
    return x + signal


def reference(inputs, table):
    # inner embedding layer lookup
    emb = jnp.take(table, inputs, axis=0)
    # timing == 'sinusoids': scale then add timing signal
    emb = emb * (EMB_DIM ** 0.5)
    return _add_sinusoids(emb)

if __name__ == "__main__":
    import jax
    _d = setup_inputs()
    print(jax.jit(kernel)(*tuple(_d.values())))

</pallas_src>

<mosaic_0001>
#map = affine_map<(d0, d1) -> (0)>
#map1 = affine_map<(d0, d1) -> (0, 0)>
module attributes {stable_mosaic.version = 14 : i64} {
  func.func @_embed_kernel(%arg0: i32, %arg1: i32, %arg2: memref<819200xi32, #tpu.memory_space<hbm>>, %arg3: memref<1024x128xf32, #tpu.memory_space<hbm>>, %arg4: memref<200x128xf32, #tpu.memory_space<hbm>>, %arg5: memref<40xi32, #tpu.memory_space<hbm>>, %arg6: memref<819200x128xf32, #tpu.memory_space<hbm>>, %arg7: memref<200xi32, #tpu.memory_space<vmem>>, %arg8: memref<200xi32, #tpu.memory_space<vmem>>, %arg9: memref<200xi32, #tpu.memory_space<vmem>>, %arg10: memref<200x128xf32, #tpu.memory_space<vmem>>, %arg11: memref<200x128xf32, #tpu.memory_space<vmem>>, %arg12: memref<200x128xf32, #tpu.memory_space<vmem>>, %arg13: memref<200x128xf32, #tpu.memory_space<vmem>>, %arg14: memref<40xi32, #tpu.memory_space<vmem>>, %arg15: memref<1024x128xf32, #tpu.memory_space<vmem_shared>>, %arg16: memref<200x128xf32, #tpu.memory_space<vmem_shared>>, %arg17: memref<!tpu.dma_semaphore, #tpu.memory_space<semaphore_mem>>, %arg18: memref<!tpu.dma_semaphore, #tpu.memory_space<semaphore_mem>>, %arg19: memref<!tpu.dma_semaphore, #tpu.memory_space<semaphore_mem>>, %arg20: memref<!tpu.dma_semaphore, #tpu.memory_space<semaphore_mem>>, %arg21: memref<!tpu.dma_semaphore, #tpu.memory_space<semaphore_mem>>, %arg22: memref<!tpu.dma_semaphore, #tpu.memory_space<semaphore_mem>>, %arg23: memref<!tpu.dma_semaphore, #tpu.memory_space<semaphore_mem>>, %arg24: memref<!tpu.dma_semaphore, #tpu.memory_space<semaphore_mem>>, %arg25: memref<!tpu.dma_semaphore, #tpu.memory_space<semaphore_mem>>, %arg26: memref<!tpu.dma_semaphore, #tpu.memory_space<semaphore_mem>>, %arg27: memref<!tpu.dma_semaphore, #tpu.memory_space<semaphore_mem>>, %arg28: memref<!tpu.dma_semaphore, #tpu.memory_space<semaphore_mem>>) attributes {dimension_semantics = [#tpu.dimension_semantics<core_parallel>, #tpu.dimension_semantics<subcore_parallel>], iteration_bounds = array<i64: 2, 16>, scalar_prefetch = 0 : i64, scratch_operands = 22 : i64, tpu.core_type = #tpu.core_type<sc_vector_subcore>, window_params = [{transform_indices = #map}, {transform_indices = #map1}, {transform_indices = #map1}, {transform_indices = #map}, {transform_indices = #map1}]} {
    %mul3A = arith.constant 2 : i32
    %mul3A_0 = arith.muli %arg1, %mul3A : i32
    %add3A = arith.addi %mul3A_0, %arg0 : i32
    %mul3A_1 = arith.constant 25600 : i32
    %mul3A_2 = arith.muli %add3A, %mul3A_1 : i32
    %mul3A_3 = arith.constant 64 : i32
    %mul3A_4 = arith.muli %arg1, %mul3A_3 : i32
    "tpu.region"() ({
      %run_scoped3A = tpu.sem_alloc : memref<!tpu.dma_semaphore, #tpu.memory_space<semaphore_mem>>
      %dma_start3A_110 = arith.constant 0 : i32
      %dma_start3A_111 = arith.constant 0 : i32
      %dma_start3A_112 = tpu.memref_slice %arg10[%dma_start3A_110, %dma_start3A_111] : memref<200x128xf32, #tpu.memory_space<vmem>> -> memref<64x128xf32, #tpu.memory_space<vmem>>
      %dma_start3A_113 = arith.constant 0 : i32
      %dma_start3A_114 = tpu.memref_slice %arg3[%mul3A_4, %dma_start3A_113] : memref<1024x128xf32, #tpu.memory_space<hbm>> -> memref<64x128xf32, #tpu.memory_space<hbm>>
      %dma_start3A_115 = arith.constant 0 : i32
      %dma_start3A_116 = arith.constant 0 : i32
      %dma_start3A_117 = tpu.memref_slice %arg10[%dma_start3A_115, %dma_start3A_116] : memref<200x128xf32, #tpu.memory_space<vmem>> -> memref<64x128xf32, #tpu.memory_space<vmem>>
      %dma_start3A_118 = arith.constant 0 : i32
      %dma_start3A_119 = tpu.memref_slice %arg3[%mul3A_4, %dma_start3A_118] : memref<1024x128xf32, #tpu.memory_space<hbm>> -> memref<64x128xf32, #tpu.memory_space<hbm>>
      tpu.enqueue_dma source(%dma_start3A_119 : memref<64x128xf32, #tpu.memory_space<hbm>>) target(%dma_start3A_117 : memref<64x128xf32, #tpu.memory_space<vmem>>) target_semaphore(%run_scoped3A : memref<!tpu.dma_semaphore, #tpu.memory_space<semaphore_mem>>)
      %dma_wait3A_120 = arith.constant 0 : i32
      %dma_wait3A_121 = arith.constant 0 : i32
      %dma_wait3A_122 = tpu.memref_slice %arg10[%dma_wait3A_120, %dma_wait3A_121] : memref<200x128xf32, #tpu.memory_space<vmem>> -> memref<64x128xf32, #tpu.memory_space<vmem>>
      %dma_wait3A_123 = arith.constant 0 : i32
      %dma_wait3A_124 = tpu.memref_slice %arg3[%mul3A_4, %dma_wait3A_123] : memref<1024x128xf32, #tpu.memory_space<hbm>> -> memref<64x128xf32, #tpu.memory_space<hbm>>
      %dma_wait3A_125 = arith.constant 0 : i32
      %dma_wait3A_126 = arith.constant 0 : i32
      %dma_wait3A_127 = tpu.memref_slice %arg10[%dma_wait3A_125, %dma_wait3A_126] : memref<200x128xf32, #tpu.memory_space<vmem>> -> memref<64x128xf32, #tpu.memory_space<vmem>>
      %dma_wait3A_128 = arith.constant 0 : i32
      %dma_wait3A_129 = tpu.memref_slice %arg3[%mul3A_4, %dma_wait3A_128] : memref<1024x128xf32, #tpu.memory_space<hbm>> -> memref<64x128xf32, #tpu.memory_space<hbm>>
      tpu.wait_dma2 semaphore(%run_scoped3A : memref<!tpu.dma_semaphore, #tpu.memory_space<semaphore_mem>>) src(%dma_wait3A_129 : memref<64x128xf32, #tpu.memory_space<hbm>>) dst(%dma_wait3A_127 : memref<64x128xf32, #tpu.memory_space<vmem>>)
      tpu.yield
    }) : () -> ()
    %scan3A = arith.constant 0 : i32
    %scan3A_5 = arith.constant 0 : i32
    %scan3A_6 = arith.constant 64 : i32
    %scan3A_7 = arith.addi %scan3A_5, %scan3A_6 : i32
    %scan3A_8 = arith.constant 1 : i32
    scf.for %scan3A_110 = %scan3A_5 to %scan3A_7 step %scan3A_8  : i32 {
      %get3A = arith.index_cast %scan3A_110 : i32 to index
      %get3A_111 = arith.constant 0 : index
      %get3A_112 = tpu.vector_load %arg10[%get3A, %get3A_111] {strides = array<i32>} : memref<200x128xf32, #tpu.memory_space<vmem>>, vector<1x16xf32>,
      %get3A_113 = vector.shape_cast %get3A_112 : vector<1x16xf32> to vector<16xf32>
      %mul3A_114 = arith.constant 11.3137083 : f32
      %mul3A_115 = vector.broadcast %mul3A_114 : f32 to vector<16xf32>
      %mul3A_116 = arith.mulf %get3A_113, %mul3A_115 : vector<16xf32>
      %swap3A = arith.index_cast %scan3A_110 : i32 to index
      %swap3A_117 = arith.constant 0 : index
      %swap3A_118 = tpu.vector_load %arg10[%swap3A, %swap3A_117] {strides = array<i32>} : memref<200x128xf32, #tpu.memory_space<vmem>>, vector<1x16xf32>,
      %swap3A_119 = vector.shape_cast %swap3A_118 : vector<1x16xf32> to vector<16xf32>
      %swap3A_120 = vector.shape_cast %mul3A_116 : vector<16xf32> to vector<1x16xf32>
      tpu.vector_store %arg10[%swap3A, %swap3A_117], %swap3A_120 {strides = array<i32>} : memref<200x128xf32, #tpu.memory_space<vmem>>, vector<1x16xf32>,
      %get3A_121 = arith.index_cast %scan3A_110 : i32 to index
      %get3A_122 = arith.constant 16 : index
      %get3A_123 = tpu.vector_load %arg10[%get3A_121, %get3A_122] {strides = array<i32>} : memref<200x128xf32, #tpu.memory_space<vmem>>, vector<1x16xf32>,
      %get3A_124 = vector.shape_cast %get3A_123 : vector<1x16xf32> to vector<16xf32>
      %mul3A_125 = arith.constant 11.3137083 : f32
      %mul3A_126 = vector.broadcast %mul3A_125 : f32 to vector<16xf32>
      %mul3A_127 = arith.mulf %get3A_124, %mul3A_126 : vector<16xf32>
      %swap3A_128 = arith.index_cast %scan3A_110 : i32 to index
      %swap3A_129 = arith.constant 16 : index
      %swap3A_130 = tpu.vector_load %arg10[%swap3A_128, %swap3A_129] {strides = array<i32>} : memref<200x128xf32, #tpu.memory_space<vmem>>, vector<1x16xf32>,
      %swap3A_131 = vector.shape_cast %swap3A_130 : vector<1x16xf32> to vector<16xf32>
      %swap3A_132 = vector.shape_cast %mul3A_127 : vector<16xf32> to vector<1x16xf32>
      tpu.vector_store %arg10[%swap3A_128, %swap3A_129], %swap3A_132 {strides = array<i32>} : memref<200x128xf32, #tpu.memory_space<vmem>>, vector<1x16xf32>,
      %get3A_133 = arith.index_cast %scan3A_110 : i32 to index
      %get3A_134 = arith.constant 32 : index
      %get3A_135 = tpu.vector_load %arg10[%get3A_133, %get3A_134] {strides = array<i32>} : memref<200x128xf32, #tpu.memory_space<vmem>>, vector<1x16xf32>,
      %get3A_136 = vector.shape_cast %get3A_135 : vector<1x16xf32> to vector<16xf32>
      %mul3A_137 = arith.constant 11.3137083 : f32
      %mul3A_138 = vector.broadcast %mul3A_137 : f32 to vector<16xf32>
      %mul3A_139 = arith.mulf %get3A_136, %mul3A_138 : vector<16xf32>
      %swap3A_140 = arith.index_cast %scan3A_110 : i32 to index
      %swap3A_141 = arith.constant 32 : index
      %swap3A_142 = tpu.vector_load %arg10[%swap3A_140, %swap3A_141] {strides = array<i32>} : memref<200x128xf32, #tpu.memory_space<vmem>>, vector<1x16xf32>,
      %swap3A_143 = vector.shape_cast %swap3A_142 : vector<1x16xf32> to vector<16xf32>
      %swap3A_144 = vector.shape_cast %mul3A_139 : vector<16xf32> to vector<1x16xf32>
      tpu.vector_store %arg10[%swap3A_140, %swap3A_141], %swap3A_144 {strides = array<i32>} : memref<200x128xf32, #tpu.memory_space<vmem>>, vector<1x16xf32>,
      %get3A_145 = arith.index_cast %scan3A_110 : i32 to index
      %get3A_146 = arith.constant 48 : index
      %get3A_147 = tpu.vector_load %arg10[%get3A_145, %get3A_146] {strides = array<i32>} : memref<200x128xf32, #tpu.memory_space<vmem>>, vector<1x16xf32>,
      %get3A_148 = vector.shape_cast %get3A_147 : vector<1x16xf32> to vector<16xf32>
      %mul3A_149 = arith.constant 11.3137083 : f32
      %mul3A_150 = vector.broadcast %mul3A_149 : f32 to vector<16xf32>
      %mul3A_151 = arith.mulf %get3A_148, %mul3A_150 : vector<16xf32>
      %swap3A_152 = arith.index_cast %scan3A_110 : i32 to index
      %swap3A_153 = arith.constant 48 : index
      %swap3A_154 = tpu.vector_load %arg10[%swap3A_152, %swap3A_153] {strides = array<i32>} : memref<200x128xf32, #tpu.memory_space<vmem>>, vector<1x16xf32>,
      %swap3A_155 = vector.shape_cast %swap3A_154 : vector<1x16xf32> to vector<16xf32>
      %swap3A_156 = vector.shape_cast %mul3A_151 : vector<16xf32> to vector<1x16xf32>
      tpu.vector_store %arg10[%swap3A_152, %swap3A_153], %swap3A_156 {strides = array<i32>} : memref<200x128xf32, #tpu.memory_space<vmem>>, vector<1x16xf32>,
      %get3A_157 = arith.index_cast %scan3A_110 : i32 to index
      %get3A_158 = arith.constant 64 : index
      %get3A_159 = tpu.vector_load %arg10[%get3A_157, %get3A_158] {strides = array<i32>} : memref<200x128xf32, #tpu.memory_space<vmem>>, vector<1x16xf32>,
      %get3A_160 = vector.shape_cast %get3A_159 : vector<1x16xf32> to vector<16xf32>
      %mul3A_161 = arith.constant 11.3137083 : f32
      %mul3A_162 = vector.broadcast %mul3A_161 : f32 to vector<16xf32>
      %mul3A_163 = arith.mulf %get3A_160, %mul3A_162 : vector<16xf32>
      %swap3A_164 = arith.index_cast %scan3A_110 : i32 to index
      %swap3A_165 = arith.constant 64 : index
      %swap3A_166 = tpu.vector_load %arg10[%swap3A_164, %swap3A_165] {strides = array<i32>} : memref<200x128xf32, #tpu.memory_space<vmem>>, vector<1x16xf32>,
      %swap3A_167 = vector.shape_cast %swap3A_166 : vector<1x16xf32> to vector<16xf32>
      %swap3A_168 = vector.shape_cast %mul3A_163 : vector<16xf32> to vector<1x16xf32>
      tpu.vector_store %arg10[%swap3A_164, %swap3A_165], %swap3A_168 {strides = array<i32>} : memref<200x128xf32, #tpu.memory_space<vmem>>, vector<1x16xf32>,
      %get3A_169 = arith.index_cast %scan3A_110 : i32 to index
      %get3A_170 = arith.constant 80 : index
      %get3A_171 = tpu.vector_load %arg10[%get3A_169, %get3A_170] {strides = array<i32>} : memref<200x128xf32, #tpu.memory_space<vmem>>, vector<1x16xf32>,
      %get3A_172 = vector.shape_cast %get3A_171 : vector<1x16xf32> to vector<16xf32>
      %mul3A_173 = arith.constant 11.3137083 : f32
      %mul3A_174 = vector.broadcast %mul3A_173 : f32 to vector<16xf32>
      %mul3A_175 = arith.mulf %get3A_172, %mul3A_174 : vector<16xf32>
      %swap3A_176 = arith.index_cast %scan3A_110 : i32 to index
      %swap3A_177 = arith.constant 80 : index
      %swap3A_178 = tpu.vector_load %arg10[%swap3A_176, %swap3A_177] {strides = array<i32>} : memref<200x128xf32, #tpu.memory_space<vmem>>, vector<1x16xf32>,
      %swap3A_179 = vector.shape_cast %swap3A_178 : vector<1x16xf32> to vector<16xf32>
      %swap3A_180 = vector.shape_cast %mul3A_175 : vector<16xf32> to vector<1x16xf32>
      tpu.vector_store %arg10[%swap3A_176, %swap3A_177], %swap3A_180 {strides = array<i32>} : memref<200x128xf32, #tpu.memory_space<vmem>>, vector<1x16xf32>,
      %get3A_181 = arith.index_cast %scan3A_110 : i32 to index
      %get3A_182 = arith.constant 96 : index
      %get3A_183 = tpu.vector_load %arg10[%get3A_181, %get3A_182] {strides = array<i32>} : memref<200x128xf32, #tpu.memory_space<vmem>>, vector<1x16xf32>,
      %get3A_184 = vector.shape_cast %get3A_183 : vector<1x16xf32> to vector<16xf32>
      %mul3A_185 = arith.constant 11.3137083 : f32
      %mul3A_186 = vector.broadcast %mul3A_185 : f32 to vector<16xf32>
      %mul3A_187 = arith.mulf %get3A_184, %mul3A_186 : vector<16xf32>
      %swap3A_188 = arith.index_cast %scan3A_110 : i32 to index
      %swap3A_189 = arith.constant 96 : index
      %swap3A_190 = tpu.vector_load %arg10[%swap3A_188, %swap3A_189] {strides = array<i32>} : memref<200x128xf32, #tpu.memory_space<vmem>>, vector<1x16xf32>,
      %swap3A_191 = vector.shape_cast %swap3A_190 : vector<1x16xf32> to vector<16xf32>
      %swap3A_192 = vector.shape_cast %mul3A_187 : vector<16xf32> to vector<1x16xf32>
      tpu.vector_store %arg10[%swap3A_188, %swap3A_189], %swap3A_192 {strides = array<i32>} : memref<200x128xf32, #tpu.memory_space<vmem>>, vector<1x16xf32>,
      %get3A_193 = arith.index_cast %scan3A_110 : i32 to index
      %get3A_194 = arith.constant 112 : index
      %get3A_195 = tpu.vector_load %arg10[%get3A_193, %get3A_194] {strides = array<i32>} : memref<200x128xf32, #tpu.memory_space<vmem>>, vector<1x16xf32>,
      %get3A_196 = vector.shape_cast %get3A_195 : vector<1x16xf32> to vector<16xf32>
      %mul3A_197 = arith.constant 11.3137083 : f32
      %mul3A_198 = vector.broadcast %mul3A_197 : f32 to vector<16xf32>
      %mul3A_199 = arith.mulf %get3A_196, %mul3A_198 : vector<16xf32>
      %swap3A_200 = arith.index_cast %scan3A_110 : i32 to index
      %swap3A_201 = arith.constant 112 : index
      %swap3A_202 = tpu.vector_load %arg10[%swap3A_200, %swap3A_201] {strides = array<i32>} : memref<200x128xf32, #tpu.memory_space<vmem>>, vector<1x16xf32>,
      %swap3A_203 = vector.shape_cast %swap3A_202 : vector<1x16xf32> to vector<16xf32>
      %swap3A_204 = vector.shape_cast %mul3A_199 : vector<16xf32> to vector<1x16xf32>
      tpu.vector_store %arg10[%swap3A_200, %swap3A_201], %swap3A_204 {strides = array<i32>} : memref<200x128xf32, #tpu.memory_space<vmem>>, vector<1x16xf32>,
    }
    %scan3A_9 = arith.constant 64 : i32
    "tpu.region"() ({
      %run_scoped3A = tpu.sem_alloc : memref<!tpu.dma_semaphore, #tpu.memory_space<semaphore_mem>>
      %dma_start3A_110 = arith.constant 0 : i32
      %dma_start3A_111 = arith.constant 0 : i32
      %dma_start3A_112 = tpu.memref_slice %arg10[%dma_start3A_110, %dma_start3A_111] : memref<200x128xf32, #tpu.memory_space<vmem>> -> memref<64x128xf32, #tpu.memory_space<vmem>>
      %dma_start3A_113 = arith.constant 0 : i32
      %dma_start3A_114 = tpu.memref_slice %arg15[%mul3A_4, %dma_start3A_113] : memref<1024x128xf32, #tpu.memory_space<vmem_shared>> -> memref<64x128xf32, #tpu.memory_space<vmem_shared>>
      %dma_start3A_115 = arith.constant 0 : i32
      %dma_start3A_116 = tpu.memref_slice %arg15[%mul3A_4, %dma_start3A_115] : memref<1024x128xf32, #tpu.memory_space<vmem_shared>> -> memref<64x128xf32, #tpu.memory_space<vmem_shared>>
      %dma_start3A_117 = arith.constant 0 : i32
      %dma_start3A_118 = arith.constant 0 : i32
      %dma_start3A_119 = tpu.memref_slice %arg10[%dma_start3A_117, %dma_start3A_118] : memref<200x128xf32, #tpu.memory_space<vmem>> -> memref<64x128xf32, #tpu.memory_space<vmem>>
      tpu.enqueue_dma source(%dma_start3A_119 : memref<64x128xf32, #tpu.memory_space<vmem>>) target(%dma_start3A_116 : memref<64x128xf32, #tpu.memory_space<vmem_shared>>) target_semaphore(%run_scoped3A : memref<!tpu.dma_semaphore, #tpu.memory_space<semaphore_mem>>)
      %dma_wait3A_120 = arith.constant 0 : i32
      %dma_wait3A_121 = arith.constant 0 : i32
      %dma_wait3A_122 = tpu.memref_slice %arg10[%dma_wait3A_120, %dma_wait3A_121] : memref<200x128xf32, #tpu.memory_space<vmem>> -> memref<64x128xf32, #tpu.memory_space<vmem>>
      %dma_wait3A_123 = arith.constant 0 : i32
      %dma_wait3A_124 = tpu.memref_slice %arg15[%mul3A_4, %dma_wait3A_123] : memref<1024x128xf32, #tpu.memory_space<vmem_shared>> -> memref<64x128xf32, #tpu.memory_space<vmem_shared>>
      %dma_wait3A_125 = arith.constant 0 : i32
      %dma_wait3A_126 = tpu.memref_slice %arg15[%mul3A_4, %dma_wait3A_125] : memref<1024x128xf32, #tpu.memory_space<vmem_shared>> -> memref<64x128xf32, #tpu.memory_space<vmem_shared>>
      %dma_wait3A_127 = arith.constant 0 : i32
      %dma_wait3A_128 = arith.constant 0 : i32
      %dma_wait3A_129 = tpu.memref_slice %arg10[%dma_wait3A_127, %dma_wait3A_128] : memref<200x128xf32, #tpu.memory_space<vmem>> -> memref<64x128xf32, #tpu.memory_space<vmem>>
      tpu.wait_dma2 semaphore(%run_scoped3A : memref<!tpu.dma_semaphore, #tpu.memory_space<semaphore_mem>>) src(%dma_wait3A_129 : memref<64x128xf32, #tpu.memory_space<vmem>>) dst(%dma_wait3A_126 : memref<64x128xf32, #tpu.memory_space<vmem_shared>>)
      tpu.yield
    }) : () -> ()
    "tpu.region"() ({
      %run_scoped3A = tpu.sem_alloc : memref<!tpu.dma_semaphore, #tpu.memory_space<semaphore_mem>>
      tpu.enqueue_dma source(%arg4 : memref<200x128xf32, #tpu.memory_space<hbm>>) target(%arg13 : memref<200x128xf32, #tpu.memory_space<vmem>>) target_semaphore(%run_scoped3A : memref<!tpu.dma_semaphore, #tpu.memory_space<semaphore_mem>>)
      tpu.wait_dma2 semaphore(%run_scoped3A : memref<!tpu.dma_semaphore, #tpu.memory_space<semaphore_mem>>) src(%arg4 : memref<200x128xf32, #tpu.memory_space<hbm>>) dst(%arg13 : memref<200x128xf32, #tpu.memory_space<vmem>>)
      tpu.yield
    }) : () -> ()
    "tpu.region"() ({
      %run_scoped3A = tpu.sem_alloc : memref<!tpu.dma_semaphore, #tpu.memory_space<semaphore_mem>>
      tpu.enqueue_dma source(%arg5 : memref<40xi32, #tpu.memory_space<hbm>>) target(%arg14 : memref<40xi32, #tpu.memory_space<vmem>>) target_semaphore(%run_scoped3A : memref<!tpu.dma_semaphore, #tpu.memory_space<semaphore_mem>>)
      tpu.wait_dma2 semaphore(%run_scoped3A : memref<!tpu.dma_semaphore, #tpu.memory_space<semaphore_mem>>) src(%arg5 : memref<40xi32, #tpu.memory_space<hbm>>) dst(%arg14 : memref<40xi32, #tpu.memory_space<vmem>>)
      tpu.yield
    }) : () -> ()
    %eq3A = arith.constant 0 : i32
    %eq3A_10 = arith.cmpi eq, %arg1, %eq3A : i32
    %convert_element_type3A = arith.extui %eq3A_10 : i1 to i32
    %cond3A = arith.constant 0 : i32
    %cond3A_11 = arith.cmpi ne, %convert_element_type3A, %cond3A : i32
    scf.if %cond3A_11 {
      "tpu.region"() ({
        %run_scoped3A = tpu.sem_alloc : memref<!tpu.dma_semaphore, #tpu.memory_space<semaphore_mem>>
        tpu.enqueue_dma source(%arg13 : memref<200x128xf32, #tpu.memory_space<vmem>>) target(%arg16 : memref<200x128xf32, #tpu.memory_space<vmem_shared>>) target_semaphore(%run_scoped3A : memref<!tpu.dma_semaphore, #tpu.memory_space<semaphore_mem>>)
        tpu.wait_dma2 semaphore(%run_scoped3A : memref<!tpu.dma_semaphore, #tpu.memory_space<semaphore_mem>>) src(%arg13 : memref<200x128xf32, #tpu.memory_space<vmem>>) dst(%arg16 : memref<200x128xf32, #tpu.memory_space<vmem_shared>>)
        tpu.yield
      }) : () -> ()
    } else {
    }
    %barrier3A = arith.constant 0 : index
    tpu.barrier barrier_id(%barrier3A)
    "tpu.region"() ({
      %run_scoped3A = tpu.sem_alloc : memref<!tpu.dma_semaphore, #tpu.memory_space<semaphore_mem>>
      %dma_start3A_110 = tpu.memref_slice %arg2[%mul3A_2] : memref<819200xi32, #tpu.memory_space<hbm>> -> memref<200xi32, #tpu.memory_space<hbm>>
      %dma_start3A_111 = tpu.memref_slice %arg2[%mul3A_2] : memref<819200xi32, #tpu.memory_space<hbm>> -> memref<200xi32, #tpu.memory_space<hbm>>
      tpu.enqueue_dma source(%dma_start3A_111 : memref<200xi32, #tpu.memory_space<hbm>>) target(%arg7 : memref<200xi32, #tpu.memory_space<vmem>>) target_semaphore(%run_scoped3A : memref<!tpu.dma_semaphore, #tpu.memory_space<semaphore_mem>>)
      %dma_wait3A_112 = tpu.memref_slice %arg2[%mul3A_2] : memref<819200xi32, #tpu.memory_space<hbm>> -> memref<200xi32, #tpu.memory_space<hbm>>
      %dma_wait3A_113 = tpu.memref_slice %arg2[%mul3A_2] : memref<819200xi32, #tpu.memory_space<hbm>> -> memref<200xi32, #tpu.memory_space<hbm>>
      tpu.wait_dma2 semaphore(%run_scoped3A : memref<!tpu.dma_semaphore, #tpu.memory_space<semaphore_mem>>) src(%dma_wait3A_113 : memref<200xi32, #tpu.memory_space<hbm>>) dst(%arg7 : memref<200xi32, #tpu.memory_space<vmem>>)
      tpu.yield
    }) : () -> ()
    %dma_start3A = arith.constant 0 : i32
    %dma_start3A_12 = arith.constant 0 : i32
    %dma_start3A_13 = tpu.memref_slice %arg10[%dma_start3A, %dma_start3A_12] : memref<200x128xf32, #tpu.memory_space<vmem>> -> memref<128x128xf32, #tpu.memory_space<vmem>>
    %dma_start3A_14 = arith.constant 0 : i32
    %dma_start3A_15 = tpu.memref_slice %arg7[%dma_start3A_14] : memref<200xi32, #tpu.memory_space<vmem>> -> memref<128xi32, #tpu.memory_space<vmem>>
    %dma_start3A_16 = arith.constant 0 : i32
    %dma_start3A_17 = arith.constant 0 : i32
    %dma_start3A_18 = tpu.memref_slice %arg15[%dma_start3A_16, %dma_start3A_17] : memref<1024x128xf32, #tpu.memory_space<vmem_shared>> -> memref<1024x128xf32, #tpu.memory_space<vmem_shared>>
    tpu.enqueue_indirect_dma source(%dma_start3A_18 : memref<1024x128xf32, #tpu.memory_space<vmem_shared>>) target(%dma_start3A_13 : memref<128x128xf32, #tpu.memory_space<vmem>>) offsets(%dma_start3A_15 : memref<128xi32, #tpu.memory_space<vmem>>) semaphore(%arg17 : memref<!tpu.dma_semaphore, #tpu.memory_space<semaphore_mem>>)
    %dma_start3A_19 = arith.constant 128 : i32
    %dma_start3A_20 = arith.constant 0 : i32
    %dma_start3A_21 = tpu.memref_slice %arg10[%dma_start3A_19, %dma_start3A_20] : memref<200x128xf32, #tpu.memory_space<vmem>> -> memref<72x128xf32, #tpu.memory_space<vmem>>
    %dma_start3A_22 = arith.constant 128 : i32
    %dma_start3A_23 = tpu.memref_slice %arg7[%dma_start3A_22] : memref<200xi32, #tpu.memory_space<vmem>> -> memref<72xi32, #tpu.memory_space<vmem>>
    %dma_start3A_24 = arith.constant 0 : i32
    %dma_start3A_25 = arith.constant 0 : i32
    %dma_start3A_26 = tpu.memref_slice %arg15[%dma_start3A_24, %dma_start3A_25] : memref<1024x128xf32, #tpu.memory_space<vmem_shared>> -> memref<1024x128xf32, #tpu.memory_space<vmem_shared>>
    tpu.enqueue_indirect_dma source(%dma_start3A_26 : memref<1024x128xf32, #tpu.memory_space<vmem_shared>>) target(%dma_start3A_21 : memref<72x128xf32, #tpu.memory_space<vmem>>) offsets(%dma_start3A_23 : memref<72xi32, #tpu.memory_space<vmem>>) semaphore(%arg17 : memref<!tpu.dma_semaphore, #tpu.memory_space<semaphore_mem>>)
    %add3A_27 = arith.constant 200 : i32
    %add3A_28 = arith.addi %mul3A_2, %add3A_27 : i32
    %dma_start3A_29 = tpu.memref_slice %arg2[%add3A_28] : memref<819200xi32, #tpu.memory_space<hbm>> -> memref<200xi32, #tpu.memory_space<hbm>>
    %dma_start3A_30 = tpu.memref_slice %arg2[%add3A_28] : memref<819200xi32, #tpu.memory_space<hbm>> -> memref<200xi32, #tpu.memory_space<hbm>>
    tpu.enqueue_dma source(%dma_start3A_30 : memref<200xi32, #tpu.memory_space<hbm>>) target(%arg8 : memref<200xi32, #tpu.memory_space<vmem>>) target_semaphore(%arg24 : memref<!tpu.dma_semaphore, #tpu.memory_space<semaphore_mem>>)
    %scan3A_31 = arith.constant 0 : i32
    %scan3A_32 = arith.constant 0 : i32
    %scan3A_33 = arith.constant 42 : i32
    %scan3A_34 = arith.addi %scan3A_32, %scan3A_33 : i32
    %scan3A_35 = arith.constant 1 : i32
    scf.for %scan3A_110 = %scan3A_32 to %scan3A_34 step %scan3A_35  : i32 {
      %mul3A_111 = arith.constant 3 : i32
      %mul3A_112 = arith.muli %mul3A_111, %scan3A_110 : i32
      %add3A_113 = arith.constant 0 : i32
      %add3A_114 = arith.addi %mul3A_112, %add3A_113 : i32
      %add3A_115 = arith.constant 1 : i32
      %add3A_116 = arith.addi %add3A_114, %add3A_115 : i32
      %lt3A = arith.constant 128 : i32
      %lt3A_117 = arith.cmpi slt, %add3A_116, %lt3A : i32
      %convert_element_type3A_118 = arith.extui %lt3A_117 : i1 to i32
      %cond3A_119 = arith.constant 0 : i32
      %cond3A_120 = arith.cmpi ne, %convert_element_type3A_118, %cond3A_119 : i32
      scf.if %cond3A_120 {
        %dma_wait3A_221 = arith.constant 0 : i32
        %dma_wait3A_222 = tpu.memref_slice %arg2[%dma_wait3A_221] : memref<819200xi32, #tpu.memory_space<hbm>> -> memref<200xi32, #tpu.memory_space<hbm>>
        %dma_wait3A_223 = arith.constant 0 : i32
        %dma_wait3A_224 = tpu.memref_slice %arg2[%dma_wait3A_223] : memref<819200xi32, #tpu.memory_space<hbm>> -> memref<200xi32, #tpu.memory_space<hbm>>
        tpu.wait_dma2 semaphore(%arg24 : memref<!tpu.dma_semaphore, #tpu.memory_space<semaphore_mem>>) src(%dma_wait3A_224 : memref<200xi32, #tpu.memory_space<hbm>>) dst(%arg8 : memref<200xi32, #tpu.memory_space<vmem>>)
        %ge3A = arith.constant 2 : i32
        %ge3A_225 = arith.cmpi sge, %add3A_114, %ge3A : i32
        %convert_element_type3A_226 = arith.extui %ge3A_225 : i1 to i32
        %cond3A_227 = arith.constant 0 : i32
        %cond3A_228 = arith.cmpi ne, %convert_element_type3A_226, %cond3A_227 : i32
        scf.if %cond3A_228 {
          %dma_wait3A_245 = arith.constant 0 : i32
          %dma_wait3A_246 = arith.constant 0 : i32
          %dma_wait3A_247 = tpu.memref_slice %arg6[%dma_wait3A_245, %dma_wait3A_246] : memref<819200x128xf32, #tpu.memory_space<hbm>> -> memref<200x128xf32, #tpu.memory_space<hbm>>
          %dma_wait3A_248 = arith.constant 0 : i32
          %dma_wait3A_249 = arith.constant 0 : i32
          %dma_wait3A_250 = tpu.memref_slice %arg6[%dma_wait3A_248, %dma_wait3A_249] : memref<819200x128xf32, #tpu.memory_space<hbm>> -> memref<200x128xf32, #tpu.memory_space<hbm>>
          tpu.wait_dma2 semaphore(%arg21 : memref<!tpu.dma_semaphore, #tpu.memory_space<semaphore_mem>>) src(%arg11 : memref<200x128xf32, #tpu.memory_space<vmem>>) dst(%dma_wait3A_250 : memref<200x128xf32, #tpu.memory_space<hbm>>)
        } else {
        }
        %dma_start3A_229 = arith.constant 0 : i32
        %dma_start3A_230 = arith.constant 0 : i32
        %dma_start3A_231 = tpu.memref_slice %arg11[%dma_start3A_229, %dma_start3A_230] : memref<200x128xf32, #tpu.memory_space<vmem>> -> memref<128x128xf32, #tpu.memory_space<vmem>>
        %dma_start3A_232 = arith.constant 0 : i32
        %dma_start3A_233 = tpu.memref_slice %arg8[%dma_start3A_232] : memref<200xi32, #tpu.memory_space<vmem>> -> memref<128xi32, #tpu.memory_space<vmem>>
        %dma_start3A_234 = arith.constant 0 : i32
        %dma_start3A_235 = arith.constant 0 : i32
        %dma_start3A_236 = tpu.memref_slice %arg15[%dma_start3A_234, %dma_start3A_235] : memref<1024x128xf32, #tpu.memory_space<vmem_shared>> -> memref<1024x128xf32, #tpu.memory_space<vmem_shared>>
        tpu.enqueue_indirect_dma source(%dma_start3A_236 : memref<1024x128xf32, #tpu.memory_space<vmem_shared>>) target(%dma_start3A_231 : memref<128x128xf32, #tpu.memory_space<vmem>>) offsets(%dma_start3A_233 : memref<128xi32, #tpu.memory_space<vmem>>) semaphore(%arg18 : memref<!tpu.dma_semaphore, #tpu.memory_space<semaphore_mem>>)
        %dma_start3A_237 = arith.constant 128 : i32
        %dma_start3A_238 = arith.constant 0 : i32
        %dma_start3A_239 = tpu.memref_slice %arg11[%dma_start3A_237, %dma_start3A_238] : memref<200x128xf32, #tpu.memory_space<vmem>> -> memref<72x128xf32, #tpu.memory_space<vmem>>
        %dma_start3A_240 = arith.constant 128 : i32
        %dma_start3A_241 = tpu.memref_slice %arg8[%dma_start3A_240] : memref<200xi32, #tpu.memory_space<vmem>> -> memref<72xi32, #tpu.memory_space<vmem>>
        %dma_start3A_242 = arith.constant 0 : i32
        %dma_start3A_243 = arith.constant 0 : i32
        %dma_start3A_244 = tpu.memref_slice %arg15[%dma_start3A_242, %dma_start3A_243] : memref<1024x128xf32, #tpu.memory_space<vmem_shared>> -> memref<1024x128xf32, #tpu.memory_space<vmem_shared>>
        tpu.enqueue_indirect_dma source(%dma_start3A_244 : memref<1024x128xf32, #tpu.memory_space<vmem_shared>>) target(%dma_start3A_239 : memref<72x128xf32, #tpu.memory_space<vmem>>) offsets(%dma_start3A_241 : memref<72xi32, #tpu.memory_space<vmem>>) semaphore(%arg18 : memref<!tpu.dma_semaphore, #tpu.memory_space<semaphore_mem>>)
      } else {
      }
      %add3A_121 = arith.constant 2 : i32
      %add3A_122 = arith.addi %add3A_114, %add3A_121 : i32
      %lt3A_123 = arith.constant 128 : i32
      %lt3A_124 = arith.cmpi slt, %add3A_122, %lt3A_123 : i32
      %convert_element_type3A_125 = arith.extui %lt3A_124 : i1 to i32
      %cond3A_126 = arith.constant 0 : i32
      %cond3A_127 = arith.cmpi ne, %convert_element_type3A_125, %cond3A_126 : i32
      scf.if %cond3A_127 {
        %add3A_221 = arith.constant 2 : i32
        %add3A_222 = arith.addi %add3A_114, %add3A_221 : i32
        %mul3A_223 = arith.constant 200 : i32
        %mul3A_224 = arith.muli %add3A_222, %mul3A_223 : i32
        %add3A_225 = arith.addi %mul3A_2, %mul3A_224 : i32
        %dma_start3A_226 = tpu.memref_slice %arg2[%add3A_225] : memref<819200xi32, #tpu.memory_space<hbm>> -> memref<200xi32, #tpu.memory_space<hbm>>
        %dma_start3A_227 = tpu.memref_slice %arg2[%add3A_225] : memref<819200xi32, #tpu.memory_space<hbm>> -> memref<200xi32, #tpu.memory_space<hbm>>
        tpu.enqueue_dma source(%dma_start3A_227 : memref<200xi32, #tpu.memory_space<hbm>>) target(%arg9 : memref<200xi32, #tpu.memory_space<vmem>>) target_semaphore(%arg25 : memref<!tpu.dma_semaphore, #tpu.memory_space<semaphore_mem>>)
      } else {
      }
      %dma_wait3A_128 = arith.constant 0 : i32
      %dma_wait3A_129 = arith.constant 0 : i32
      %dma_wait3A_130 = tpu.memref_slice %arg3[%dma_wait3A_128, %dma_wait3A_129] : memref<1024x128xf32, #tpu.memory_space<hbm>> -> memref<200x128xf32, #tpu.memory_space<hbm>>
      %dma_wait3A_131 = arith.constant 0 : i32
      %dma_wait3A_132 = arith.constant 0 : i32
      %dma_wait3A_133 = tpu.memref_slice %arg3[%dma_wait3A_131, %dma_wait3A_132] : memref<1024x128xf32, #tpu.memory_space<hbm>> -> memref<200x128xf32, #tpu.memory_space<hbm>>
      tpu.wait_dma2 semaphore(%arg17 : memref<!tpu.dma_semaphore, #tpu.memory_space<semaphore_mem>>) src(%dma_wait3A_133 : memref<200x128xf32, #tpu.memory_space<hbm>>) dst(%arg10 : memref<200x128xf32, #tpu.memory_space<vmem>>)
      %scan3A_134 = arith.constant 0 : i32
      %scan3A_135 = arith.constant 0 : i32
      %scan3A_136 = arith.constant 200 : i32
      %scan3A_137 = arith.addi %scan3A_135, %scan3A_136 : i32
      %scan3A_138 = arith.constant 4 : i32
      scf.for %scan3A_221 = %scan3A_135 to %scan3A_137 step %scan3A_138  : i32 {
        %get3A = arith.index_cast %scan3A_221 : i32 to index
        %get3A_222 = arith.constant 0 : index
        %get3A_223 = tpu.vector_load %arg13[%get3A, %get3A_222] {strides = array<i32>} : memref<200x128xf32, #tpu.memory_space<vmem>>, vector<1x16xf32>,
        %get3A_224 = vector.shape_cast %get3A_223 : vector<1x16xf32> to vector<16xf32>
        %swap3A = arith.index_cast %scan3A_221 : i32 to index
        %swap3A_225 = arith.constant 0 : index
        %swap3A_226 = tpu.vector_load %arg10[%swap3A, %swap3A_225] {strides = array<i32>} : memref<200x128xf32, #tpu.memory_space<vmem>>, vector<1x16xf32>,
        %swap3A_227 = vector.shape_cast %swap3A_226 : vector<1x16xf32> to vector<16xf32>
        %swap3A_228 = vector.shape_cast %get3A_224 : vector<16xf32> to vector<1x16xf32>
        tpu.vector_store %arg10[%swap3A, %swap3A_225], %swap3A_228 {add = true, strides = array<i32>} : memref<200x128xf32, #tpu.memory_space<vmem>>, vector<1x16xf32>,
        %get3A_229 = arith.index_cast %scan3A_221 : i32 to index
        %get3A_230 = arith.constant 16 : index
        %get3A_231 = tpu.vector_load %arg13[%get3A_229, %get3A_230] {strides = array<i32>} : memref<200x128xf32, #tpu.memory_space<vmem>>, vector<1x16xf32>,
        %get3A_232 = vector.shape_cast %get3A_231 : vector<1x16xf32> to vector<16xf32>
        %swap3A_233 = arith.index_cast %scan3A_221 : i32 to index
        %swap3A_234 = arith.constant 16 : index
        %swap3A_235 = tpu.vector_load %arg10[%swap3A_233, %swap3A_234] {strides = array<i32>} : memref<200x128xf32, #tpu.memory_space<vmem>>, vector<1x16xf32>,
        %swap3A_236 = vector.shape_cast %swap3A_235 : vector<1x16xf32> to vector<16xf32>
        %swap3A_237 = vector.shape_cast %get3A_232 : vector<16xf32> to vector<1x16xf32>
        tpu.vector_store %arg10[%swap3A_233, %swap3A_234], %swap3A_237 {add = true, strides = array<i32>} : memref<200x128xf32, #tpu.memory_space<vmem>>, vector<1x16xf32>,
        %get3A_238 = arith.index_cast %scan3A_221 : i32 to index
        %get3A_239 = arith.constant 32 : index
        %get3A_240 = tpu.vector_load %arg13[%get3A_238, %get3A_239] {strides = array<i32>} : memref<200x128xf32, #tpu.memory_space<vmem>>, vector<1x16xf32>,
        %get3A_241 = vector.shape_cast %get3A_240 : vector<1x16xf32> to vector<16xf32>
        %swap3A_242 = arith.index_cast %scan3A_221 : i32 to index
        %swap3A_243 = arith.constant 32 : index
        %swap3A_244 = tpu.vector_load %arg10[%swap3A_242, %swap3A_243] {strides = array<i32>} : memref<200x128xf32, #tpu.memory_space<vmem>>, vector<1x16xf32>,
        %swap3A_245 = vector.shape_cast %swap3A_244 : vector<1x16xf32> to vector<16xf32>
        %swap3A_246 = vector.shape_cast %get3A_241 : vector<16xf32> to vector<1x16xf32>
        tpu.vector_store %arg10[%swap3A_242, %swap3A_243], %swap3A_246 {add = true, strides = array<i32>} : memref<200x128xf32, #tpu.memory_space<vmem>>, vector<1x16xf32>,
        %get3A_247 = arith.index_cast %scan3A_221 : i32 to index
        %get3A_248 = arith.constant 48 : index
        %get3A_249 = tpu.vector_load %arg13[%get3A_247, %get3A_248] {strides = array<i32>} : memref<200x128xf32, #tpu.memory_space<vmem>>, vector<1x16xf32>,
        %get3A_250 = vector.shape_cast %get3A_249 : vector<1x16xf32> to vector<16xf32>
        %swap3A_251 = arith.index_cast %scan3A_221 : i32 to index
        %swap3A_252 = arith.constant 48 : index
        %swap3A_253 = tpu.vector_load %arg10[%swap3A_251, %swap3A_252] {strides = array<i32>} : memref<200x128xf32, #tpu.memory_space<vmem>>, vector<1x16xf32>,
        %swap3A_254 = vector.shape_cast %swap3A_253 : vector<1x16xf32> to vector<16xf32>
        %swap3A_255 = vector.shape_cast %get3A_250 : vector<16xf32> to vector<1x16xf32>
        tpu.vector_store %arg10[%swap3A_251, %swap3A_252], %swap3A_255 {add = true, strides = array<i32>} : memref<200x128xf32, #tpu.memory_space<vmem>>, vector<1x16xf32>,
        %get3A_256 = arith.index_cast %scan3A_221 : i32 to index
        %get3A_257 = arith.constant 64 : index
        %get3A_258 = tpu.vector_load %arg13[%get3A_256, %get3A_257] {strides = array<i32>} : memref<200x128xf32, #tpu.memory_space<vmem>>, vector<1x16xf32>,
        %get3A_259 = vector.shape_cast %get3A_258 : vector<1x16xf32> to vector<16xf32>
        %swap3A_260 = arith.index_cast %scan3A_221 : i32 to index
        %swap3A_261 = arith.constant 64 : index
        %swap3A_262 = tpu.vector_load %arg10[%swap3A_260, %swap3A_261] {strides = array<i32>} : memref<200x128xf32, #tpu.memory_space<vmem>>, vector<1x16xf32>,
        %swap3A_263 = vector.shape_cast %swap3A_262 : vector<1x16xf32> to vector<16xf32>
        %swap3A_264 = vector.shape_cast %get3A_259 : vector<16xf32> to vector<1x16xf32>
        tpu.vector_store %arg10[%swap3A_260, %swap3A_261], %swap3A_264 {add = true, strides = array<i32>} : memref<200x128xf32, #tpu.memory_space<vmem>>, vector<1x16xf32>,
        %get3A_265 = arith.index_cast %scan3A_221 : i32 to index
        %get3A_266 = arith.constant 80 : index
        %get3A_267 = tpu.vector_load %arg13[%get3A_265, %get3A_266] {strides = array<i32>} : memref<200x128xf32, #tpu.memory_space<vmem>>, vector<1x16xf32>,
        %get3A_268 = vector.shape_cast %get3A_267 : vector<1x16xf32> to vector<16xf32>
        %swap3A_269 = arith.index_cast %scan3A_221 : i32 to index
        %swap3A_270 = arith.constant 80 : index
        %swap3A_271 = tpu.vector_load %arg10[%swap3A_269, %swap3A_270] {strides = array<i32>} : memref<200x128xf32, #tpu.memory_space<vmem>>, vector<1x16xf32>,
        %swap3A_272 = vector.shape_cast %swap3A_271 : vector<1x16xf32> to vector<16xf32>
        %swap3A_273 = vector.shape_cast %get3A_268 : vector<16xf32> to vector<1x16xf32>
        tpu.vector_store %arg10[%swap3A_269, %swap3A_270], %swap3A_273 {add = true, strides = array<i32>} : memref<200x128xf32, #tpu.memory_space<vmem>>, vector<1x16xf32>,
        %get3A_274 = arith.index_cast %scan3A_221 : i32 to index
        %get3A_275 = arith.constant 96 : index
        %get3A_276 = tpu.vector_load %arg13[%get3A_274, %get3A_275] {strides = array<i32>} : memref<200x128xf32, #tpu.memory_space<vmem>>, vector<1x16xf32>,
        %get3A_277 = vector.shape_cast %get3A_276 : vector<1x16xf32> to vector<16xf32>
        %swap3A_278 = arith.index_cast %scan3A_221 : i32 to index
        %swap3A_279 = arith.constant 96 : index
        %swap3A_280 = tpu.vector_load %arg10[%swap3A_278, %swap3A_279] {strides = array<i32>} : memref<200x128xf32, #tpu.memory_space<vmem>>, vector<1x16xf32>,
        %swap3A_281 = vector.shape_cast %swap3A_280 : vector<1x16xf32> to vector<16xf32>
        %swap3A_282 = vector.shape_cast %get3A_277 : vector<16xf32> to vector<1x16xf32>
        tpu.vector_store %arg10[%swap3A_278, %swap3A_279], %swap3A_282 {add = true, strides = array<i32>} : memref<200x128xf32, #tpu.memory_space<vmem>>, vector<1x16xf32>,
        %get3A_283 = arith.index_cast %scan3A_221 : i32 to index
        %get3A_284 = arith.constant 112 : index
        %get3A_285 = tpu.vector_load %arg13[%get3A_283, %get3A_284] {strides = array<i32>} : memref<200x128xf32, #tpu.memory_space<vmem>>, vector<1x16xf32>,
        %get3A_286 = vector.shape_cast %get3A_285 : vector<1x16xf32> to vector<16xf32>
        %swap3A_287 = arith.index_cast %scan3A_221 : i32 to index
        %swap3A_288 = arith.constant 112 : index
        %swap3A_289 = tpu.vector_load %arg10[%swap3A_287, %swap3A_288] {strides = array<i32>} : memref<200x128xf32, #tpu.memory_space<vmem>>, vector<1x16xf32>,
        %swap3A_290 = vector.shape_cast %swap3A_289 : vector<1x16xf32> to vector<16xf32>
        %swap3A_291 = vector.shape_cast %get3A_286 : vector<16xf32> to vector<1x16xf32>
        tpu.vector_store %arg10[%swap3A_287, %swap3A_288], %swap3A_291 {add = true, strides = array<i32>} : memref<200x128xf32, #tpu.memory_space<vmem>>, vector<1x16xf32>,
        %scan3A_292 = arith.constant 1 : i32
        %scan3A_293 = arith.addi %scan3A_221, %scan3A_292 : i32
        %get3A_294 = arith.index_cast %scan3A_293 : i32 to index
        %get3A_295 = arith.constant 0 : index
        %get3A_296 = tpu.vector_load %arg13[%get3A_294, %get3A_295] {strides = array<i32>} : memref<200x128xf32, #tpu.memory_space<vmem>>, vector<1x16xf32>,
        %get3A_297 = vector.shape_cast %get3A_296 : vector<1x16xf32> to vector<16xf32>
        %swap3A_298 = arith.index_cast %scan3A_293 : i32 to index
        %swap3A_299 = arith.constant 0 : index
        %swap3A_300 = tpu.vector_load %arg10[%swap3A_298, %swap3A_299] {strides = array<i32>} : memref<200x128xf32, #tpu.memory_space<vmem>>, vector<1x16xf32>,
        %swap3A_301 = vector.shape_cast %swap3A_300 : vector<1x16xf32> to vector<16xf32>
        %swap3A_302 = vector.shape_cast %get3A_297 : vector<16xf32> to vector<1x16xf32>
        tpu.vector_store %arg10[%swap3A_298, %swap3A_299], %swap3A_302 {add = true, strides = array<i32>} : memref<200x128xf32, #tpu.memory_space<vmem>>, vector<1x16xf32>,
        %get3A_303 = arith.index_cast %scan3A_293 : i32 to index
        %get3A_304 = arith.constant 16 : index
        %get3A_305 = tpu.vector_load %arg13[%get3A_303, %get3A_304] {strides = array<i32>} : memref<200x128xf32, #tpu.memory_space<vmem>>, vector<1x16xf32>,
        %get3A_306 = vector.shape_cast %get3A_305 : vector<1x16xf32> to vector<16xf32>
        %swap3A_307 = arith.index_cast %scan3A_293 : i32 to index
        %swap3A_308 = arith.constant 16 : index
        %swap3A_309 = tpu.vector_load %arg10[%swap3A_307, %swap3A_308] {strides = array<i32>} : memref<200x128xf32, #tpu.memory_space<vmem>>, vector<1x16xf32>,
        %swap3A_310 = vector.shape_cast %swap3A_309 : vector<1x16xf32> to vector<16xf32>
        %swap3A_311 = vector.shape_cast %get3A_306 : vector<16xf32> to vector<1x16xf32>
        tpu.vector_store %arg10[%swap3A_307, %swap3A_308], %swap3A_311 {add = true, strides = array<i32>} : memref<200x128xf32, #tpu.memory_space<vmem>>, vector<1x16xf32>,
        %get3A_312 = arith.index_cast %scan3A_293 : i32 to index
        %get3A_313 = arith.constant 32 : index
        %get3A_314 = tpu.vector_load %arg13[%get3A_312, %get3A_313] {strides = array<i32>} : memref<200x128xf32, #tpu.memory_space<vmem>>, vector<1x16xf32>,
        %get3A_315 = vector.shape_cast %get3A_314 : vector<1x16xf32> to vector<16xf32>
        %swap3A_316 = arith.index_cast %scan3A_293 : i32 to index
        %swap3A_317 = arith.constant 32 : index
        %swap3A_318 = tpu.vector_load %arg10[%swap3A_316, %swap3A_317] {strides = array<i32>} : memref<200x128xf32, #tpu.memory_space<vmem>>, vector<1x16xf32>,
        %swap3A_319 = vector.shape_cast %swap3A_318 : vector<1x16xf32> to vector<16xf32>
        %swap3A_320 = vector.shape_cast %get3A_315 : vector<16xf32> to vector<1x16xf32>
        tpu.vector_store %arg10[%swap3A_316, %swap3A_317], %swap3A_320 {add = true, strides = array<i32>} : memref<200x128xf32, #tpu.memory_space<vmem>>, vector<1x16xf32>,
        %get3A_321 = arith.index_cast %scan3A_293 : i32 to index
        %get3A_322 = arith.constant 48 : index
        %get3A_323 = tpu.vector_load %arg13[%get3A_321, %get3A_322] {strides = array<i32>} : memref<200x128xf32, #tpu.memory_space<vmem>>, vector<1x16xf32>,
        %get3A_324 = vector.shape_cast %get3A_323 : vector<1x16xf32> to vector<16xf32>
        %swap3A_325 = arith.index_cast %scan3A_293 : i32 to index
        %swap3A_326 = arith.constant 48 : index
        %swap3A_327 = tpu.vector_load %arg10[%swap3A_325, %swap3A_326] {strides = array<i32>} : memref<200x128xf32, #tpu.memory_space<vmem>>, vector<1x16xf32>,
        %swap3A_328 = vector.shape_cast %swap3A_327 : vector<1x16xf32> to vector<16xf32>
        %swap3A_329 = vector.shape_cast %get3A_324 : vector<16xf32> to vector<1x16xf32>
        tpu.vector_store %arg10[%swap3A_325, %swap3A_326], %swap3A_329 {add = true, strides = array<i32>} : memref<200x128xf32, #tpu.memory_space<vmem>>, vector<1x16xf32>,
        %get3A_330 = arith.index_cast %scan3A_293 : i32 to index
        %get3A_331 = arith.constant 64 : index
        %get3A_332 = tpu.vector_load %arg13[%get3A_330, %get3A_331] {strides = array<i32>} : memref<200x128xf32, #tpu.memory_space<vmem>>, vector<1x16xf32>,
        %get3A_333 = vector.shape_cast %get3A_332 : vector<1x16xf32> to vector<16xf32>
        %swap3A_334 = arith.index_cast %scan3A_293 : i32 to index
        %swap3A_335 = arith.constant 64 : index
        %swap3A_336 = tpu.vector_load %arg10[%swap3A_334, %swap3A_335] {strides = array<i32>} : memref<200x128xf32, #tpu.memory_space<vmem>>, vector<1x16xf32>,
        %swap3A_337 = vector.shape_cast %swap3A_336 : vector<1x16xf32> to vector<16xf32>
        %swap3A_338 = vector.shape_cast %get3A_333 : vector<16xf32> to vector<1x16xf32>
        tpu.vector_store %arg10[%swap3A_334, %swap3A_335], %swap3A_338 {add = true, strides = array<i32>} : memref<200x128xf32, #tpu.memory_space<vmem>>, vector<1x16xf32>,
        %get3A_339 = arith.index_cast %scan3A_293 : i32 to index
        %get3A_340 = arith.constant 80 : index
        %get3A_341 = tpu.vector_load %arg13[%get3A_339, %get3A_340] {strides = array<i32>} : memref<200x128xf32, #tpu.memory_space<vmem>>, vector<1x16xf32>,
        %get3A_342 = vector.shape_cast %get3A_341 : vector<1x16xf32> to vector<16xf32>
        %swap3A_343 = arith.index_cast %scan3A_293 : i32 to index
        %swap3A_344 = arith.constant 80 : index
        %swap3A_345 = tpu.vector_load %arg10[%swap3A_343, %swap3A_344] {strides = array<i32>} : memref<200x128xf32, #tpu.memory_space<vmem>>, vector<1x16xf32>,
        %swap3A_346 = vector.shape_cast %swap3A_345 : vector<1x16xf32> to vector<16xf32>
        %swap3A_347 = vector.shape_cast %get3A_342 : vector<16xf32> to vector<1x16xf32>
        tpu.vector_store %arg10[%swap3A_343, %swap3A_344], %swap3A_347 {add = true, strides = array<i32>} : memref<200x128xf32, #tpu.memory_space<vmem>>, vector<1x16xf32>,
        %get3A_348 = arith.index_cast %scan3A_293 : i32 to index
        %get3A_349 = arith.constant 96 : index
        %get3A_350 = tpu.vector_load %arg13[%get3A_348, %get3A_349] {strides = array<i32>} : memref<200x128xf32, #tpu.memory_space<vmem>>, vector<1x16xf32>,
        %get3A_351 = vector.shape_cast %get3A_350 : vector<1x16xf32> to vector<16xf32>
        %swap3A_352 = arith.index_cast %scan3A_293 : i32 to index
        %swap3A_353 = arith.constant 96 : index
        %swap3A_354 = tpu.vector_load %arg10[%swap3A_352, %swap3A_353] {strides = array<i32>} : memref<200x128xf32, #tpu.memory_space<vmem>>, vector<1x16xf32>,
        %swap3A_355 = vector.shape_cast %swap3A_354 : vector<1x16xf32> to vector<16xf32>
        %swap3A_356 = vector.shape_cast %get3A_351 : vector<16xf32> to vector<1x16xf32>
        tpu.vector_store %arg10[%swap3A_352, %swap3A_353], %swap3A_356 {add = true, strides = array<i32>} : memref<200x128xf32, #tpu.memory_space<vmem>>, vector<1x16xf32>,
        %get3A_357 = arith.index_cast %scan3A_293 : i32 to index
        %get3A_358 = arith.constant 112 : index
        %get3A_359 = tpu.vector_load %arg13[%get3A_357, %get3A_358] {strides = array<i32>} : memref<200x128xf32, #tpu.memory_space<vmem>>, vector<1x16xf32>,
        %get3A_360 = vector.shape_cast %get3A_359 : vector<1x16xf32> to vector<16xf32>
        %swap3A_361 = arith.index_cast %scan3A_293 : i32 to index
        %swap3A_362 = arith.constant 112 : index
        %swap3A_363 = tpu.vector_load %arg10[%swap3A_361, %swap3A_362] {strides = array<i32>} : memref<200x128xf32, #tpu.memory_space<vmem>>, vector<1x16xf32>,
        %swap3A_364 = vector.shape_cast %swap3A_363 : vector<1x16xf32> to vector<16xf32>
        %swap3A_365 = vector.shape_cast %get3A_360 : vector<16xf32> to vector<1x16xf32>
        tpu.vector_store %arg10[%swap3A_361, %swap3A_362], %swap3A_365 {add = true, strides = array<i32>} : memref<200x128xf32, #tpu.memory_space<vmem>>, vector<1x16xf32>,
        %scan3A_366 = arith.constant 2 : i32
        %scan3A_367 = arith.addi %scan3A_221, %scan3A_366 : i32
        %get3A_368 = arith.index_cast %scan3A_367 : i32 to index
        %get3A_369 = arith.constant 0 : index
        %get3A_370 = tpu.vector_load %arg13[%get3A_368, %get3A_369] {strides = array<i32>} : memref<200x128xf32, #tpu.memory_space<vmem>>, vector<1x16xf32>,
        %get3A_371 = vector.shape_cast %get3A_370 : vector<1x16xf32> to vector<16xf32>
        %swap3A_372 = arith.index_cast %scan3A_367 : i32 to index
        %swap3A_373 = arith.constant 0 : index
        %swap3A_374 = tpu.vector_load %arg10[%swap3A_372, %swap3A_373] {strides = array<i32>} : memref<200x128xf32, #tpu.memory_space<vmem>>, vector<1x16xf32>,
        %swap3A_375 = vector.shape_cast %swap3A_374 : vector<1x16xf32> to vector<16xf32>
        %swap3A_376 = vector.shape_cast %get3A_371 : vector<16xf32> to vector<1x16xf32>
        tpu.vector_store %arg10[%swap3A_372, %swap3A_373], %swap3A_376 {add = true, strides = array<i32>} : memref<200x128xf32, #tpu.memory_space<vmem>>, vector<1x16xf32>,
        %get3A_377 = arith.index_cast %scan3A_367 : i32 to index
        %get3A_378 = arith.constant 16 : index
        %get3A_379 = tpu.vector_load %arg13[%get3A_377, %get3A_378] {strides = array<i32>} : memref<200x128xf32, #tpu.memory_space<vmem>>, vector<1x16xf32>,
        %get3A_380 = vector.shape_cast %get3A_379 : vector<1x16xf32> to vector<16xf32>
        %swap3A_381 = arith.index_cast %scan3A_367 : i32 to index
        %swap3A_382 = arith.constant 16 : index
        %swap3A_383 = tpu.vector_load %arg10[%swap3A_381, %swap3A_382] {strides = array<i32>} : memref<200x128xf32, #tpu.memory_space<vmem>>, vector<1x16xf32>,
        %swap3A_384 = vector.shape_cast %swap3A_383 : vector<1x16xf32> to vector<16xf32>
        %swap3A_385 = vector.shape_cast %get3A_380 : vector<16xf32> to vector<1x16xf32>
        tpu.vector_store %arg10[%swap3A_381, %swap3A_382], %swap3A_385 {add = true, strides = array<i32>} : memref<200x128xf32, #tpu.memory_space<vmem>>, vector<1x16xf32>,
        %get3A_386 = arith.index_cast %scan3A_367 : i32 to index
        %get3A_387 = arith.constant 32 : index
        %get3A_388 = tpu.vector_load %arg13[%get3A_386, %get3A_387] {strides = array<i32>} : memref<200x128xf32, #tpu.memory_space<vmem>>, vector<1x16xf32>,
        %get3A_389 = vector.shape_cast %get3A_388 : vector<1x16xf32> to vector<16xf32>
        %swap3A_390 = arith.index_cast %scan3A_367 : i32 to index
        %swap3A_391 = arith.constant 32 : index
        %swap3A_392 = tpu.vector_load %arg10[%swap3A_390, %swap3A_391] {strides = array<i32>} : memref<200x128xf32, #tpu.memory_space<vmem>>, vector<1x16xf32>,
        %swap3A_393 = vector.shape_cast %swap3A_392 : vector<1x16xf32> to vector<16xf32>
        %swap3A_394 = vector.shape_cast %get3A_389 : vector<16xf32> to vector<1x16xf32>
        tpu.vector_store %arg10[%swap3A_390, %swap3A_391], %swap3A_394 {add = true, strides = array<i32>} : memref<200x128xf32, #tpu.memory_space<vmem>>, vector<1x16xf32>,
        %get3A_395 = arith.index_cast %scan3A_367 : i32 to index
        %get3A_396 = arith.constant 48 : index
        %get3A_397 = tpu.vector_load %arg13[%get3A_395, %get3A_396] {strides = array<i32>} : memref<200x128xf32, #tpu.memory_space<vmem>>, vector<1x16xf32>,
        %get3A_398 = vector.shape_cast %get3A_397 : vector<1x16xf32> to vector<16xf32>
        %swap3A_399 = arith.index_cast %scan3A_367 : i32 to index
        %swap3A_400 = arith.constant 48 : index
        %swap3A_401 = tpu.vector_load %arg10[%swap3A_399, %swap3A_400] {strides = array<i32>} : memref<200x128xf32, #tpu.memory_space<vmem>>, vector<1x16xf32>,
        %swap3A_402 = vector.shape_cast %swap3A_401 : vector<1x16xf32> to vector<16xf32>
        %swap3A_403 = vector.shape_cast %get3A_398 : vector<16xf32> to vector<1x16xf32>
        tpu.vector_store %arg10[%swap3A_399, %swap3A_400], %swap3A_403 {add = true, strides = array<i32>} : memref<200x128xf32, #tpu.memory_space<vmem>>, vector<1x16xf32>,
        %get3A_404 = arith.index_cast %scan3A_367 : i32 to index
        %get3A_405 = arith.constant 64 : index
        %get3A_406 = tpu.vector_load %arg13[%get3A_404, %get3A_405] {strides = array<i32>} : memref<200x128xf32, #tpu.memory_space<vmem>>, vector<1x16xf32>,
        %get3A_407 = vector.shape_cast %get3A_406 : vector<1x16xf32> to vector<16xf32>
        %swap3A_408 = arith.index_cast %scan3A_367 : i32 to index
        %swap3A_409 = arith.constant 64 : index
        %swap3A_410 = tpu.vector_load %arg10[%swap3A_408, %swap3A_409] {strides = array<i32>} : memref<200x128xf32, #tpu.memory_space<vmem>>, vector<1x16xf32>,
        %swap3A_411 = vector.shape_cast %swap3A_410 : vector<1x16xf32> to vector<16xf32>
        %swap3A_412 = vector.shape_cast %get3A_407 : vector<16xf32> to vector<1x16xf32>
        tpu.vector_store %arg10[%swap3A_408, %swap3A_409], %swap3A_412 {add = true, strides = array<i32>} : memref<200x128xf32, #tpu.memory_space<vmem>>, vector<1x16xf32>,
        %get3A_413 = arith.index_cast %scan3A_367 : i32 to index
        %get3A_414 = arith.constant 80 : index
        %get3A_415 = tpu.vector_load %arg13[%get3A_413, %get3A_414] {strides = array<i32>} : memref<200x128xf32, #tpu.memory_space<vmem>>, vector<1x16xf32>,
        %get3A_416 = vector.shape_cast %get3A_415 : vector<1x16xf32> to vector<16xf32>
        %swap3A_417 = arith.index_cast %scan3A_367 : i32 to index
        %swap3A_418 = arith.constant 80 : index
        %swap3A_419 = tpu.vector_load %arg10[%swap3A_417, %swap3A_418] {strides = array<i32>} : memref<200x128xf32, #tpu.memory_space<vmem>>, vector<1x16xf32>,
        %swap3A_420 = vector.shape_cast %swap3A_419 : vector<1x16xf32> to vector<16xf32>
        %swap3A_421 = vector.shape_cast %get3A_416 : vector<16xf32> to vector<1x16xf32>
        tpu.vector_store %arg10[%swap3A_417, %swap3A_418], %swap3A_421 {add = true, strides = array<i32>} : memref<200x128xf32, #tpu.memory_space<vmem>>, vector<1x16xf32>,
        %get3A_422 = arith.index_cast %scan3A_367 : i32 to index
        %get3A_423 = arith.constant 96 : index
        %get3A_424 = tpu.vector_load %arg13[%get3A_422, %get3A_423] {strides = array<i32>} : memref<200x128xf32, #tpu.memory_space<vmem>>, vector<1x16xf32>,
        %get3A_425 = vector.shape_cast %get3A_424 : vector<1x16xf32> to vector<16xf32>
        %swap3A_426 = arith.index_cast %scan3A_367 : i32 to index
        %swap3A_427 = arith.constant 96 : index
        %swap3A_428 = tpu.vector_load %arg10[%swap3A_426, %swap3A_427] {strides = array<i32>} : memref<200x128xf32, #tpu.memory_space<vmem>>, vector<1x16xf32>,
        %swap3A_429 = vector.shape_cast %swap3A_428 : vector<1x16xf32> to vector<16xf32>
        %swap3A_430 = vector.shape_cast %get3A_425 : vector<16xf32> to vector<1x16xf32>
        tpu.vector_store %arg10[%swap3A_426, %swap3A_427], %swap3A_430 {add = true, strides = array<i32>} : memref<200x128xf32, #tpu.memory_space<vmem>>, vector<1x16xf32>,
        %get3A_431 = arith.index_cast %scan3A_367 : i32 to index
        %get3A_432 = arith.constant 112 : index
        %get3A_433 = tpu.vector_load %arg13[%get3A_431, %get3A_432] {strides = array<i32>} : memref<200x128xf32, #tpu.memory_space<vmem>>, vector<1x16xf32>,
        %get3A_434 = vector.shape_cast %get3A_433 : vector<1x16xf32> to vector<16xf32>
        %swap3A_435 = arith.index_cast %scan3A_367 : i32 to index
        %swap3A_436 = arith.constant 112 : index
        %swap3A_437 = tpu.vector_load %arg10[%swap3A_435, %swap3A_436] {strides = array<i32>} : memref<200x128xf32, #tpu.memory_space<vmem>>, vector<1x16xf32>,
        %swap3A_438 = vector.shape_cast %swap3A_437 : vector<1x16xf32> to vector<16xf32>
        %swap3A_439 = vector.shape_cast %get3A_434 : vector<16xf32> to vector<1x16xf32>
        tpu.vector_store %arg10[%swap3A_435, %swap3A_436], %swap3A_439 {add = true, strides = array<i32>} : memref<200x128xf32, #tpu.memory_space<vmem>>, vector<1x16xf32>,
        %scan3A_440 = arith.constant 3 : i32
        %scan3A_441 = arith.addi %scan3A_221, %scan3A_440 : i32
        %get3A_442 = arith.index_cast %scan3A_441 : i32 to index
        %get3A_443 = arith.constant 0 : index
        %get3A_444 = tpu.vector_load %arg13[%get3A_442, %get3A_443] {strides = array<i32>} : memref<200x128xf32, #tpu.memory_space<vmem>>, vector<1x16xf32>,
        %get3A_445 = vector.shape_cast %get3A_444 : vector<1x16xf32> to vector<16xf32>
        %swap3A_446 = arith.index_cast %scan3A_441 : i32 to index
        %swap3A_447 = arith.constant 0 : index
        %swap3A_448 = tpu.vector_load %arg10[%swap3A_446, %swap3A_447] {strides = array<i32>} : memref<200x128xf32, #tpu.memory_space<vmem>>, vector<1x16xf32>,
        %swap3A_449 = vector.shape_cast %swap3A_448 : vector<1x16xf32> to vector<16xf32>
        %swap3A_450 = vector.shape_cast %get3A_445 : vector<16xf32> to vector<1x16xf32>
        tpu.vector_store %arg10[%swap3A_446, %swap3A_447], %swap3A_450 {add = true, strides = array<i32>} : memref<200x128xf32, #tpu.memory_space<vmem>>, vector<1x16xf32>,
        %get3A_451 = arith.index_cast %scan3A_441 : i32 to index
        %get3A_452 = arith.constant 16 : index
        %get3A_453 = tpu.vector_load %arg13[%get3A_451, %get3A_452] {strides = array<i32>} : memref<200x128xf32, #tpu.memory_space<vmem>>, vector<1x16xf32>,
        %get3A_454 = vector.shape_cast %get3A_453 : vector<1x16xf32> to vector<16xf32>
        %swap3A_455 = arith.index_cast %scan3A_441 : i32 to index
        %swap3A_456 = arith.constant 16 : index
        %swap3A_457 = tpu.vector_load %arg10[%swap3A_455, %swap3A_456] {strides = array<i32>} : memref<200x128xf32, #tpu.memory_space<vmem>>, vector<1x16xf32>,
        %swap3A_458 = vector.shape_cast %swap3A_457 : vector<1x16xf32> to vector<16xf32>
        %swap3A_459 = vector.shape_cast %get3A_454 : vector<16xf32> to vector<1x16xf32>
        tpu.vector_store %arg10[%swap3A_455, %swap3A_456], %swap3A_459 {add = true, strides = array<i32>} : memref<200x128xf32, #tpu.memory_space<vmem>>, vector<1x16xf32>,
        %get3A_460 = arith.index_cast %scan3A_441 : i32 to index
        %get3A_461 = arith.constant 32 : index
        %get3A_462 = tpu.vector_load %arg13[%get3A_460, %get3A_461] {strides = array<i32>} : memref<200x128xf32, #tpu.memory_space<vmem>>, vector<1x16xf32>,
        %get3A_463 = vector.shape_cast %get3A_462 : vector<1x16xf32> to vector<16xf32>
        %swap3A_464 = arith.index_cast %scan3A_441 : i32 to index
        %swap3A_465 = arith.constant 32 : index
        %swap3A_466 = tpu.vector_load %arg10[%swap3A_464, %swap3A_465] {strides = array<i32>} : memref<200x128xf32, #tpu.memory_space<vmem>>, vector<1x16xf32>,
        %swap3A_467 = vector.shape_cast %swap3A_466 : vector<1x16xf32> to vector<16xf32>
        %swap3A_468 = vector.shape_cast %get3A_463 : vector<16xf32> to vector<1x16xf32>
        tpu.vector_store %arg10[%swap3A_464, %swap3A_465], %swap3A_468 {add = true, strides = array<i32>} : memref<200x128xf32, #tpu.memory_space<vmem>>, vector<1x16xf32>,
        %get3A_469 = arith.index_cast %scan3A_441 : i32 to index
        %get3A_470 = arith.constant 48 : index
        %get3A_471 = tpu.vector_load %arg13[%get3A_469, %get3A_470] {strides = array<i32>} : memref<200x128xf32, #tpu.memory_space<vmem>>, vector<1x16xf32>,
        %get3A_472 = vector.shape_cast %get3A_471 : vector<1x16xf32> to vector<16xf32>
        %swap3A_473 = arith.index_cast %scan3A_441 : i32 to index
        %swap3A_474 = arith.constant 48 : index
        %swap3A_475 = tpu.vector_load %arg10[%swap3A_473, %swap3A_474] {strides = array<i32>} : memref<200x128xf32, #tpu.memory_space<vmem>>, vector<1x16xf32>,
        %swap3A_476 = vector.shape_cast %swap3A_475 : vector<1x16xf32> to vector<16xf32>
        %swap3A_477 = vector.shape_cast %get3A_472 : vector<16xf32> to vector<1x16xf32>
        tpu.vector_store %arg10[%swap3A_473, %swap3A_474], %swap3A_477 {add = true, strides = array<i32>} : memref<200x128xf32, #tpu.memory_space<vmem>>, vector<1x16xf32>,
        %get3A_478 = arith.index_cast %scan3A_441 : i32 to index
        %get3A_479 = arith.constant 64 : index
        %get3A_480 = tpu.vector_load %arg13[%get3A_478, %get3A_479] {strides = array<i32>} : memref<200x128xf32, #tpu.memory_space<vmem>>, vector<1x16xf32>,
        %get3A_481 = vector.shape_cast %get3A_480 : vector<1x16xf32> to vector<16xf32>
        %swap3A_482 = arith.index_cast %scan3A_441 : i32 to index
        %swap3A_483 = arith.constant 64 : index
        %swap3A_484 = tpu.vector_load %arg10[%swap3A_482, %swap3A_483] {strides = array<i32>} : memref<200x128xf32, #tpu.memory_space<vmem>>, vector<1x16xf32>,
        %swap3A_485 = vector.shape_cast %swap3A_484 : vector<1x16xf32> to vector<16xf32>
        %swap3A_486 = vector.shape_cast %get3A_481 : vector<16xf32> to vector<1x16xf32>
        tpu.vector_store %arg10[%swap3A_482, %swap3A_483], %swap3A_486 {add = true, strides = array<i32>} : memref<200x128xf32, #tpu.memory_space<vmem>>, vector<1x16xf32>,
        %get3A_487 = arith.index_cast %scan3A_441 : i32 to index
        %get3A_488 = arith.constant 80 : index
        %get3A_489 = tpu.vector_load %arg13[%get3A_487, %get3A_488] {strides = array<i32>} : memref<200x128xf32, #tpu.memory_space<vmem>>, vector<1x16xf32>,
        %get3A_490 = vector.shape_cast %get3A_489 : vector<1x16xf32> to vector<16xf32>
        %swap3A_491 = arith.index_cast %scan3A_441 : i32 to index
        %swap3A_492 = arith.constant 80 : index
        %swap3A_493 = tpu.vector_load %arg10[%swap3A_491, %swap3A_492] {strides = array<i32>} : memref<200x128xf32, #tpu.memory_space<vmem>>, vector<1x16xf32>,
        %swap3A_494 = vector.shape_cast %swap3A_493 : vector<1x16xf32> to vector<16xf32>
        %swap3A_495 = vector.shape_cast %get3A_490 : vector<16xf32> to vector<1x16xf32>
        tpu.vector_store %arg10[%swap3A_491, %swap3A_492], %swap3A_495 {add = true, strides = array<i32>} : memref<200x128xf32, #tpu.memory_space<vmem>>, vector<1x16xf32>,
        %get3A_496 = arith.index_cast %scan3A_441 : i32 to index
        %get3A_497 = arith.constant 96 : index
        %get3A_498 = tpu.vector_load %arg13[%get3A_496, %get3A_497] {strides = array<i32>} : memref<200x128xf32, #tpu.memory_space<vmem>>, vector<1x16xf32>,
        %get3A_499 = vector.shape_cast %get3A_498 : vector<1x16xf32> to vector<16xf32>
        %swap3A_500 = arith.index_cast %scan3A_441 : i32 to index
        %swap3A_501 = arith.constant 96 : index
        %swap3A_502 = tpu.vector_load %arg10[%swap3A_500, %swap3A_501] {strides = array<i32>} : memref<200x128xf32, #tpu.memory_space<vmem>>, vector<1x16xf32>,
        %swap3A_503 = vector.shape_cast %swap3A_502 : vector<1x16xf32> to vector<16xf32>
        %swap3A_504 = vector.shape_cast %get3A_499 : vector<16xf32> to vector<1x16xf32>
        tpu.vector_store %arg10[%swap3A_500, %swap3A_501], %swap3A_504 {add = true, strides = array<i32>} : memref<200x128xf32, #tpu.memory_space<vmem>>, vector<1x16xf32>,
        %get3A_505 = arith.index_cast %scan3A_441 : i32 to index
        %get3A_506 = arith.constant 112 : index
        %get3A_507 = tpu.vector_load %arg13[%get3A_505, %get3A_506] {strides = array<i32>} : memref<200x128xf32, #tpu.memory_space<vmem>>, vector<1x16xf32>,
        %get3A_508 = vector.shape_cast %get3A_507 : vector<1x16xf32> to vector<16xf32>
        %swap3A_509 = arith.index_cast %scan3A_441 : i32 to index
        %swap3A_510 = arith.constant 112 : index
        %swap3A_511 = tpu.vector_load %arg10[%swap3A_509, %swap3A_510] {strides = array<i32>} : memref<200x128xf32, #tpu.memory_space<vmem>>, vector<1x16xf32>,
        %swap3A_512 = vector.shape_cast %swap3A_511 : vector<1x16xf32> to vector<16xf32>
        %swap3A_513 = vector.shape_cast %get3A_508 : vector<16xf32> to vector<1x16xf32>
        tpu.vector_store %arg10[%swap3A_509, %swap3A_510], %swap3A_513 {add = true, strides = array<i32>} : memref<200x128xf32, #tpu.memory_space<vmem>>, vector<1x16xf32>,
      }
      %scan3A_139 = arith.constant 200 : i32
      %mul3A_140 = arith.constant 200 : i32
      %mul3A_141 = arith.muli %add3A_114, %mul3A_140 : i32
      %add3A_142 = arith.addi %mul3A_2, %mul3A_141 : i32
      %dma_start3A_143 = arith.constant 0 : i32
      %dma_start3A_144 = tpu.memref_slice %arg6[%add3A_142, %dma_start3A_143] : memref<819200x128xf32, #tpu.memory_space<hbm>> -> memref<200x128xf32, #tpu.memory_space<hbm>>
      %dma_start3A_145 = arith.constant 0 : i32
      %dma_start3A_146 = tpu.memref_slice %arg6[%add3A_142, %dma_start3A_145] : memref<819200x128xf32, #tpu.memory_space<hbm>> -> memref<200x128xf32, #tpu.memory_space<hbm>>
      tpu.enqueue_dma source(%arg10 : memref<200x128xf32, #tpu.memory_space<vmem>>) target(%dma_start3A_146 : memref<200x128xf32, #tpu.memory_space<hbm>>) target_semaphore(%arg20 : memref<!tpu.dma_semaphore, #tpu.memory_space<semaphore_mem>>)
      %mul3A_147 = arith.constant 3 : i32
      %mul3A_148 = arith.muli %mul3A_147, %scan3A_110 : i32
      %add3A_149 = arith.constant 1 : i32
      %add3A_150 = arith.addi %mul3A_148, %add3A_149 : i32
      %add3A_151 = arith.constant 1 : i32
      %add3A_152 = arith.addi %add3A_150, %add3A_151 : i32
      %lt3A_153 = arith.constant 128 : i32
      %lt3A_154 = arith.cmpi slt, %add3A_152, %lt3A_153 : i32
      %convert_element_type3A_155 = arith.extui %lt3A_154 : i1 to i32
      %cond3A_156 = arith.constant 0 : i32
      %cond3A_157 = arith.cmpi ne, %convert_element_type3A_155, %cond3A_156 : i32
      scf.if %cond3A_157 {
        %dma_wait3A_221 = arith.constant 0 : i32
        %dma_wait3A_222 = tpu.memref_slice %arg2[%dma_wait3A_221] : memref<819200xi32, #tpu.memory_space<hbm>> -> memref<200xi32, #tpu.memory_space<hbm>>
        %dma_wait3A_223 = arith.constant 0 : i32
        %dma_wait3A_224 = tpu.memref_slice %arg2[%dma_wait3A_223] : memref<819200xi32, #tpu.memory_space<hbm>> -> memref<200xi32, #tpu.memory_space<hbm>>
        tpu.wait_dma2 semaphore(%arg25 : memref<!tpu.dma_semaphore, #tpu.memory_space<semaphore_mem>>) src(%dma_wait3A_224 : memref<200xi32, #tpu.memory_space<hbm>>) dst(%arg9 : memref<200xi32, #tpu.memory_space<vmem>>)
        %ge3A = arith.constant 2 : i32
        %ge3A_225 = arith.cmpi sge, %add3A_150, %ge3A : i32
        %convert_element_type3A_226 = arith.extui %ge3A_225 : i1 to i32
        %cond3A_227 = arith.constant 0 : i32
        %cond3A_228 = arith.cmpi ne, %convert_element_type3A_226, %cond3A_227 : i32
        scf.if %cond3A_228 {
          %dma_wait3A_245 = arith.constant 0 : i32
          %dma_wait3A_246 = arith.constant 0 : i32
          %dma_wait3A_247 = tpu.memref_slice %arg6[%dma_wait3A_245, %dma_wait3A_246] : memref<819200x128xf32, #tpu.memory_space<hbm>> -> memref<200x128xf32, #tpu.memory_space<hbm>>
          %dma_wait3A_248 = arith.constant 0 : i32
          %dma_wait3A_249 = arith.constant 0 : i32
          %dma_wait3A_250 = tpu.memref_slice %arg6[%dma_wait3A_248, %dma_wait3A_249] : memref<819200x128xf32, #tpu.memory_space<hbm>> -> memref<200x128xf32, #tpu.memory_space<hbm>>
          tpu.wait_dma2 semaphore(%arg22 : memref<!tpu.dma_semaphore, #tpu.memory_space<semaphore_mem>>) src(%arg12 : memref<200x128xf32, #tpu.memory_space<vmem>>) dst(%dma_wait3A_250 : memref<200x128xf32, #tpu.memory_space<hbm>>)
        } else {
        }
        %dma_start3A_229 = arith.constant 0 : i32
        %dma_start3A_230 = arith.constant 0 : i32
        %dma_start3A_231 = tpu.memref_slice %arg12[%dma_start3A_229, %dma_start3A_230] : memref<200x128xf32, #tpu.memory_space<vmem>> -> memref<128x128xf32, #tpu.memory_space<vmem>>
        %dma_start3A_232 = arith.constant 0 : i32
        %dma_start3A_233 = tpu.memref_slice %arg9[%dma_start3A_232] : memref<200xi32, #tpu.memory_space<vmem>> -> memref<128xi32, #tpu.memory_space<vmem>>
        %dma_start3A_234 = arith.constant 0 : i32
        %dma_start3A_235 = arith.constant 0 : i32
        %dma_start3A_236 = tpu.memref_slice %arg15[%dma_start3A_234, %dma_start3A_235] : memref<1024x128xf32, #tpu.memory_space<vmem_shared>> -> memref<1024x128xf32, #tpu.memory_space<vmem_shared>>
        tpu.enqueue_indirect_dma source(%dma_start3A_236 : memref<1024x128xf32, #tpu.memory_space<vmem_shared>>) target(%dma_start3A_231 : memref<128x128xf32, #tpu.memory_space<vmem>>) offsets(%dma_start3A_233 : memref<128xi32, #tpu.memory_space<vmem>>) semaphore(%arg19 : memref<!tpu.dma_semaphore, #tpu.memory_space<semaphore_mem>>)
        %dma_start3A_237 = arith.constant 128 : i32
        %dma_start3A_238 = arith.constant 0 : i32
        %dma_start3A_239 = tpu.memref_slice %arg12[%dma_start3A_237, %dma_start3A_238] : memref<200x128xf32, #tpu.memory_space<vmem>> -> memref<72x128xf32, #tpu.memory_space<vmem>>
        %dma_start3A_240 = arith.constant 128 : i32
        %dma_start3A_241 = tpu.memref_slice %arg9[%dma_start3A_240] : memref<200xi32, #tpu.memory_space<vmem>> -> memref<72xi32, #tpu.memory_space<vmem>>
        %dma_start3A_242 = arith.constant 0 : i32
        %dma_start3A_243 = arith.constant 0 : i32
        %dma_start3A_244 = tpu.memref_slice %arg15[%dma_start3A_242, %dma_start3A_243] : memref<1024x128xf32, #tpu.memory_space<vmem_shared>> -> memref<1024x128xf32, #tpu.memory_space<vmem_shared>>
        tpu.enqueue_indirect_dma source(%dma_start3A_244 : memref<1024x128xf32, #tpu.memory_space<vmem_shared>>) target(%dma_start3A_239 : memref<72x128xf32, #tpu.memory_space<vmem>>) offsets(%dma_start3A_241 : memref<72xi32, #tpu.memory_space<vmem>>) semaphore(%arg19 : memref<!tpu.dma_semaphore, #tpu.memory_space<semaphore_mem>>)
      } else {
      }
      %add3A_158 = arith.constant 2 : i32
      %add3A_159 = arith.addi %add3A_150, %add3A_158 : i32
      %lt3A_160 = arith.constant 128 : i32
      %lt3A_161 = arith.cmpi slt, %add3A_159, %lt3A_160 : i32
      %convert_element_type3A_162 = arith.extui %lt3A_161 : i1 to i32
      %cond3A_163 = arith.constant 0 : i32
      %cond3A_164 = arith.cmpi ne, %convert_element_type3A_162, %cond3A_163 : i32
      scf.if %cond3A_164 {
        %add3A_221 = arith.constant 2 : i32
        %add3A_222 = arith.addi %add3A_150, %add3A_221 : i32
        %mul3A_223 = arith.constant 200 : i32
        %mul3A_224 = arith.muli %add3A_222, %mul3A_223 : i32
        %add3A_225 = arith.addi %mul3A_2, %mul3A_224 : i32
        %dma_start3A_226 = tpu.memref_slice %arg2[%add3A_225] : memref<819200xi32, #tpu.memory_space<hbm>> -> memref<200xi32, #tpu.memory_space<hbm>>
        %dma_start3A_227 = tpu.memref_slice %arg2[%add3A_225] : memref<819200xi32, #tpu.memory_space<hbm>> -> memref<200xi32, #tpu.memory_space<hbm>>
        tpu.enqueue_dma source(%dma_start3A_227 : memref<200xi32, #tpu.memory_space<hbm>>) target(%arg7 : memref<200xi32, #tpu.memory_space<vmem>>) target_semaphore(%arg23 : memref<!tpu.dma_semaphore, #tpu.memory_space<semaphore_mem>>)
      } else {
      }
      %dma_wait3A_165 = arith.constant 0 : i32
      %dma_wait3A_166 = arith.constant 0 : i32
      %dma_wait3A_167 = tpu.memref_slice %arg3[%dma_wait3A_165, %dma_wait3A_166] : memref<1024x128xf32, #tpu.memory_space<hbm>> -> memref<200x128xf32, #tpu.memory_space<hbm>>
      %dma_wait3A_168 = arith.constant 0 : i32
      %dma_wait3A_169 = arith.constant 0 : i32
      %dma_wait3A_170 = tpu.memref_slice %arg3[%dma_wait3A_168, %dma_wait3A_169] : memref<1024x128xf32, #tpu.memory_space<hbm>> -> memref<200x128xf32, #tpu.memory_space<hbm>>
      tpu.wait_dma2 semaphore(%arg18 : memref<!tpu.dma_semaphore, #tpu.memory_space<semaphore_mem>>) src(%dma_wait3A_170 : memref<200x128xf32, #tpu.memory_space<hbm>>) dst(%arg11 : memref<200x128xf32, #tpu.memory_space<vmem>>)
      %scan3A_171 = arith.constant 0 : i32
      %scan3A_172 = arith.constant 0 : i32
      %scan3A_173 = arith.constant 200 : i32
      %scan3A_174 = arith.addi %scan3A_172, %scan3A_173 : i32
      %scan3A_175 = arith.constant 4 : i32
      scf.for %scan3A_221 = %scan3A_172 to %scan3A_174 step %scan3A_175  : i32 {
        %get3A = arith.index_cast %scan3A_221 : i32 to index
        %get3A_222 = arith.constant 0 : index
        %get3A_223 = tpu.vector_load %arg13[%get3A, %get3A_222] {strides = array<i32>} : memref<200x128xf32, #tpu.memory_space<vmem>>, vector<1x16xf32>,
        %get3A_224 = vector.shape_cast %get3A_223 : vector<1x16xf32> to vector<16xf32>
        %swap3A = arith.index_cast %scan3A_221 : i32 to index
        %swap3A_225 = arith.constant 0 : index
        %swap3A_226 = tpu.vector_load %arg11[%swap3A, %swap3A_225] {strides = array<i32>} : memref<200x128xf32, #tpu.memory_space<vmem>>, vector<1x16xf32>,
        %swap3A_227 = vector.shape_cast %swap3A_226 : vector<1x16xf32> to vector<16xf32>
        %swap3A_228 = vector.shape_cast %get3A_224 : vector<16xf32> to vector<1x16xf32>
        tpu.vector_store %arg11[%swap3A, %swap3A_225], %swap3A_228 {add = true, strides = array<i32>} : memref<200x128xf32, #tpu.memory_space<vmem>>, vector<1x16xf32>,
        %get3A_229 = arith.index_cast %scan3A_221 : i32 to index
        %get3A_230 = arith.constant 16 : index
        %get3A_231 = tpu.vector_load %arg13[%get3A_229, %get3A_230] {strides = array<i32>} : memref<200x128xf32, #tpu.memory_space<vmem>>, vector<1x16xf32>,
        %get3A_232 = vector.shape_cast %get3A_231 : vector<1x16xf32> to vector<16xf32>
        %swap3A_233 = arith.index_cast %scan3A_221 : i32 to index
        %swap3A_234 = arith.constant 16 : index
        %swap3A_235 = tpu.vector_load %arg11[%swap3A_233, %swap3A_234] {strides = array<i32>} : memref<200x128xf32, #tpu.memory_space<vmem>>, vector<1x16xf32>,
        %swap3A_236 = vector.shape_cast %swap3A_235 : vector<1x16xf32> to vector<16xf32>
        %swap3A_237 = vector.shape_cast %get3A_232 : vector<16xf32> to vector<1x16xf32>
        tpu.vector_store %arg11[%swap3A_233, %swap3A_234], %swap3A_237 {add = true, strides = array<i32>} : memref<200x128xf32, #tpu.memory_space<vmem>>, vector<1x16xf32>,
        %get3A_238 = arith.index_cast %scan3A_221 : i32 to index
        %get3A_239 = arith.constant 32 : index
        %get3A_240 = tpu.vector_load %arg13[%get3A_238, %get3A_239] {strides = array<i32>} : memref<200x128xf32, #tpu.memory_space<vmem>>, vector<1x16xf32>,
        %get3A_241 = vector.shape_cast %get3A_240 : vector<1x16xf32> to vector<16xf32>
        %swap3A_242 = arith.index_cast %scan3A_221 : i32 to index
        %swap3A_243 = arith.constant 32 : index
        %swap3A_244 = tpu.vector_load %arg11[%swap3A_242, %swap3A_243] {strides = array<i32>} : memref<200x128xf32, #tpu.memory_space<vmem>>, vector<1x16xf32>,
        %swap3A_245 = vector.shape_cast %swap3A_244 : vector<1x16xf32> to vector<16xf32>
        %swap3A_246 = vector.shape_cast %get3A_241 : vector<16xf32> to vector<1x16xf32>
        tpu.vector_store %arg11[%swap3A_242, %swap3A_243], %swap3A_246 {add = true, strides = array<i32>} : memref<200x128xf32, #tpu.memory_space<vmem>>, vector<1x16xf32>,
        %get3A_247 = arith.index_cast %scan3A_221 : i32 to index
        %get3A_248 = arith.constant 48 : index
        %get3A_249 = tpu.vector_load %arg13[%get3A_247, %get3A_248] {strides = array<i32>} : memref<200x128xf32, #tpu.memory_space<vmem>>, vector<1x16xf32>,
        %get3A_250 = vector.shape_cast %get3A_249 : vector<1x16xf32> to vector<16xf32>
        %swap3A_251 = arith.index_cast %scan3A_221 : i32 to index
        %swap3A_252 = arith.constant 48 : index
        %swap3A_253 = tpu.vector_load %arg11[%swap3A_251, %swap3A_252] {strides = array<i32>} : memref<200x128xf32, #tpu.memory_space<vmem>>, vector<1x16xf32>,
        %swap3A_254 = vector.shape_cast %swap3A_253 : vector<1x16xf32> to vector<16xf32>
        %swap3A_255 = vector.shape_cast %get3A_250 : vector<16xf32> to vector<1x16xf32>
        tpu.vector_store %arg11[%swap3A_251, %swap3A_252], %swap3A_255 {add = true, strides = array<i32>} : memref<200x128xf32, #tpu.memory_space<vmem>>, vector<1x16xf32>,
        %get3A_256 = arith.index_cast %scan3A_221 : i32 to index
        %get3A_257 = arith.constant 64 : index
        %get3A_258 = tpu.vector_load %arg13[%get3A_256, %get3A_257] {strides = array<i32>} : memref<200x128xf32, #tpu.memory_space<vmem>>, vector<1x16xf32>,
        %get3A_259 = vector.shape_cast %get3A_258 : vector<1x16xf32> to vector<16xf32>
        %swap3A_260 = arith.index_cast %scan3A_221 : i32 to index
        %swap3A_261 = arith.constant 64 : index
        %swap3A_262 = tpu.vector_load %arg11[%swap3A_260, %swap3A_261] {strides = array<i32>} : memref<200x128xf32, #tpu.memory_space<vmem>>, vector<1x16xf32>,
        %swap3A_263 = vector.shape_cast %swap3A_262 : vector<1x16xf32> to vector<16xf32>
        %swap3A_264 = vector.shape_cast %get3A_259 : vector<16xf32> to vector<1x16xf32>
        tpu.vector_store %arg11[%swap3A_260, %swap3A_261], %swap3A_264 {add = true, strides = array<i32>} : memref<200x128xf32, #tpu.memory_space<vmem>>, vector<1x16xf32>,
        %get3A_265 = arith.index_cast %scan3A_221 : i32 to index
        %get3A_266 = arith.constant 80 : index
        %get3A_267 = tpu.vector_load %arg13[%get3A_265, %get3A_266] {strides = array<i32>} : memref<200x128xf32, #tpu.memory_space<vmem>>, vector<1x16xf32>,
        %get3A_268 = vector.shape_cast %get3A_267 : vector<1x16xf32> to vector<16xf32>
        %swap3A_269 = arith.index_cast %scan3A_221 : i32 to index
        %swap3A_270 = arith.constant 80 : index
        %swap3A_271 = tpu.vector_load %arg11[%swap3A_269, %swap3A_270] {strides = array<i32>} : memref<200x128xf32, #tpu.memory_space<vmem>>, vector<1x16xf32>,
        %swap3A_272 = vector.shape_cast %swap3A_271 : vector<1x16xf32> to vector<16xf32>
        %swap3A_273 = vector.shape_cast %get3A_268 : vector<16xf32> to vector<1x16xf32>
        tpu.vector_store %arg11[%swap3A_269, %swap3A_270], %swap3A_273 {add = true, strides = array<i32>} : memref<200x128xf32, #tpu.memory_space<vmem>>, vector<1x16xf32>,
        %get3A_274 = arith.index_cast %scan3A_221 : i32 to index
        %get3A_275 = arith.constant 96 : index
        %get3A_276 = tpu.vector_load %arg13[%get3A_274, %get3A_275] {strides = array<i32>} : memref<200x128xf32, #tpu.memory_space<vmem>>, vector<1x16xf32>,
        %get3A_277 = vector.shape_cast %get3A_276 : vector<1x16xf32> to vector<16xf32>
        %swap3A_278 = arith.index_cast %scan3A_221 : i32 to index
        %swap3A_279 = arith.constant 96 : index
        %swap3A_280 = tpu.vector_load %arg11[%swap3A_278, %swap3A_279] {strides = array<i32>} : memref<200x128xf32, #tpu.memory_space<vmem>>, vector<1x16xf32>,
        %swap3A_281 = vector.shape_cast %swap3A_280 : vector<1x16xf32> to vector<16xf32>
        %swap3A_282 = vector.shape_cast %get3A_277 : vector<16xf32> to vector<1x16xf32>
        tpu.vector_store %arg11[%swap3A_278, %swap3A_279], %swap3A_282 {add = true, strides = array<i32>} : memref<200x128xf32, #tpu.memory_space<vmem>>, vector<1x16xf32>,
        %get3A_283 = arith.index_cast %scan3A_221 : i32 to index
        %get3A_284 = arith.constant 112 : index
        %get3A_285 = tpu.vector_load %arg13[%get3A_283, %get3A_284] {strides = array<i32>} : memref<200x128xf32, #tpu.memory_space<vmem>>, vector<1x16xf32>,
        %get3A_286 = vector.shape_cast %get3A_285 : vector<1x16xf32> to vector<16xf32>
        %swap3A_287 = arith.index_cast %scan3A_221 : i32 to index
        %swap3A_288 = arith.constant 112 : index
        %swap3A_289 = tpu.vector_load %arg11[%swap3A_287, %swap3A_288] {strides = array<i32>} : memref<200x128xf32, #tpu.memory_space<vmem>>, vector<1x16xf32>,
        %swap3A_290 = vector.shape_cast %swap3A_289 : vector<1x16xf32> to vector<16xf32>
        %swap3A_291 = vector.shape_cast %get3A_286 : vector<16xf32> to vector<1x16xf32>
        tpu.vector_store %arg11[%swap3A_287, %swap3A_288], %swap3A_291 {add = true, strides = array<i32>} : memref<200x128xf32, #tpu.memory_space<vmem>>, vector<1x16xf32>,
        %scan3A_292 = arith.constant 1 : i32
        %scan3A_293 = arith.addi %scan3A_221, %scan3A_292 : i32
        %get3A_294 = arith.index_cast %scan3A_293 : i32 to index
        %get3A_295 = arith.constant 0 : index
        %get3A_296 = tpu.vector_load %arg13[%get3A_294, %get3A_295] {strides = array<i32>} : memref<200x128xf32, #tpu.memory_space<vmem>>, vector<1x16xf32>,
        %get3A_297 = vector.shape_cast %get3A_296 : vector<1x16xf32> to vector<16xf32>
        %swap3A_298 = arith.index_cast %scan3A_293 : i32 to index
        %swap3A_299 = arith.constant 0 : index
        %swap3A_300 = tpu.vector_load %arg11[%swap3A_298, %swap3A_299] {strides = array<i32>} : memref<200x128xf32, #tpu.memory_space<vmem>>, vector<1x16xf32>,
        %swap3A_301 = vector.shape_cast %swap3A_300 : vector<1x16xf32> to vector<16xf32>
        %swap3A_302 = vector.shape_cast %get3A_297 : vector<16xf32> to vector<1x16xf32>
        tpu.vector_store %arg11[%swap3A_298, %swap3A_299], %swap3A_302 {add = true, strides = array<i32>} : memref<200x128xf32, #tpu.memory_space<vmem>>, vector<1x16xf32>,
        %get3A_303 = arith.index_cast %scan3A_293 : i32 to index
        %get3A_304 = arith.constant 16 : index
        %get3A_305 = tpu.vector_load %arg13[%get3A_303, %get3A_304] {strides = array<i32>} : memref<200x128xf32, #tpu.memory_space<vmem>>, vector<1x16xf32>,
        %get3A_306 = vector.shape_cast %get3A_305 : vector<1x16xf32> to vector<16xf32>
        %swap3A_307 = arith.index_cast %scan3A_293 : i32 to index
        %swap3A_308 = arith.constant 16 : index
        %swap3A_309 = tpu.vector_load %arg11[%swap3A_307, %swap3A_308] {strides = array<i32>} : memref<200x128xf32, #tpu.memory_space<vmem>>, vector<1x16xf32>,
        %swap3A_310 = vector.shape_cast %swap3A_309 : vector<1x16xf32> to vector<16xf32>
        %swap3A_311 = vector.shape_cast %get3A_306 : vector<16xf32> to vector<1x16xf32>
        tpu.vector_store %arg11[%swap3A_307, %swap3A_308], %swap3A_311 {add = true, strides = array<i32>} : memref<200x128xf32, #tpu.memory_space<vmem>>, vector<1x16xf32>,
        %get3A_312 = arith.index_cast %scan3A_293 : i32 to index
        %get3A_313 = arith.constant 32 : index
        %get3A_314 = tpu.vector_load %arg13[%get3A_312, %get3A_313] {strides = array<i32>} : memref<200x128xf32, #tpu.memory_space<vmem>>, vector<1x16xf32>,
        %get3A_315 = vector.shape_cast %get3A_314 : vector<1x16xf32> to vector<16xf32>
        %swap3A_316 = arith.index_cast %scan3A_293 : i32 to index
        %swap3A_317 = arith.constant 32 : index
        %swap3A_318 = tpu.vector_load %arg11[%swap3A_316, %swap3A_317] {strides = array<i32>} : memref<200x128xf32, #tpu.memory_space<vmem>>, vector<1x16xf32>,
        %swap3A_319 = vector.shape_cast %swap3A_318 : vector<1x16xf32> to vector<16xf32>
        %swap3A_320 = vector.shape_cast %get3A_315 : vector<16xf32> to vector<1x16xf32>
        tpu.vector_store %arg11[%swap3A_316, %swap3A_317], %swap3A_320 {add = true, strides = array<i32>} : memref<200x128xf32, #tpu.memory_space<vmem>>, vector<1x16xf32>,
        %get3A_321 = arith.index_cast %scan3A_293 : i32 to index
        %get3A_322 = arith.constant 48 : index
        %get3A_323 = tpu.vector_load %arg13[%get3A_321, %get3A_322] {strides = array<i32>} : memref<200x128xf32, #tpu.memory_space<vmem>>, vector<1x16xf32>,
        %get3A_324 = vector.shape_cast %get3A_323 : vector<1x16xf32> to vector<16xf32>
        %swap3A_325 = arith.index_cast %scan3A_293 : i32 to index
        %swap3A_326 = arith.constant 48 : index
        %swap3A_327 = tpu.vector_load %arg11[%swap3A_325, %swap3A_326] {strides = array<i32>} : memref<200x128xf32, #tpu.memory_space<vmem>>, vector<1x16xf32>,
        %swap3A_328 = vector.shape_cast %swap3A_327 : vector<1x16xf32> to vector<16xf32>
        %swap3A_329 = vector.shape_cast %get3A_324 : vector<16xf32> to vector<1x16xf32>
        tpu.vector_store %arg11[%swap3A_325, %swap3A_326], %swap3A_329 {add = true, strides = array<i32>} : memref<200x128xf32, #tpu.memory_space<vmem>>, vector<1x16xf32>,
        %get3A_330 = arith.index_cast %scan3A_293 : i32 to index
        %get3A_331 = arith.constant 64 : index
        %get3A_332 = tpu.vector_load %arg13[%get3A_330, %get3A_331] {strides = array<i32>} : memref<200x128xf32, #tpu.memory_space<vmem>>, vector<1x16xf32>,
        %get3A_333 = vector.shape_cast %get3A_332 : vector<1x16xf32> to vector<16xf32>
        %swap3A_334 = arith.index_cast %scan3A_293 : i32 to index
        %swap3A_335 = arith.constant 64 : index
        %swap3A_336 = tpu.vector_load %arg11[%swap3A_334, %swap3A_335] {strides = array<i32>} : memref<200x128xf32, #tpu.memory_space<vmem>>, vector<1x16xf32>,
        %swap3A_337 = vector.shape_cast %swap3A_336 : vector<1x16xf32> to vector<16xf32>
        %swap3A_338 = vector.shape_cast %get3A_333 : vector<16xf32> to vector<1x16xf32>
        tpu.vector_store %arg11[%swap3A_334, %swap3A_335], %swap3A_338 {add = true, strides = array<i32>} : memref<200x128xf32, #tpu.memory_space<vmem>>, vector<1x16xf32>,
        %get3A_339 = arith.index_cast %scan3A_293 : i32 to index
        %get3A_340 = arith.constant 80 : index
        %get3A_341 = tpu.vector_load %arg13[%get3A_339, %get3A_340] {strides = array<i32>} : memref<200x128xf32, #tpu.memory_space<vmem>>, vector<1x16xf32>,
        %get3A_342 = vector.shape_cast %get3A_341 : vector<1x16xf32> to vector<16xf32>
        %swap3A_343 = arith.index_cast %scan3A_293 : i32 to index
        %swap3A_344 = arith.constant 80 : index
        %swap3A_345 = tpu.vector_load %arg11[%swap3A_343, %swap3A_344] {strides = array<i32>} : memref<200x128xf32, #tpu.memory_space<vmem>>, vector<1x16xf32>,
        %swap3A_346 = vector.shape_cast %swap3A_345 : vector<1x16xf32> to vector<16xf32>
        %swap3A_347 = vector.shape_cast %get3A_342 : vector<16xf32> to vector<1x16xf32>
        tpu.vector_store %arg11[%swap3A_343, %swap3A_344], %swap3A_347 {add = true, strides = array<i32>} : memref<200x128xf32, #tpu.memory_space<vmem>>, vector<1x16xf32>,
        %get3A_348 = arith.index_cast %scan3A_293 : i32 to index
        %get3A_349 = arith.constant 96 : index
        %get3A_350 = tpu.vector_load %arg13[%get3A_348, %get3A_349] {strides = array<i32>} : memref<200x128xf32, #tpu.memory_space<vmem>>, vector<1x16xf32>,
        %get3A_351 = vector.shape_cast %get3A_350 : vector<1x16xf32> to vector<16xf32>
        %swap3A_352 = arith.index_cast %scan3A_293 : i32 to index
        %swap3A_353 = arith.constant 96 : index
        %swap3A_354 = tpu.vector_load %arg11[%swap3A_352, %swap3A_353] {strides = array<i32>} : memref<200x128xf32, #tpu.memory_space<vmem>>, vector<1x16xf32>,
        %swap3A_355 = vector.shape_cast %swap3A_354 : vector<1x16xf32> to vector<16xf32>
        %swap3A_356 = vector.shape_cast %get3A_351 : vector<16xf32> to vector<1x16xf32>
        tpu.vector_store %arg11[%swap3A_352, %swap3A_353], %swap3A_356 {add = true, strides = array<i32>} : memref<200x128xf32, #tpu.memory_space<vmem>>, vector<1x16xf32>,
        %get3A_357 = arith.index_cast %scan3A_293 : i32 to index
        %get3A_358 = arith.constant 112 : index
        %get3A_359 = tpu.vector_load %arg13[%get3A_357, %get3A_358] {strides = array<i32>} : memref<200x128xf32, #tpu.memory_space<vmem>>, vector<1x16xf32>,
        %get3A_360 = vector.shape_cast %get3A_359 : vector<1x16xf32> to vector<16xf32>
        %swap3A_361 = arith.index_cast %scan3A_293 : i32 to index
        %swap3A_362 = arith.constant 112 : index
        %swap3A_363 = tpu.vector_load %arg11[%swap3A_361, %swap3A_362] {strides = array<i32>} : memref<200x128xf32, #tpu.memory_space<vmem>>, vector<1x16xf32>,
        %swap3A_364 = vector.shape_cast %swap3A_363 : vector<1x16xf32> to vector<16xf32>
        %swap3A_365 = vector.shape_cast %get3A_360 : vector<16xf32> to vector<1x16xf32>
        tpu.vector_store %arg11[%swap3A_361, %swap3A_362], %swap3A_365 {add = true, strides = array<i32>} : memref<200x128xf32, #tpu.memory_space<vmem>>, vector<1x16xf32>,
        %scan3A_366 = arith.constant 2 : i32
        %scan3A_367 = arith.addi %scan3A_221, %scan3A_366 : i32
        %get3A_368 = arith.index_cast %scan3A_367 : i32 to index
        %get3A_369 = arith.constant 0 : index
        %get3A_370 = tpu.vector_load %arg13[%get3A_368, %get3A_369] {strides = array<i32>} : memref<200x128xf32, #tpu.memory_space<vmem>>, vector<1x16xf32>,
        %get3A_371 = vector.shape_cast %get3A_370 : vector<1x16xf32> to vector<16xf32>
        %swap3A_372 = arith.index_cast %scan3A_367 : i32 to index
        %swap3A_373 = arith.constant 0 : index
        %swap3A_374 = tpu.vector_load %arg11[%swap3A_372, %swap3A_373] {strides = array<i32>} : memref<200x128xf32, #tpu.memory_space<vmem>>, vector<1x16xf32>,
        %swap3A_375 = vector.shape_cast %swap3A_374 : vector<1x16xf32> to vector<16xf32>
        %swap3A_376 = vector.shape_cast %get3A_371 : vector<16xf32> to vector<1x16xf32>
        tpu.vector_store %arg11[%swap3A_372, %swap3A_373], %swap3A_376 {add = true, strides = array<i32>} : memref<200x128xf32, #tpu.memory_space<vmem>>, vector<1x16xf32>,
        %get3A_377 = arith.index_cast %scan3A_367 : i32 to index
        %get3A_378 = arith.constant 16 : index
        %get3A_379 = tpu.vector_load %arg13[%get3A_377, %get3A_378] {strides = array<i32>} : memref<200x128xf32, #tpu.memory_space<vmem>>, vector<1x16xf32>,
        %get3A_380 = vector.shape_cast %get3A_379 : vector<1x16xf32> to vector<16xf32>
        %swap3A_381 = arith.index_cast %scan3A_367 : i32 to index
        %swap3A_382 = arith.constant 16 : index
        %swap3A_383 = tpu.vector_load %arg11[%swap3A_381, %swap3A_382] {strides = array<i32>} : memref<200x128xf32, #tpu.memory_space<vmem>>, vector<1x16xf32>,
        %swap3A_384 = vector.shape_cast %swap3A_383 : vector<1x16xf32> to vector<16xf32>
        %swap3A_385 = vector.shape_cast %get3A_380 : vector<16xf32> to vector<1x16xf32>
        tpu.vector_store %arg11[%swap3A_381, %swap3A_382], %swap3A_385 {add = true, strides = array<i32>} : memref<200x128xf32, #tpu.memory_space<vmem>>, vector<1x16xf32>,
        %get3A_386 = arith.index_cast %scan3A_367 : i32 to index
        %get3A_387 = arith.constant 32 : index
        %get3A_388 = tpu.vector_load %arg13[%get3A_386, %get3A_387] {strides = array<i32>} : memref<200x128xf32, #tpu.memory_space<vmem>>, vector<1x16xf32>,
        %get3A_389 = vector.shape_cast %get3A_388 : vector<1x16xf32> to vector<16xf32>
        %swap3A_390 = arith.index_cast %scan3A_367 : i32 to index
        %swap3A_391 = arith.constant 32 : index
        %swap3A_392 = tpu.vector_load %arg11[%swap3A_390, %swap3A_391] {strides = array<i32>} : memref<200x128xf32, #tpu.memory_space<vmem>>, vector<1x16xf32>,
        %swap3A_393 = vector.shape_cast %swap3A_392 : vector<1x16xf32> to vector<16xf32>
        %swap3A_394 = vector.shape_cast %get3A_389 : vector<16xf32> to vector<1x16xf32>
        tpu.vector_store %arg11[%swap3A_390, %swap3A_391], %swap3A_394 {add = true, strides = array<i32>} : memref<200x128xf32, #tpu.memory_space<vmem>>, vector<1x16xf32>,
        %get3A_395 = arith.index_cast %scan3A_367 : i32 to index
        %get3A_396 = arith.constant 48 : index
        %get3A_397 = tpu.vector_load %arg13[%get3A_395, %get3A_396] {strides = array<i32>} : memref<200x128xf32, #tpu.memory_space<vmem>>, vector<1x16xf32>,
        %get3A_398 = vector.shape_cast %get3A_397 : vector<1x16xf32> to vector<16xf32>
        %swap3A_399 = arith.index_cast %scan3A_367 : i32 to index
        %swap3A_400 = arith.constant 48 : index
        %swap3A_401 = tpu.vector_load %arg11[%swap3A_399, %swap3A_400] {strides = array<i32>} : memref<200x128xf32, #tpu.memory_space<vmem>>, vector<1x16xf32>,
        %swap3A_402 = vector.shape_cast %swap3A_401 : vector<1x16xf32> to vector<16xf32>
        %swap3A_403 = vector.shape_cast %get3A_398 : vector<16xf32> to vector<1x16xf32>
        tpu.vector_store %arg11[%swap3A_399, %swap3A_400], %swap3A_403 {add = true, strides = array<i32>} : memref<200x128xf32, #tpu.memory_space<vmem>>, vector<1x16xf32>,
        %get3A_404 = arith.index_cast %scan3A_367 : i32 to index
        %get3A_405 = arith.constant 64 : index
        %get3A_406 = tpu.vector_load %arg13[%get3A_404, %get3A_405] {strides = array<i32>} : memref<200x128xf32, #tpu.memory_space<vmem>>, vector<1x16xf32>,
        %get3A_407 = vector.shape_cast %get3A_406 : vector<1x16xf32> to vector<16xf32>
        %swap3A_408 = arith.index_cast %scan3A_367 : i32 to index
        %swap3A_409 = arith.constant 64 : index
        %swap3A_410 = tpu.vector_load %arg11[%swap3A_408, %swap3A_409] {strides = array<i32>} : memref<200x128xf32, #tpu.memory_space<vmem>>, vector<1x16xf32>,
        %swap3A_411 = vector.shape_cast %swap3A_410 : vector<1x16xf32> to vector<16xf32>
        %swap3A_412 = vector.shape_cast %get3A_407 : vector<16xf32> to vector<1x16xf32>
        tpu.vector_store %arg11[%swap3A_408, %swap3A_409], %swap3A_412 {add = true, strides = array<i32>} : memref<200x128xf32, #tpu.memory_space<vmem>>, vector<1x16xf32>,
        %get3A_413 = arith.index_cast %scan3A_367 : i32 to index
        %get3A_414 = arith.constant 80 : index
        %get3A_415 = tpu.vector_load %arg13[%get3A_413, %get3A_414] {strides = array<i32>} : memref<200x128xf32, #tpu.memory_space<vmem>>, vector<1x16xf32>,
        %get3A_416 = vector.shape_cast %get3A_415 : vector<1x16xf32> to vector<16xf32>
        %swap3A_417 = arith.index_cast %scan3A_367 : i32 to index
        %swap3A_418 = arith.constant 80 : index
        %swap3A_419 = tpu.vector_load %arg11[%swap3A_417, %swap3A_418] {strides = array<i32>} : memref<200x128xf32, #tpu.memory_space<vmem>>, vector<1x16xf32>,
        %swap3A_420 = vector.shape_cast %swap3A_419 : vector<1x16xf32> to vector<16xf32>
        %swap3A_421 = vector.shape_cast %get3A_416 : vector<16xf32> to vector<1x16xf32>
        tpu.vector_store %arg11[%swap3A_417, %swap3A_418], %swap3A_421 {add = true, strides = array<i32>} : memref<200x128xf32, #tpu.memory_space<vmem>>, vector<1x16xf32>,
        %get3A_422 = arith.index_cast %scan3A_367 : i32 to index
        %get3A_423 = arith.constant 96 : index
        %get3A_424 = tpu.vector_load %arg13[%get3A_422, %get3A_423] {strides = array<i32>} : memref<200x128xf32, #tpu.memory_space<vmem>>, vector<1x16xf32>,
        %get3A_425 = vector.shape_cast %get3A_424 : vector<1x16xf32> to vector<16xf32>
        %swap3A_426 = arith.index_cast %scan3A_367 : i32 to index
        %swap3A_427 = arith.constant 96 : index
        %swap3A_428 = tpu.vector_load %arg11[%swap3A_426, %swap3A_427] {strides = array<i32>} : memref<200x128xf32, #tpu.memory_space<vmem>>, vector<1x16xf32>,
        %swap3A_429 = vector.shape_cast %swap3A_428 : vector<1x16xf32> to vector<16xf32>
        %swap3A_430 = vector.shape_cast %get3A_425 : vector<16xf32> to vector<1x16xf32>
        tpu.vector_store %arg11[%swap3A_426, %swap3A_427], %swap3A_430 {add = true, strides = array<i32>} : memref<200x128xf32, #tpu.memory_space<vmem>>, vector<1x16xf32>,
        %get3A_431 = arith.index_cast %scan3A_367 : i32 to index
        %get3A_432 = arith.constant 112 : index
        %get3A_433 = tpu.vector_load %arg13[%get3A_431, %get3A_432] {strides = array<i32>} : memref<200x128xf32, #tpu.memory_space<vmem>>, vector<1x16xf32>,
        %get3A_434 = vector.shape_cast %get3A_433 : vector<1x16xf32> to vector<16xf32>
        %swap3A_435 = arith.index_cast %scan3A_367 : i32 to index
        %swap3A_436 = arith.constant 112 : index
        %swap3A_437 = tpu.vector_load %arg11[%swap3A_435, %swap3A_436] {strides = array<i32>} : memref<200x128xf32, #tpu.memory_space<vmem>>, vector<1x16xf32>,
        %swap3A_438 = vector.shape_cast %swap3A_437 : vector<1x16xf32> to vector<16xf32>
        %swap3A_439 = vector.shape_cast %get3A_434 : vector<16xf32> to vector<1x16xf32>
        tpu.vector_store %arg11[%swap3A_435, %swap3A_436], %swap3A_439 {add = true, strides = array<i32>} : memref<200x128xf32, #tpu.memory_space<vmem>>, vector<1x16xf32>,
        %scan3A_440 = arith.constant 3 : i32
        %scan3A_441 = arith.addi %scan3A_221, %scan3A_440 : i32
        %get3A_442 = arith.index_cast %scan3A_441 : i32 to index
        %get3A_443 = arith.constant 0 : index
        %get3A_444 = tpu.vector_load %arg13[%get3A_442, %get3A_443] {strides = array<i32>} : memref<200x128xf32, #tpu.memory_space<vmem>>, vector<1x16xf32>,
        %get3A_445 = vector.shape_cast %get3A_444 : vector<1x16xf32> to vector<16xf32>
        %swap3A_446 = arith.index_cast %scan3A_441 : i32 to index
        %swap3A_447 = arith.constant 0 : index
        %swap3A_448 = tpu.vector_load %arg11[%swap3A_446, %swap3A_447] {strides = array<i32>} : memref<200x128xf32, #tpu.memory_space<vmem>>, vector<1x16xf32>,
        %swap3A_449 = vector.shape_cast %swap3A_448 : vector<1x16xf32> to vector<16xf32>
        %swap3A_450 = vector.shape_cast %get3A_445 : vector<16xf32> to vector<1x16xf32>
        tpu.vector_store %arg11[%swap3A_446, %swap3A_447], %swap3A_450 {add = true, strides = array<i32>} : memref<200x128xf32, #tpu.memory_space<vmem>>, vector<1x16xf32>,
        %get3A_451 = arith.index_cast %scan3A_441 : i32 to index
        %get3A_452 = arith.constant 16 : index
        %get3A_453 = tpu.vector_load %arg13[%get3A_451, %get3A_452] {strides = array<i32>} : memref<200x128xf32, #tpu.memory_space<vmem>>, vector<1x16xf32>,
        %get3A_454 = vector.shape_cast %get3A_453 : vector<1x16xf32> to vector<16xf32>
        %swap3A_455 = arith.index_cast %scan3A_441 : i32 to index
        %swap3A_456 = arith.constant 16 : index
        %swap3A_457 = tpu.vector_load %arg11[%swap3A_455, %swap3A_456] {strides = array<i32>} : memref<200x128xf32, #tpu.memory_space<vmem>>, vector<1x16xf32>,
        %swap3A_458 = vector.shape_cast %swap3A_457 : vector<1x16xf32> to vector<16xf32>
        %swap3A_459 = vector.shape_cast %get3A_454 : vector<16xf32> to vector<1x16xf32>
        tpu.vector_store %arg11[%swap3A_455, %swap3A_456], %swap3A_459 {add = true, strides = array<i32>} : memref<200x128xf32, #tpu.memory_space<vmem>>, vector<1x16xf32>,
        %get3A_460 = arith.index_cast %scan3A_441 : i32 to index
        %get3A_461 = arith.constant 32 : index
        %get3A_462 = tpu.vector_load %arg13[%get3A_460, %get3A_461] {strides = array<i32>} : memref<200x128xf32, #tpu.memory_space<vmem>>, vector<1x16xf32>,
        %get3A_463 = vector.shape_cast %get3A_462 : vector<1x16xf32> to vector<16xf32>
        %swap3A_464 = arith.index_cast %scan3A_441 : i32 to index
        %swap3A_465 = arith.constant 32 : index
        %swap3A_466 = tpu.vector_load %arg11[%swap3A_464, %swap3A_465] {strides = array<i32>} : memref<200x128xf32, #tpu.memory_space<vmem>>, vector<1x16xf32>,
        %swap3A_467 = vector.shape_cast %swap3A_466 : vector<1x16xf32> to vector<16xf32>
        %swap3A_468 = vector.shape_cast %get3A_463 : vector<16xf32> to vector<1x16xf32>
        tpu.vector_store %arg11[%swap3A_464, %swap3A_465], %swap3A_468 {add = true, strides = array<i32>} : memref<200x128xf32, #tpu.memory_space<vmem>>, vector<1x16xf32>,
        %get3A_469 = arith.index_cast %scan3A_441 : i32 to index
        %get3A_470 = arith.constant 48 : index
        %get3A_471 = tpu.vector_load %arg13[%get3A_469, %get3A_470] {strides = array<i32>} : memref<200x128xf32, #tpu.memory_space<vmem>>, vector<1x16xf32>,
        %get3A_472 = vector.shape_cast %get3A_471 : vector<1x16xf32> to vector<16xf32>
        %swap3A_473 = arith.index_cast %scan3A_441 : i32 to index
        %swap3A_474 = arith.constant 48 : index
        %swap3A_475 = tpu.vector_load %arg11[%swap3A_473, %swap3A_474] {strides = array<i32>} : memref<200x128xf32, #tpu.memory_space<vmem>>, vector<1x16xf32>,
        %swap3A_476 = vector.shape_cast %swap3A_475 : vector<1x16xf32> to vector<16xf32>
        %swap3A_477 = vector.shape_cast %get3A_472 : vector<16xf32> to vector<1x16xf32>
        tpu.vector_store %arg11[%swap3A_473, %swap3A_474], %swap3A_477 {add = true, strides = array<i32>} : memref<200x128xf32, #tpu.memory_space<vmem>>, vector<1x16xf32>,
        %get3A_478 = arith.index_cast %scan3A_441 : i32 to index
        %get3A_479 = arith.constant 64 : index
        %get3A_480 = tpu.vector_load %arg13[%get3A_478, %get3A_479] {strides = array<i32>} : memref<200x128xf32, #tpu.memory_space<vmem>>, vector<1x16xf32>,
        %get3A_481 = vector.shape_cast %get3A_480 : vector<1x16xf32> to vector<16xf32>
        %swap3A_482 = arith.index_cast %scan3A_441 : i32 to index
        %swap3A_483 = arith.constant 64 : index
        %swap3A_484 = tpu.vector_load %arg11[%swap3A_482, %swap3A_483] {strides = array<i32>} : memref<200x128xf32, #tpu.memory_space<vmem>>, vector<1x16xf32>,
        %swap3A_485 = vector.shape_cast %swap3A_484 : vector<1x16xf32> to vector<16xf32>
        %swap3A_486 = vector.shape_cast %get3A_481 : vector<16xf32> to vector<1x16xf32>
        tpu.vector_store %arg11[%swap3A_482, %swap3A_483], %swap3A_486 {add = true, strides = array<i32>} : memref<200x128xf32, #tpu.memory_space<vmem>>, vector<1x16xf32>,
        %get3A_487 = arith.index_cast %scan3A_441 : i32 to index
        %get3A_488 = arith.constant 80 : index
        %get3A_489 = tpu.vector_load %arg13[%get3A_487, %get3A_488] {strides = array<i32>} : memref<200x128xf32, #tpu.memory_space<vmem>>, vector<1x16xf32>,
        %get3A_490 = vector.shape_cast %get3A_489 : vector<1x16xf32> to vector<16xf32>
        %swap3A_491 = arith.index_cast %scan3A_441 : i32 to index
        %swap3A_492 = arith.constant 80 : index
        %swap3A_493 = tpu.vector_load %arg11[%swap3A_491, %swap3A_492] {strides = array<i32>} : memref<200x128xf32, #tpu.memory_space<vmem>>, vector<1x16xf32>,
        %swap3A_494 = vector.shape_cast %swap3A_493 : vector<1x16xf32> to vector<16xf32>
        %swap3A_495 = vector.shape_cast %get3A_490 : vector<16xf32> to vector<1x16xf32>
        tpu.vector_store %arg11[%swap3A_491, %swap3A_492], %swap3A_495 {add = true, strides = array<i32>} : memref<200x128xf32, #tpu.memory_space<vmem>>, vector<1x16xf32>,
        %get3A_496 = arith.index_cast %scan3A_441 : i32 to index
        %get3A_497 = arith.constant 96 : index
        %get3A_498 = tpu.vector_load %arg13[%get3A_496, %get3A_497] {strides = array<i32>} : memref<200x128xf32, #tpu.memory_space<vmem>>, vector<1x16xf32>,
        %get3A_499 = vector.shape_cast %get3A_498 : vector<1x16xf32> to vector<16xf32>
        %swap3A_500 = arith.index_cast %scan3A_441 : i32 to index
        %swap3A_501 = arith.constant 96 : index
        %swap3A_502 = tpu.vector_load %arg11[%swap3A_500, %swap3A_501] {strides = array<i32>} : memref<200x128xf32, #tpu.memory_space<vmem>>, vector<1x16xf32>,
        %swap3A_503 = vector.shape_cast %swap3A_502 : vector<1x16xf32> to vector<16xf32>
        %swap3A_504 = vector.shape_cast %get3A_499 : vector<16xf32> to vector<1x16xf32>
        tpu.vector_store %arg11[%swap3A_500, %swap3A_501], %swap3A_504 {add = true, strides = array<i32>} : memref<200x128xf32, #tpu.memory_space<vmem>>, vector<1x16xf32>,
        %get3A_505 = arith.index_cast %scan3A_441 : i32 to index
        %get3A_506 = arith.constant 112 : index
        %get3A_507 = tpu.vector_load %arg13[%get3A_505, %get3A_506] {strides = array<i32>} : memref<200x128xf32, #tpu.memory_space<vmem>>, vector<1x16xf32>,
        %get3A_508 = vector.shape_cast %get3A_507 : vector<1x16xf32> to vector<16xf32>
        %swap3A_509 = arith.index_cast %scan3A_441 : i32 to index
        %swap3A_510 = arith.constant 112 : index
        %swap3A_511 = tpu.vector_load %arg11[%swap3A_509, %swap3A_510] {strides = array<i32>} : memref<200x128xf32, #tpu.memory_space<vmem>>, vector<1x16xf32>,
        %swap3A_512 = vector.shape_cast %swap3A_511 : vector<1x16xf32> to vector<16xf32>
        %swap3A_513 = vector.shape_cast %get3A_508 : vector<16xf32> to vector<1x16xf32>
        tpu.vector_store %arg11[%swap3A_509, %swap3A_510], %swap3A_513 {add = true, strides = array<i32>} : memref<200x128xf32, #tpu.memory_space<vmem>>, vector<1x16xf32>,
      }
      %scan3A_176 = arith.constant 200 : i32
      %mul3A_177 = arith.constant 200 : i32
      %mul3A_178 = arith.muli %add3A_150, %mul3A_177 : i32
      %add3A_179 = arith.addi %mul3A_2, %mul3A_178 : i32
      %dma_start3A_180 = arith.constant 0 : i32
      %dma_start3A_181 = tpu.memref_slice %arg6[%add3A_179, %dma_start3A_180] : memref<819200x128xf32, #tpu.memory_space<hbm>> -> memref<200x128xf32, #tpu.memory_space<hbm>>
      %dma_start3A_182 = arith.constant 0 : i32
      %dma_start3A_183 = tpu.memref_slice %arg6[%add3A_179, %dma_start3A_182] : memref<819200x128xf32, #tpu.memory_space<hbm>> -> memref<200x128xf32, #tpu.memory_space<hbm>>
      tpu.enqueue_dma source(%arg11 : memref<200x128xf32, #tpu.memory_space<vmem>>) target(%dma_start3A_183 : memref<200x128xf32, #tpu.memory_space<hbm>>) target_semaphore(%arg21 : memref<!tpu.dma_semaphore, #tpu.memory_space<semaphore_mem>>)
      %mul3A_184 = arith.constant 3 : i32
      %mul3A_185 = arith.muli %mul3A_184, %scan3A_110 : i32
      %add3A_186 = arith.constant 2 : i32
      %add3A_187 = arith.addi %mul3A_185, %add3A_186 : i32
      %add3A_188 = arith.constant 1 : i32
      %add3A_189 = arith.addi %add3A_187, %add3A_188 : i32
      %lt3A_190 = arith.constant 128 : i32
      %lt3A_191 = arith.cmpi slt, %add3A_189, %lt3A_190 : i32
      %convert_element_type3A_192 = arith.extui %lt3A_191 : i1 to i32
      %cond3A_193 = arith.constant 0 : i32
      %cond3A_194 = arith.cmpi ne, %convert_element_type3A_192, %cond3A_193 : i32
      scf.if %cond3A_194 {
        %dma_wait3A_221 = arith.constant 0 : i32
        %dma_wait3A_222 = tpu.memref_slice %arg2[%dma_wait3A_221] : memref<819200xi32, #tpu.memory_space<hbm>> -> memref<200xi32, #tpu.memory_space<hbm>>
        %dma_wait3A_223 = arith.constant 0 : i32
        %dma_wait3A_224 = tpu.memref_slice %arg2[%dma_wait3A_223] : memref<819200xi32, #tpu.memory_space<hbm>> -> memref<200xi32, #tpu.memory_space<hbm>>
        tpu.wait_dma2 semaphore(%arg23 : memref<!tpu.dma_semaphore, #tpu.memory_space<semaphore_mem>>) src(%dma_wait3A_224 : memref<200xi32, #tpu.memory_space<hbm>>) dst(%arg7 : memref<200xi32, #tpu.memory_space<vmem>>)
        %ge3A = arith.constant 2 : i32
        %ge3A_225 = arith.cmpi sge, %add3A_187, %ge3A : i32
        %convert_element_type3A_226 = arith.extui %ge3A_225 : i1 to i32
        %cond3A_227 = arith.constant 0 : i32
        %cond3A_228 = arith.cmpi ne, %convert_element_type3A_226, %cond3A_227 : i32
        scf.if %cond3A_228 {
          %dma_wait3A_245 = arith.constant 0 : i32
          %dma_wait3A_246 = arith.constant 0 : i32
          %dma_wait3A_247 = tpu.memref_slice %arg6[%dma_wait3A_245, %dma_wait3A_246] : memref<819200x128xf32, #tpu.memory_space<hbm>> -> memref<200x128xf32, #tpu.memory_space<hbm>>
          %dma_wait3A_248 = arith.constant 0 : i32
          %dma_wait3A_249 = arith.constant 0 : i32
          %dma_wait3A_250 = tpu.memref_slice %arg6[%dma_wait3A_248, %dma_wait3A_249] : memref<819200x128xf32, #tpu.memory_space<hbm>> -> memref<200x128xf32, #tpu.memory_space<hbm>>
          tpu.wait_dma2 semaphore(%arg20 : memref<!tpu.dma_semaphore, #tpu.memory_space<semaphore_mem>>) src(%arg10 : memref<200x128xf32, #tpu.memory_space<vmem>>) dst(%dma_wait3A_250 : memref<200x128xf32, #tpu.memory_space<hbm>>)
        } else {
        }
        %dma_start3A_229 = arith.constant 0 : i32
        %dma_start3A_230 = arith.constant 0 : i32
        %dma_start3A_231 = tpu.memref_slice %arg10[%dma_start3A_229, %dma_start3A_230] : memref<200x128xf32, #tpu.memory_space<vmem>> -> memref<128x128xf32, #tpu.memory_space<vmem>>
        %dma_start3A_232 = arith.constant 0 : i32
        %dma_start3A_233 = tpu.memref_slice %arg7[%dma_start3A_232] : memref<200xi32, #tpu.memory_space<vmem>> -> memref<128xi32, #tpu.memory_space<vmem>>
        %dma_start3A_234 = arith.constant 0 : i32
        %dma_start3A_235 = arith.constant 0 : i32
        %dma_start3A_236 = tpu.memref_slice %arg15[%dma_start3A_234, %dma_start3A_235] : memref<1024x128xf32, #tpu.memory_space<vmem_shared>> -> memref<1024x128xf32, #tpu.memory_space<vmem_shared>>
        tpu.enqueue_indirect_dma source(%dma_start3A_236 : memref<1024x128xf32, #tpu.memory_space<vmem_shared>>) target(%dma_start3A_231 : memref<128x128xf32, #tpu.memory_space<vmem>>) offsets(%dma_start3A_233 : memref<128xi32, #tpu.memory_space<vmem>>) semaphore(%arg17 : memref<!tpu.dma_semaphore, #tpu.memory_space<semaphore_mem>>)
        %dma_start3A_237 = arith.constant 128 : i32
        %dma_start3A_238 = arith.constant 0 : i32
        %dma_start3A_239 = tpu.memref_slice %arg10[%dma_start3A_237, %dma_start3A_238] : memref<200x128xf32, #tpu.memory_space<vmem>> -> memref<72x128xf32, #tpu.memory_space<vmem>>
        %dma_start3A_240 = arith.constant 128 : i32
        %dma_start3A_241 = tpu.memref_slice %arg7[%dma_start3A_240] : memref<200xi32, #tpu.memory_space<vmem>> -> memref<72xi32, #tpu.memory_space<vmem>>
        %dma_start3A_242 = arith.constant 0 : i32
        %dma_start3A_243 = arith.constant 0 : i32
        %dma_start3A_244 = tpu.memref_slice %arg15[%dma_start3A_242, %dma_start3A_243] : memref<1024x128xf32, #tpu.memory_space<vmem_shared>> -> memref<1024x128xf32, #tpu.memory_space<vmem_shared>>
        tpu.enqueue_indirect_dma source(%dma_start3A_244 : memref<1024x128xf32, #tpu.memory_space<vmem_shared>>) target(%dma_start3A_239 : memref<72x128xf32, #tpu.memory_space<vmem>>) offsets(%dma_start3A_241 : memref<72xi32, #tpu.memory_space<vmem>>) semaphore(%arg17 : memref<!tpu.dma_semaphore, #tpu.memory_space<semaphore_mem>>)
      } else {
      }
      %add3A_195 = arith.constant 2 : i32
      %add3A_196 = arith.addi %add3A_187, %add3A_195 : i32
      %lt3A_197 = arith.constant 128 : i32
      %lt3A_198 = arith.cmpi slt, %add3A_196, %lt3A_197 : i32
      %convert_element_type3A_199 = arith.extui %lt3A_198 : i1 to i32
      %cond3A_200 = arith.constant 0 : i32
      %cond3A_201 = arith.cmpi ne, %convert_element_type3A_199, %cond3A_200 : i32
      scf.if %cond3A_201 {
        %add3A_221 = arith.constant 2 : i32
        %add3A_222 = arith.addi %add3A_187, %add3A_221 : i32
        %mul3A_223 = arith.constant 200 : i32
        %mul3A_224 = arith.muli %add3A_222, %mul3A_223 : i32
        %add3A_225 = arith.addi %mul3A_2, %mul3A_224 : i32
        %dma_start3A_226 = tpu.memref_slice %arg2[%add3A_225] : memref<819200xi32, #tpu.memory_space<hbm>> -> memref<200xi32, #tpu.memory_space<hbm>>
        %dma_start3A_227 = tpu.memref_slice %arg2[%add3A_225] : memref<819200xi32, #tpu.memory_space<hbm>> -> memref<200xi32, #tpu.memory_space<hbm>>
        tpu.enqueue_dma source(%dma_start3A_227 : memref<200xi32, #tpu.memory_space<hbm>>) target(%arg8 : memref<200xi32, #tpu.memory_space<vmem>>) target_semaphore(%arg24 : memref<!tpu.dma_semaphore, #tpu.memory_space<semaphore_mem>>)
      } else {
      }
      %dma_wait3A_202 = arith.constant 0 : i32
      %dma_wait3A_203 = arith.constant 0 : i32
      %dma_wait3A_204 = tpu.memref_slice %arg3[%dma_wait3A_202, %dma_wait3A_203] : memref<1024x128xf32, #tpu.memory_space<hbm>> -> memref<200x128xf32, #tpu.memory_space<hbm>>
      %dma_wait3A_205 = arith.constant 0 : i32
      %dma_wait3A_206 = arith.constant 0 : i32
      %dma_wait3A_207 = tpu.memref_slice %arg3[%dma_wait3A_205, %dma_wait3A_206] : memref<1024x128xf32, #tpu.memory_space<hbm>> -> memref<200x128xf32, #tpu.memory_space<hbm>>
      tpu.wait_dma2 semaphore(%arg19 : memref<!tpu.dma_semaphore, #tpu.memory_space<semaphore_mem>>) src(%dma_wait3A_207 : memref<200x128xf32, #tpu.memory_space<hbm>>) dst(%arg12 : memref<200x128xf32, #tpu.memory_space<vmem>>)
      %scan3A_208 = arith.constant 0 : i32
      %scan3A_209 = arith.constant 0 : i32
      %scan3A_210 = arith.constant 200 : i32
      %scan3A_211 = arith.addi %scan3A_209, %scan3A_210 : i32
      %scan3A_212 = arith.constant 4 : i32
      scf.for %scan3A_221 = %scan3A_209 to %scan3A_211 step %scan3A_212  : i32 {
        %get3A = arith.index_cast %scan3A_221 : i32 to index
        %get3A_222 = arith.constant 0 : index
        %get3A_223 = tpu.vector_load %arg13[%get3A, %get3A_222] {strides = array<i32>} : memref<200x128xf32, #tpu.memory_space<vmem>>, vector<1x16xf32>,
        %get3A_224 = vector.shape_cast %get3A_223 : vector<1x16xf32> to vector<16xf32>
        %swap3A = arith.index_cast %scan3A_221 : i32 to index
        %swap3A_225 = arith.constant 0 : index
        %swap3A_226 = tpu.vector_load %arg12[%swap3A, %swap3A_225] {strides = array<i32>} : memref<200x128xf32, #tpu.memory_space<vmem>>, vector<1x16xf32>,
        %swap3A_227 = vector.shape_cast %swap3A_226 : vector<1x16xf32> to vector<16xf32>
        %swap3A_228 = vector.shape_cast %get3A_224 : vector<16xf32> to vector<1x16xf32>
        tpu.vector_store %arg12[%swap3A, %swap3A_225], %swap3A_228 {add = true, strides = array<i32>} : memref<200x128xf32, #tpu.memory_space<vmem>>, vector<1x16xf32>,
        %get3A_229 = arith.index_cast %scan3A_221 : i32 to index
        %get3A_230 = arith.constant 16 : index
        %get3A_231 = tpu.vector_load %arg13[%get3A_229, %get3A_230] {strides = array<i32>} : memref<200x128xf32, #tpu.memory_space<vmem>>, vector<1x16xf32>,
        %get3A_232 = vector.shape_cast %get3A_231 : vector<1x16xf32> to vector<16xf32>
        %swap3A_233 = arith.index_cast %scan3A_221 : i32 to index
        %swap3A_234 = arith.constant 16 : index
        %swap3A_235 = tpu.vector_load %arg12[%swap3A_233, %swap3A_234] {strides = array<i32>} : memref<200x128xf32, #tpu.memory_space<vmem>>, vector<1x16xf32>,
        %swap3A_236 = vector.shape_cast %swap3A_235 : vector<1x16xf32> to vector<16xf32>
        %swap3A_237 = vector.shape_cast %get3A_232 : vector<16xf32> to vector<1x16xf32>
        tpu.vector_store %arg12[%swap3A_233, %swap3A_234], %swap3A_237 {add = true, strides = array<i32>} : memref<200x128xf32, #tpu.memory_space<vmem>>, vector<1x16xf32>,
        %get3A_238 = arith.index_cast %scan3A_221 : i32 to index
        %get3A_239 = arith.constant 32 : index
        %get3A_240 = tpu.vector_load %arg13[%get3A_238, %get3A_239] {strides = array<i32>} : memref<200x128xf32, #tpu.memory_space<vmem>>, vector<1x16xf32>,
        %get3A_241 = vector.shape_cast %get3A_240 : vector<1x16xf32> to vector<16xf32>
        %swap3A_242 = arith.index_cast %scan3A_221 : i32 to index
        %swap3A_243 = arith.constant 32 : index
        %swap3A_244 = tpu.vector_load %arg12[%swap3A_242, %swap3A_243] {strides = array<i32>} : memref<200x128xf32, #tpu.memory_space<vmem>>, vector<1x16xf32>,
        %swap3A_245 = vector.shape_cast %swap3A_244 : vector<1x16xf32> to vector<16xf32>
        %swap3A_246 = vector.shape_cast %get3A_241 : vector<16xf32> to vector<1x16xf32>
        tpu.vector_store %arg12[%swap3A_242, %swap3A_243], %swap3A_246 {add = true, strides = array<i32>} : memref<200x128xf32, #tpu.memory_space<vmem>>, vector<1x16xf32>,
        %get3A_247 = arith.index_cast %scan3A_221 : i32 to index
        %get3A_248 = arith.constant 48 : index
        %get3A_249 = tpu.vector_load %arg13[%get3A_247, %get3A_248] {strides = array<i32>} : memref<200x128xf32, #tpu.memory_space<vmem>>, vector<1x16xf32>,
        %get3A_250 = vector.shape_cast %get3A_249 : vector<1x16xf32> to vector<16xf32>
        %swap3A_251 = arith.index_cast %scan3A_221 : i32 to index
        %swap3A_252 = arith.constant 48 : index
        %swap3A_253 = tpu.vector_load %arg12[%swap3A_251, %swap3A_252] {strides = array<i32>} : memref<200x128xf32, #tpu.memory_space<vmem>>, vector<1x16xf32>,
        %swap3A_254 = vector.shape_cast %swap3A_253 : vector<1x16xf32> to vector<16xf32>
        %swap3A_255 = vector.shape_cast %get3A_250 : vector<16xf32> to vector<1x16xf32>
        tpu.vector_store %arg12[%swap3A_251, %swap3A_252], %swap3A_255 {add = true, strides = array<i32>} : memref<200x128xf32, #tpu.memory_space<vmem>>, vector<1x16xf32>,
        %get3A_256 = arith.index_cast %scan3A_221 : i32 to index
        %get3A_257 = arith.constant 64 : index
        %get3A_258 = tpu.vector_load %arg13[%get3A_256, %get3A_257] {strides = array<i32>} : memref<200x128xf32, #tpu.memory_space<vmem>>, vector<1x16xf32>,
        %get3A_259 = vector.shape_cast %get3A_258 : vector<1x16xf32> to vector<16xf32>
        %swap3A_260 = arith.index_cast %scan3A_221 : i32 to index
        %swap3A_261 = arith.constant 64 : index
        %swap3A_262 = tpu.vector_load %arg12[%swap3A_260, %swap3A_261] {strides = array<i32>} : memref<200x128xf32, #tpu.memory_space<vmem>>, vector<1x16xf32>,
        %swap3A_263 = vector.shape_cast %swap3A_262 : vector<1x16xf32> to vector<16xf32>
        %swap3A_264 = vector.shape_cast %get3A_259 : vector<16xf32> to vector<1x16xf32>
        tpu.vector_store %arg12[%swap3A_260, %swap3A_261], %swap3A_264 {add = true, strides = array<i32>} : memref<200x128xf32, #tpu.memory_space<vmem>>, vector<1x16xf32>,
        %get3A_265 = arith.index_cast %scan3A_221 : i32 to index
        %get3A_266 = arith.constant 80 : index
        %get3A_267 = tpu.vector_load %arg13[%get3A_265, %get3A_266] {strides = array<i32>} : memref<200x128xf32, #tpu.memory_space<vmem>>, vector<1x16xf32>,
        %get3A_268 = vector.shape_cast %get3A_267 : vector<1x16xf32> to vector<16xf32>
        %swap3A_269 = arith.index_cast %scan3A_221 : i32 to index
        %swap3A_270 = arith.constant 80 : index
        %swap3A_271 = tpu.vector_load %arg12[%swap3A_269, %swap3A_270] {strides = array<i32>} : memref<200x128xf32, #tpu.memory_space<vmem>>, vector<1x16xf32>,
        %swap3A_272 = vector.shape_cast %swap3A_271 : vector<1x16xf32> to vector<16xf32>
        %swap3A_273 = vector.shape_cast %get3A_268 : vector<16xf32> to vector<1x16xf32>
        tpu.vector_store %arg12[%swap3A_269, %swap3A_270], %swap3A_273 {add = true, strides = array<i32>} : memref<200x128xf32, #tpu.memory_space<vmem>>, vector<1x16xf32>,
        %get3A_274 = arith.index_cast %scan3A_221 : i32 to index
        %get3A_275 = arith.constant 96 : index
        %get3A_276 = tpu.vector_load %arg13[%get3A_274, %get3A_275] {strides = array<i32>} : memref<200x128xf32, #tpu.memory_space<vmem>>, vector<1x16xf32>,
        %get3A_277 = vector.shape_cast %get3A_276 : vector<1x16xf32> to vector<16xf32>
        %swap3A_278 = arith.index_cast %scan3A_221 : i32 to index
        %swap3A_279 = arith.constant 96 : index
        %swap3A_280 = tpu.vector_load %arg12[%swap3A_278, %swap3A_279] {strides = array<i32>} : memref<200x128xf32, #tpu.memory_space<vmem>>, vector<1x16xf32>,
        %swap3A_281 = vector.shape_cast %swap3A_280 : vector<1x16xf32> to vector<16xf32>
        %swap3A_282 = vector.shape_cast %get3A_277 : vector<16xf32> to vector<1x16xf32>
        tpu.vector_store %arg12[%swap3A_278, %swap3A_279], %swap3A_282 {add = true, strides = array<i32>} : memref<200x128xf32, #tpu.memory_space<vmem>>, vector<1x16xf32>,
        %get3A_283 = arith.index_cast %scan3A_221 : i32 to index
        %get3A_284 = arith.constant 112 : index
        %get3A_285 = tpu.vector_load %arg13[%get3A_283, %get3A_284] {strides = array<i32>} : memref<200x128xf32, #tpu.memory_space<vmem>>, vector<1x16xf32>,
        %get3A_286 = vector.shape_cast %get3A_285 : vector<1x16xf32> to vector<16xf32>
        %swap3A_287 = arith.index_cast %scan3A_221 : i32 to index
        %swap3A_288 = arith.constant 112 : index
        %swap3A_289 = tpu.vector_load %arg12[%swap3A_287, %swap3A_288] {strides = array<i32>} : memref<200x128xf32, #tpu.memory_space<vmem>>, vector<1x16xf32>,
        %swap3A_290 = vector.shape_cast %swap3A_289 : vector<1x16xf32> to vector<16xf32>
        %swap3A_291 = vector.shape_cast %get3A_286 : vector<16xf32> to vector<1x16xf32>
        tpu.vector_store %arg12[%swap3A_287, %swap3A_288], %swap3A_291 {add = true, strides = array<i32>} : memref<200x128xf32, #tpu.memory_space<vmem>>, vector<1x16xf32>,
        %scan3A_292 = arith.constant 1 : i32
        %scan3A_293 = arith.addi %scan3A_221, %scan3A_292 : i32
        %get3A_294 = arith.index_cast %scan3A_293 : i32 to index
        %get3A_295 = arith.constant 0 : index
        %get3A_296 = tpu.vector_load %arg13[%get3A_294, %get3A_295] {strides = array<i32>} : memref<200x128xf32, #tpu.memory_space<vmem>>, vector<1x16xf32>,
        %get3A_297 = vector.shape_cast %get3A_296 : vector<1x16xf32> to vector<16xf32>
        %swap3A_298 = arith.index_cast %scan3A_293 : i32 to index
        %swap3A_299 = arith.constant 0 : index
        %swap3A_300 = tpu.vector_load %arg12[%swap3A_298, %swap3A_299] {strides = array<i32>} : memref<200x128xf32, #tpu.memory_space<vmem>>, vector<1x16xf32>,
        %swap3A_301 = vector.shape_cast %swap3A_300 : vector<1x16xf32> to vector<16xf32>
        %swap3A_302 = vector.shape_cast %get3A_297 : vector<16xf32> to vector<1x16xf32>
        tpu.vector_store %arg12[%swap3A_298, %swap3A_299], %swap3A_302 {add = true, strides = array<i32>} : memref<200x128xf32, #tpu.memory_space<vmem>>, vector<1x16xf32>,
        %get3A_303 = arith.index_cast %scan3A_293 : i32 to index
        %get3A_304 = arith.constant 16 : index
        %get3A_305 = tpu.vector_load %arg13[%get3A_303, %get3A_304] {strides = array<i32>} : memref<200x128xf32, #tpu.memory_space<vmem>>, vector<1x16xf32>,
        %get3A_306 = vector.shape_cast %get3A_305 : vector<1x16xf32> to vector<16xf32>
        %swap3A_307 = arith.index_cast %scan3A_293 : i32 to index
        %swap3A_308 = arith.constant 16 : index
        %swap3A_309 = tpu.vector_load %arg12[%swap3A_307, %swap3A_308] {strides = array<i32>} : memref<200x128xf32, #tpu.memory_space<vmem>>, vector<1x16xf32>,
        %swap3A_310 = vector.shape_cast %swap3A_309 : vector<1x16xf32> to vector<16xf32>
        %swap3A_311 = vector.shape_cast %get3A_306 : vector<16xf32> to vector<1x16xf32>
        tpu.vector_store %arg12[%swap3A_307, %swap3A_308], %swap3A_311 {add = true, strides = array<i32>} : memref<200x128xf32, #tpu.memory_space<vmem>>, vector<1x16xf32>,
        %get3A_312 = arith.index_cast %scan3A_293 : i32 to index
        %get3A_313 = arith.constant 32 : index
        %get3A_314 = tpu.vector_load %arg13[%get3A_312, %get3A_313] {strides = array<i32>} : memref<200x128xf32, #tpu.memory_space<vmem>>, vector<1x16xf32>,
        %get3A_315 = vector.shape_cast %get3A_314 : vector<1x16xf32> to vector<16xf32>
        %swap3A_316 = arith.index_cast %scan3A_293 : i32 to index
        %swap3A_317 = arith.constant 32 : index
        %swap3A_318 = tpu.vector_load %arg12[%swap3A_316, %swap3A_317] {strides = array<i32>} : memref<200x128xf32, #tpu.memory_space<vmem>>, vector<1x16xf32>,
        %swap3A_319 = vector.shape_cast %swap3A_318 : vector<1x16xf32> to vector<16xf32>
        %swap3A_320 = vector.shape_cast %get3A_315 : vector<16xf32> to vector<1x16xf32>
        tpu.vector_store %arg12[%swap3A_316, %swap3A_317], %swap3A_320 {add = true, strides = array<i32>} : memref<200x128xf32, #tpu.memory_space<vmem>>, vector<1x16xf32>,
        %get3A_321 = arith.index_cast %scan3A_293 : i32 to index
        %get3A_322 = arith.constant 48 : index
        %get3A_323 = tpu.vector_load %arg13[%get3A_321, %get3A_322] {strides = array<i32>} : memref<200x128xf32, #tpu.memory_space<vmem>>, vector<1x16xf32>,
        %get3A_324 = vector.shape_cast %get3A_323 : vector<1x16xf32> to vector<16xf32>
        %swap3A_325 = arith.index_cast %scan3A_293 : i32 to index
        %swap3A_326 = arith.constant 48 : index
        %swap3A_327 = tpu.vector_load %arg12[%swap3A_325, %swap3A_326] {strides = array<i32>} : memref<200x128xf32, #tpu.memory_space<vmem>>, vector<1x16xf32>,
        %swap3A_328 = vector.shape_cast %swap3A_327 : vector<1x16xf32> to vector<16xf32>
        %swap3A_329 = vector.shape_cast %get3A_324 : vector<16xf32> to vector<1x16xf32>
        tpu.vector_store %arg12[%swap3A_325, %swap3A_326], %swap3A_329 {add = true, strides = array<i32>} : memref<200x128xf32, #tpu.memory_space<vmem>>, vector<1x16xf32>,
        %get3A_330 = arith.index_cast %scan3A_293 : i32 to index
        %get3A_331 = arith.constant 64 : index
        %get3A_332 = tpu.vector_load %arg13[%get3A_330, %get3A_331] {strides = array<i32>} : memref<200x128xf32, #tpu.memory_space<vmem>>, vector<1x16xf32>,
        %get3A_333 = vector.shape_cast %get3A_332 : vector<1x16xf32> to vector<16xf32>
        %swap3A_334 = arith.index_cast %scan3A_293 : i32 to index
        %swap3A_335 = arith.constant 64 : index
        %swap3A_336 = tpu.vector_load %arg12[%swap3A_334, %swap3A_335] {strides = array<i32>} : memref<200x128xf32, #tpu.memory_space<vmem>>, vector<1x16xf32>,
        %swap3A_337 = vector.shape_cast %swap3A_336 : vector<1x16xf32> to vector<16xf32>
        %swap3A_338 = vector.shape_cast %get3A_333 : vector<16xf32> to vector<1x16xf32>
        tpu.vector_store %arg12[%swap3A_334, %swap3A_335], %swap3A_338 {add = true, strides = array<i32>} : memref<200x128xf32, #tpu.memory_space<vmem>>, vector<1x16xf32>,
        %get3A_339 = arith.index_cast %scan3A_293 : i32 to index
        %get3A_340 = arith.constant 80 : index
        %get3A_341 = tpu.vector_load %arg13[%get3A_339, %get3A_340] {strides = array<i32>} : memref<200x128xf32, #tpu.memory_space<vmem>>, vector<1x16xf32>,
        %get3A_342 = vector.shape_cast %get3A_341 : vector<1x16xf32> to vector<16xf32>
        %swap3A_343 = arith.index_cast %scan3A_293 : i32 to index
        %swap3A_344 = arith.constant 80 : index
        %swap3A_345 = tpu.vector_load %arg12[%swap3A_343, %swap3A_344] {strides = array<i32>} : memref<200x128xf32, #tpu.memory_space<vmem>>, vector<1x16xf32>,
        %swap3A_346 = vector.shape_cast %swap3A_345 : vector<1x16xf32> to vector<16xf32>
        %swap3A_347 = vector.shape_cast %get3A_342 : vector<16xf32> to vector<1x16xf32>
        tpu.vector_store %arg12[%swap3A_343, %swap3A_344], %swap3A_347 {add = true, strides = array<i32>} : memref<200x128xf32, #tpu.memory_space<vmem>>, vector<1x16xf32>,
        %get3A_348 = arith.index_cast %scan3A_293 : i32 to index
        %get3A_349 = arith.constant 96 : index
        %get3A_350 = tpu.vector_load %arg13[%get3A_348, %get3A_349] {strides = array<i32>} : memref<200x128xf32, #tpu.memory_space<vmem>>, vector<1x16xf32>,
        %get3A_351 = vector.shape_cast %get3A_350 : vector<1x16xf32> to vector<16xf32>
        %swap3A_352 = arith.index_cast %scan3A_293 : i32 to index
        %swap3A_353 = arith.constant 96 : index
        %swap3A_354 = tpu.vector_load %arg12[%swap3A_352, %swap3A_353] {strides = array<i32>} : memref<200x128xf32, #tpu.memory_space<vmem>>, vector<1x16xf32>,
        %swap3A_355 = vector.shape_cast %swap3A_354 : vector<1x16xf32> to vector<16xf32>
        %swap3A_356 = vector.shape_cast %get3A_351 : vector<16xf32> to vector<1x16xf32>
        tpu.vector_store %arg12[%swap3A_352, %swap3A_353], %swap3A_356 {add = true, strides = array<i32>} : memref<200x128xf32, #tpu.memory_space<vmem>>, vector<1x16xf32>,
        %get3A_357 = arith.index_cast %scan3A_293 : i32 to index
        %get3A_358 = arith.constant 112 : index
        %get3A_359 = tpu.vector_load %arg13[%get3A_357, %get3A_358] {strides = array<i32>} : memref<200x128xf32, #tpu.memory_space<vmem>>, vector<1x16xf32>,
        %get3A_360 = vector.shape_cast %get3A_359 : vector<1x16xf32> to vector<16xf32>
        %swap3A_361 = arith.index_cast %scan3A_293 : i32 to index
        %swap3A_362 = arith.constant 112 : index
        %swap3A_363 = tpu.vector_load %arg12[%swap3A_361, %swap3A_362] {strides = array<i32>} : memref<200x128xf32, #tpu.memory_space<vmem>>, vector<1x16xf32>,
        %swap3A_364 = vector.shape_cast %swap3A_363 : vector<1x16xf32> to vector<16xf32>
        %swap3A_365 = vector.shape_cast %get3A_360 : vector<16xf32> to vector<1x16xf32>
        tpu.vector_store %arg12[%swap3A_361, %swap3A_362], %swap3A_365 {add = true, strides = array<i32>} : memref<200x128xf32, #tpu.memory_space<vmem>>, vector<1x16xf32>,
        %scan3A_366 = arith.constant 2 : i32
        %scan3A_367 = arith.addi %scan3A_221, %scan3A_366 : i32
        %get3A_368 = arith.index_cast %scan3A_367 : i32 to index
        %get3A_369 = arith.constant 0 : index
        %get3A_370 = tpu.vector_load %arg13[%get3A_368, %get3A_369] {strides = array<i32>} : memref<200x128xf32, #tpu.memory_space<vmem>>, vector<1x16xf32>,
        %get3A_371 = vector.shape_cast %get3A_370 : vector<1x16xf32> to vector<16xf32>
        %swap3A_372 = arith.index_cast %scan3A_367 : i32 to index
        %swap3A_373 = arith.constant 0 : index
        %swap3A_374 = tpu.vector_load %arg12[%swap3A_372, %swap3A_373] {strides = array<i32>} : memref<200x128xf32, #tpu.memory_space<vmem>>, vector<1x16xf32>,
        %swap3A_375 = vector.shape_cast %swap3A_374 : vector<1x16xf32> to vector<16xf32>
        %swap3A_376 = vector.shape_cast %get3A_371 : vector<16xf32> to vector<1x16xf32>
        tpu.vector_store %arg12[%swap3A_372, %swap3A_373], %swap3A_376 {add = true, strides = array<i32>} : memref<200x128xf32, #tpu.memory_space<vmem>>, vector<1x16xf32>,
        %get3A_377 = arith.index_cast %scan3A_367 : i32 to index
        %get3A_378 = arith.constant 16 : index
        %get3A_379 = tpu.vector_load %arg13[%get3A_377, %get3A_378] {strides = array<i32>} : memref<200x128xf32, #tpu.memory_space<vmem>>, vector<1x16xf32>,
        %get3A_380 = vector.shape_cast %get3A_379 : vector<1x16xf32> to vector<16xf32>
        %swap3A_381 = arith.index_cast %scan3A_367 : i32 to index
        %swap3A_382 = arith.constant 16 : index
        %swap3A_383 = tpu.vector_load %arg12[%swap3A_381, %swap3A_382] {strides = array<i32>} : memref<200x128xf32, #tpu.memory_space<vmem>>, vector<1x16xf32>,
        %swap3A_384 = vector.shape_cast %swap3A_383 : vector<1x16xf32> to vector<16xf32>
        %swap3A_385 = vector.shape_cast %get3A_380 : vector<16xf32> to vector<1x16xf32>
        tpu.vector_store %arg12[%swap3A_381, %swap3A_382], %swap3A_385 {add = true, strides = array<i32>} : memref<200x128xf32, #tpu.memory_space<vmem>>, vector<1x16xf32>,
        %get3A_386 = arith.index_cast %scan3A_367 : i32 to index
        %get3A_387 = arith.constant 32 : index
        %get3A_388 = tpu.vector_load %arg13[%get3A_386, %get3A_387] {strides = array<i32>} : memref<200x128xf32, #tpu.memory_space<vmem>>, vector<1x16xf32>,
        %get3A_389 = vector.shape_cast %get3A_388 : vector<1x16xf32> to vector<16xf32>
        %swap3A_390 = arith.index_cast %scan3A_367 : i32 to index
        %swap3A_391 = arith.constant 32 : index
        %swap3A_392 = tpu.vector_load %arg12[%swap3A_390, %swap3A_391] {strides = array<i32>} : memref<200x128xf32, #tpu.memory_space<vmem>>, vector<1x16xf32>,
        %swap3A_393 = vector.shape_cast %swap3A_392 : vector<1x16xf32> to vector<16xf32>
        %swap3A_394 = vector.shape_cast %get3A_389 : vector<16xf32> to vector<1x16xf32>
        tpu.vector_store %arg12[%swap3A_390, %swap3A_391], %swap3A_394 {add = true, strides = array<i32>} : memref<200x128xf32, #tpu.memory_space<vmem>>, vector<1x16xf32>,
        %get3A_395 = arith.index_cast %scan3A_367 : i32 to index
        %get3A_396 = arith.constant 48 : index
        %get3A_397 = tpu.vector_load %arg13[%get3A_395, %get3A_396] {strides = array<i32>} : memref<200x128xf32, #tpu.memory_space<vmem>>, vector<1x16xf32>,
        %get3A_398 = vector.shape_cast %get3A_397 : vector<1x16xf32> to vector<16xf32>
        %swap3A_399 = arith.index_cast %scan3A_367 : i32 to index
        %swap3A_400 = arith.constant 48 : index
        %swap3A_401 = tpu.vector_load %arg12[%swap3A_399, %swap3A_400] {strides = array<i32>} : memref<200x128xf32, #tpu.memory_space<vmem>>, vector<1x16xf32>,
        %swap3A_402 = vector.shape_cast %swap3A_401 : vector<1x16xf32> to vector<16xf32>
        %swap3A_403 = vector.shape_cast %get3A_398 : vector<16xf32> to vector<1x16xf32>
        tpu.vector_store %arg12[%swap3A_399, %swap3A_400], %swap3A_403 {add = true, strides = array<i32>} : memref<200x128xf32, #tpu.memory_space<vmem>>, vector<1x16xf32>,
        %get3A_404 = arith.index_cast %scan3A_367 : i32 to index
        %get3A_405 = arith.constant 64 : index
        %get3A_406 = tpu.vector_load %arg13[%get3A_404, %get3A_405] {strides = array<i32>} : memref<200x128xf32, #tpu.memory_space<vmem>>, vector<1x16xf32>,
        %get3A_407 = vector.shape_cast %get3A_406 : vector<1x16xf32> to vector<16xf32>
        %swap3A_408 = arith.index_cast %scan3A_367 : i32 to index
        %swap3A_409 = arith.constant 64 : index
        %swap3A_410 = tpu.vector_load %arg12[%swap3A_408, %swap3A_409] {strides = array<i32>} : memref<200x128xf32, #tpu.memory_space<vmem>>, vector<1x16xf32>,
        %swap3A_411 = vector.shape_cast %swap3A_410 : vector<1x16xf32> to vector<16xf32>
        %swap3A_412 = vector.shape_cast %get3A_407 : vector<16xf32> to vector<1x16xf32>
        tpu.vector_store %arg12[%swap3A_408, %swap3A_409], %swap3A_412 {add = true, strides = array<i32>} : memref<200x128xf32, #tpu.memory_space<vmem>>, vector<1x16xf32>,
        %get3A_413 = arith.index_cast %scan3A_367 : i32 to index
        %get3A_414 = arith.constant 80 : index
        %get3A_415 = tpu.vector_load %arg13[%get3A_413, %get3A_414] {strides = array<i32>} : memref<200x128xf32, #tpu.memory_space<vmem>>, vector<1x16xf32>,
        %get3A_416 = vector.shape_cast %get3A_415 : vector<1x16xf32> to vector<16xf32>
        %swap3A_417 = arith.index_cast %scan3A_367 : i32 to index
        %swap3A_418 = arith.constant 80 : index
        %swap3A_419 = tpu.vector_load %arg12[%swap3A_417, %swap3A_418] {strides = array<i32>} : memref<200x128xf32, #tpu.memory_space<vmem>>, vector<1x16xf32>,
        %swap3A_420 = vector.shape_cast %swap3A_419 : vector<1x16xf32> to vector<16xf32>
        %swap3A_421 = vector.shape_cast %get3A_416 : vector<16xf32> to vector<1x16xf32>
        tpu.vector_store %arg12[%swap3A_417, %swap3A_418], %swap3A_421 {add = true, strides = array<i32>} : memref<200x128xf32, #tpu.memory_space<vmem>>, vector<1x16xf32>,
        %get3A_422 = arith.index_cast %scan3A_367 : i32 to index
        %get3A_423 = arith.constant 96 : index
        %get3A_424 = tpu.vector_load %arg13[%get3A_422, %get3A_423] {strides = array<i32>} : memref<200x128xf32, #tpu.memory_space<vmem>>, vector<1x16xf32>,
        %get3A_425 = vector.shape_cast %get3A_424 : vector<1x16xf32> to vector<16xf32>
        %swap3A_426 = arith.index_cast %scan3A_367 : i32 to index
        %swap3A_427 = arith.constant 96 : index
        %swap3A_428 = tpu.vector_load %arg12[%swap3A_426, %swap3A_427] {strides = array<i32>} : memref<200x128xf32, #tpu.memory_space<vmem>>, vector<1x16xf32>,
        %swap3A_429 = vector.shape_cast %swap3A_428 : vector<1x16xf32> to vector<16xf32>
        %swap3A_430 = vector.shape_cast %get3A_425 : vector<16xf32> to vector<1x16xf32>
        tpu.vector_store %arg12[%swap3A_426, %swap3A_427], %swap3A_430 {add = true, strides = array<i32>} : memref<200x128xf32, #tpu.memory_space<vmem>>, vector<1x16xf32>,
        %get3A_431 = arith.index_cast %scan3A_367 : i32 to index
        %get3A_432 = arith.constant 112 : index
        %get3A_433 = tpu.vector_load %arg13[%get3A_431, %get3A_432] {strides = array<i32>} : memref<200x128xf32, #tpu.memory_space<vmem>>, vector<1x16xf32>,
        %get3A_434 = vector.shape_cast %get3A_433 : vector<1x16xf32> to vector<16xf32>
        %swap3A_435 = arith.index_cast %scan3A_367 : i32 to index
        %swap3A_436 = arith.constant 112 : index
        %swap3A_437 = tpu.vector_load %arg12[%swap3A_435, %swap3A_436] {strides = array<i32>} : memref<200x128xf32, #tpu.memory_space<vmem>>, vector<1x16xf32>,
        %swap3A_438 = vector.shape_cast %swap3A_437 : vector<1x16xf32> to vector<16xf32>
        %swap3A_439 = vector.shape_cast %get3A_434 : vector<16xf32> to vector<1x16xf32>
        tpu.vector_store %arg12[%swap3A_435, %swap3A_436], %swap3A_439 {add = true, strides = array<i32>} : memref<200x128xf32, #tpu.memory_space<vmem>>, vector<1x16xf32>,
        %scan3A_440 = arith.constant 3 : i32
        %scan3A_441 = arith.addi %scan3A_221, %scan3A_440 : i32
        %get3A_442 = arith.index_cast %scan3A_441 : i32 to index
        %get3A_443 = arith.constant 0 : index
        %get3A_444 = tpu.vector_load %arg13[%get3A_442, %get3A_443] {strides = array<i32>} : memref<200x128xf32, #tpu.memory_space<vmem>>, vector<1x16xf32>,
        %get3A_445 = vector.shape_cast %get3A_444 : vector<1x16xf32> to vector<16xf32>
        %swap3A_446 = arith.index_cast %scan3A_441 : i32 to index
        %swap3A_447 = arith.constant 0 : index
        %swap3A_448 = tpu.vector_load %arg12[%swap3A_446, %swap3A_447] {strides = array<i32>} : memref<200x128xf32, #tpu.memory_space<vmem>>, vector<1x16xf32>,
        %swap3A_449 = vector.shape_cast %swap3A_448 : vector<1x16xf32> to vector<16xf32>
        %swap3A_450 = vector.shape_cast %get3A_445 : vector<16xf32> to vector<1x16xf32>
        tpu.vector_store %arg12[%swap3A_446, %swap3A_447], %swap3A_450 {add = true, strides = array<i32>} : memref<200x128xf32, #tpu.memory_space<vmem>>, vector<1x16xf32>,
        %get3A_451 = arith.index_cast %scan3A_441 : i32 to index
        %get3A_452 = arith.constant 16 : index
        %get3A_453 = tpu.vector_load %arg13[%get3A_451, %get3A_452] {strides = array<i32>} : memref<200x128xf32, #tpu.memory_space<vmem>>, vector<1x16xf32>,
        %get3A_454 = vector.shape_cast %get3A_453 : vector<1x16xf32> to vector<16xf32>
        %swap3A_455 = arith.index_cast %scan3A_441 : i32 to index
        %swap3A_456 = arith.constant 16 : index
        %swap3A_457 = tpu.vector_load %arg12[%swap3A_455, %swap3A_456] {strides = array<i32>} : memref<200x128xf32, #tpu.memory_space<vmem>>, vector<1x16xf32>,
        %swap3A_458 = vector.shape_cast %swap3A_457 : vector<1x16xf32> to vector<16xf32>
        %swap3A_459 = vector.shape_cast %get3A_454 : vector<16xf32> to vector<1x16xf32>
        tpu.vector_store %arg12[%swap3A_455, %swap3A_456], %swap3A_459 {add = true, strides = array<i32>} : memref<200x128xf32, #tpu.memory_space<vmem>>, vector<1x16xf32>,
        %get3A_460 = arith.index_cast %scan3A_441 : i32 to index
        %get3A_461 = arith.constant 32 : index
        %get3A_462 = tpu.vector_load %arg13[%get3A_460, %get3A_461] {strides = array<i32>} : memref<200x128xf32, #tpu.memory_space<vmem>>, vector<1x16xf32>,
        %get3A_463 = vector.shape_cast %get3A_462 : vector<1x16xf32> to vector<16xf32>
        %swap3A_464 = arith.index_cast %scan3A_441 : i32 to index
        %swap3A_465 = arith.constant 32 : index
        %swap3A_466 = tpu.vector_load %arg12[%swap3A_464, %swap3A_465] {strides = array<i32>} : memref<200x128xf32, #tpu.memory_space<vmem>>, vector<1x16xf32>,
        %swap3A_467 = vector.shape_cast %swap3A_466 : vector<1x16xf32> to vector<16xf32>
        %swap3A_468 = vector.shape_cast %get3A_463 : vector<16xf32> to vector<1x16xf32>
        tpu.vector_store %arg12[%swap3A_464, %swap3A_465], %swap3A_468 {add = true, strides = array<i32>} : memref<200x128xf32, #tpu.memory_space<vmem>>, vector<1x16xf32>,
        %get3A_469 = arith.index_cast %scan3A_441 : i32 to index
        %get3A_470 = arith.constant 48 : index
        %get3A_471 = tpu.vector_load %arg13[%get3A_469, %get3A_470] {strides = array<i32>} : memref<200x128xf32, #tpu.memory_space<vmem>>, vector<1x16xf32>,
        %get3A_472 = vector.shape_cast %get3A_471 : vector<1x16xf32> to vector<16xf32>
        %swap3A_473 = arith.index_cast %scan3A_441 : i32 to index
        %swap3A_474 = arith.constant 48 : index
        %swap3A_475 = tpu.vector_load %arg12[%swap3A_473, %swap3A_474] {strides = array<i32>} : memref<200x128xf32, #tpu.memory_space<vmem>>, vector<1x16xf32>,
        %swap3A_476 = vector.shape_cast %swap3A_475 : vector<1x16xf32> to vector<16xf32>
        %swap3A_477 = vector.shape_cast %get3A_472 : vector<16xf32> to vector<1x16xf32>
        tpu.vector_store %arg12[%swap3A_473, %swap3A_474], %swap3A_477 {add = true, strides = array<i32>} : memref<200x128xf32, #tpu.memory_space<vmem>>, vector<1x16xf32>,
        %get3A_478 = arith.index_cast %scan3A_441 : i32 to index
        %get3A_479 = arith.constant 64 : index
        %get3A_480 = tpu.vector_load %arg13[%get3A_478, %get3A_479] {strides = array<i32>} : memref<200x128xf32, #tpu.memory_space<vmem>>, vector<1x16xf32>,
        %get3A_481 = vector.shape_cast %get3A_480 : vector<1x16xf32> to vector<16xf32>
        %swap3A_482 = arith.index_cast %scan3A_441 : i32 to index
        %swap3A_483 = arith.constant 64 : index
        %swap3A_484 = tpu.vector_load %arg12[%swap3A_482, %swap3A_483] {strides = array<i32>} : memref<200x128xf32, #tpu.memory_space<vmem>>, vector<1x16xf32>,
        %swap3A_485 = vector.shape_cast %swap3A_484 : vector<1x16xf32> to vector<16xf32>
        %swap3A_486 = vector.shape_cast %get3A_481 : vector<16xf32> to vector<1x16xf32>
        tpu.vector_store %arg12[%swap3A_482, %swap3A_483], %swap3A_486 {add = true, strides = array<i32>} : memref<200x128xf32, #tpu.memory_space<vmem>>, vector<1x16xf32>,
        %get3A_487 = arith.index_cast %scan3A_441 : i32 to index
        %get3A_488 = arith.constant 80 : index
        %get3A_489 = tpu.vector_load %arg13[%get3A_487, %get3A_488] {strides = array<i32>} : memref<200x128xf32, #tpu.memory_space<vmem>>, vector<1x16xf32>,
        %get3A_490 = vector.shape_cast %get3A_489 : vector<1x16xf32> to vector<16xf32>
        %swap3A_491 = arith.index_cast %scan3A_441 : i32 to index
        %swap3A_492 = arith.constant 80 : index
        %swap3A_493 = tpu.vector_load %arg12[%swap3A_491, %swap3A_492] {strides = array<i32>} : memref<200x128xf32, #tpu.memory_space<vmem>>, vector<1x16xf32>,
        %swap3A_494 = vector.shape_cast %swap3A_493 : vector<1x16xf32> to vector<16xf32>
        %swap3A_495 = vector.shape_cast %get3A_490 : vector<16xf32> to vector<1x16xf32>
        tpu.vector_store %arg12[%swap3A_491, %swap3A_492], %swap3A_495 {add = true, strides = array<i32>} : memref<200x128xf32, #tpu.memory_space<vmem>>, vector<1x16xf32>,
        %get3A_496 = arith.index_cast %scan3A_441 : i32 to index
        %get3A_497 = arith.constant 96 : index
        %get3A_498 = tpu.vector_load %arg13[%get3A_496, %get3A_497] {strides = array<i32>} : memref<200x128xf32, #tpu.memory_space<vmem>>, vector<1x16xf32>,
        %get3A_499 = vector.shape_cast %get3A_498 : vector<1x16xf32> to vector<16xf32>
        %swap3A_500 = arith.index_cast %scan3A_441 : i32 to index
        %swap3A_501 = arith.constant 96 : index
        %swap3A_502 = tpu.vector_load %arg12[%swap3A_500, %swap3A_501] {strides = array<i32>} : memref<200x128xf32, #tpu.memory_space<vmem>>, vector<1x16xf32>,
        %swap3A_503 = vector.shape_cast %swap3A_502 : vector<1x16xf32> to vector<16xf32>
        %swap3A_504 = vector.shape_cast %get3A_499 : vector<16xf32> to vector<1x16xf32>
        tpu.vector_store %arg12[%swap3A_500, %swap3A_501], %swap3A_504 {add = true, strides = array<i32>} : memref<200x128xf32, #tpu.memory_space<vmem>>, vector<1x16xf32>,
        %get3A_505 = arith.index_cast %scan3A_441 : i32 to index
        %get3A_506 = arith.constant 112 : index
        %get3A_507 = tpu.vector_load %arg13[%get3A_505, %get3A_506] {strides = array<i32>} : memref<200x128xf32, #tpu.memory_space<vmem>>, vector<1x16xf32>,
        %get3A_508 = vector.shape_cast %get3A_507 : vector<1x16xf32> to vector<16xf32>
        %swap3A_509 = arith.index_cast %scan3A_441 : i32 to index
        %swap3A_510 = arith.constant 112 : index
        %swap3A_511 = tpu.vector_load %arg12[%swap3A_509, %swap3A_510] {strides = array<i32>} : memref<200x128xf32, #tpu.memory_space<vmem>>, vector<1x16xf32>,
        %swap3A_512 = vector.shape_cast %swap3A_511 : vector<1x16xf32> to vector<16xf32>
        %swap3A_513 = vector.shape_cast %get3A_508 : vector<16xf32> to vector<1x16xf32>
        tpu.vector_store %arg12[%swap3A_509, %swap3A_510], %swap3A_513 {add = true, strides = array<i32>} : memref<200x128xf32, #tpu.memory_space<vmem>>, vector<1x16xf32>,
      }
      %scan3A_213 = arith.constant 200 : i32
      %mul3A_214 = arith.constant 200 : i32
      %mul3A_215 = arith.muli %add3A_187, %mul3A_214 : i32
      %add3A_216 = arith.addi %mul3A_2, %mul3A_215 : i32
      %dma_start3A_217 = arith.constant 0 : i32
      %dma_start3A_218 = tpu.memref_slice %arg6[%add3A_216, %dma_start3A_217] : memref<819200x128xf32, #tpu.memory_space<hbm>> -> memref<200x128xf32, #tpu.memory_space<hbm>>
      %dma_start3A_219 = arith.constant 0 : i32
      %dma_start3A_220 = tpu.memref_slice %arg6[%add3A_216, %dma_start3A_219] : memref<819200x128xf32, #tpu.memory_space<hbm>> -> memref<200x128xf32, #tpu.memory_space<hbm>>
      tpu.enqueue_dma source(%arg12 : memref<200x128xf32, #tpu.memory_space<vmem>>) target(%dma_start3A_220 : memref<200x128xf32, #tpu.memory_space<hbm>>) target_semaphore(%arg22 : memref<!tpu.dma_semaphore, #tpu.memory_space<semaphore_mem>>)
    }
    %scan3A_36 = arith.constant 42 : i32
    %dma_wait3A = arith.constant 0 : i32
    %dma_wait3A_37 = tpu.memref_slice %arg2[%dma_wait3A] : memref<819200xi32, #tpu.memory_space<hbm>> -> memref<200xi32, #tpu.memory_space<hbm>>
    %dma_wait3A_38 = arith.constant 0 : i32
    %dma_wait3A_39 = tpu.memref_slice %arg2[%dma_wait3A_38] : memref<819200xi32, #tpu.memory_space<hbm>> -> memref<200xi32, #tpu.memory_space<hbm>>
    tpu.wait_dma2 semaphore(%arg24 : memref<!tpu.dma_semaphore, #tpu.memory_space<semaphore_mem>>) src(%dma_wait3A_39 : memref<200xi32, #tpu.memory_space<hbm>>) dst(%arg8 : memref<200xi32, #tpu.memory_space<vmem>>)
    %dma_wait3A_40 = arith.constant 0 : i32
    %dma_wait3A_41 = arith.constant 0 : i32
    %dma_wait3A_42 = tpu.memref_slice %arg6[%dma_wait3A_40, %dma_wait3A_41] : memref<819200x128xf32, #tpu.memory_space<hbm>> -> memref<200x128xf32, #tpu.memory_space<hbm>>
    %dma_wait3A_43 = arith.constant 0 : i32
    %dma_wait3A_44 = arith.constant 0 : i32
    %dma_wait3A_45 = tpu.memref_slice %arg6[%dma_wait3A_43, %dma_wait3A_44] : memref<819200x128xf32, #tpu.memory_space<hbm>> -> memref<200x128xf32, #tpu.memory_space<hbm>>
    tpu.wait_dma2 semaphore(%arg21 : memref<!tpu.dma_semaphore, #tpu.memory_space<semaphore_mem>>) src(%arg11 : memref<200x128xf32, #tpu.memory_space<vmem>>) dst(%dma_wait3A_45 : memref<200x128xf32, #tpu.memory_space<hbm>>)
    %dma_start3A_46 = arith.constant 0 : i32
    %dma_start3A_47 = arith.constant 0 : i32
    %dma_start3A_48 = tpu.memref_slice %arg11[%dma_start3A_46, %dma_start3A_47] : memref<200x128xf32, #tpu.memory_space<vmem>> -> memref<128x128xf32, #tpu.memory_space<vmem>>
    %dma_start3A_49 = arith.constant 0 : i32
    %dma_start3A_50 = tpu.memref_slice %arg8[%dma_start3A_49] : memref<200xi32, #tpu.memory_space<vmem>> -> memref<128xi32, #tpu.memory_space<vmem>>
    %dma_start3A_51 = arith.constant 0 : i32
    %dma_start3A_52 = arith.constant 0 : i32
    %dma_start3A_53 = tpu.memref_slice %arg15[%dma_start3A_51, %dma_start3A_52] : memref<1024x128xf32, #tpu.memory_space<vmem_shared>> -> memref<1024x128xf32, #tpu.memory_space<vmem_shared>>
    tpu.enqueue_indirect_dma source(%dma_start3A_53 : memref<1024x128xf32, #tpu.memory_space<vmem_shared>>) target(%dma_start3A_48 : memref<128x128xf32, #tpu.memory_space<vmem>>) offsets(%dma_start3A_50 : memref<128xi32, #tpu.memory_space<vmem>>) semaphore(%arg18 : memref<!tpu.dma_semaphore, #tpu.memory_space<semaphore_mem>>)
    %dma_start3A_54 = arith.constant 128 : i32
    %dma_start3A_55 = arith.constant 0 : i32
    %dma_start3A_56 = tpu.memref_slice %arg11[%dma_start3A_54, %dma_start3A_55] : memref<200x128xf32, #tpu.memory_space<vmem>> -> memref<72x128xf32, #tpu.memory_space<vmem>>
    %dma_start3A_57 = arith.constant 128 : i32
    %dma_start3A_58 = tpu.memref_slice %arg8[%dma_start3A_57] : memref<200xi32, #tpu.memory_space<vmem>> -> memref<72xi32, #tpu.memory_space<vmem>>
    %dma_start3A_59 = arith.constant 0 : i32
    %dma_start3A_60 = arith.constant 0 : i32
    %dma_start3A_61 = tpu.memref_slice %arg15[%dma_start3A_59, %dma_start3A_60] : memref<1024x128xf32, #tpu.memory_space<vmem_shared>> -> memref<1024x128xf32, #tpu.memory_space<vmem_shared>>
    tpu.enqueue_indirect_dma source(%dma_start3A_61 : memref<1024x128xf32, #tpu.memory_space<vmem_shared>>) target(%dma_start3A_56 : memref<72x128xf32, #tpu.memory_space<vmem>>) offsets(%dma_start3A_58 : memref<72xi32, #tpu.memory_space<vmem>>) semaphore(%arg18 : memref<!tpu.dma_semaphore, #tpu.memory_space<semaphore_mem>>)
    %dma_wait3A_62 = arith.constant 0 : i32
    %dma_wait3A_63 = arith.constant 0 : i32
    %dma_wait3A_64 = tpu.memref_slice %arg3[%dma_wait3A_62, %dma_wait3A_63] : memref<1024x128xf32, #tpu.memory_space<hbm>> -> memref<200x128xf32, #tpu.memory_space<hbm>>
    %dma_wait3A_65 = arith.constant 0 : i32
    %dma_wait3A_66 = arith.constant 0 : i32
    %dma_wait3A_67 = tpu.memref_slice %arg3[%dma_wait3A_65, %dma_wait3A_66] : memref<1024x128xf32, #tpu.memory_space<hbm>> -> memref<200x128xf32, #tpu.memory_space<hbm>>
    tpu.wait_dma2 semaphore(%arg17 : memref<!tpu.dma_semaphore, #tpu.memory_space<semaphore_mem>>) src(%dma_wait3A_67 : memref<200x128xf32, #tpu.memory_space<hbm>>) dst(%arg10 : memref<200x128xf32, #tpu.memory_space<vmem>>)
    %scan3A_68 = arith.constant 0 : i32
    %scan3A_69 = arith.constant 0 : i32
    %scan3A_70 = arith.constant 200 : i32
    %scan3A_71 = arith.addi %scan3A_69, %scan3A_70 : i32
    %scan3A_72 = arith.constant 4 : i32
    scf.for %scan3A_110 = %scan3A_69 to %scan3A_71 step %scan3A_72  : i32 {
      %get3A = arith.index_cast %scan3A_110 : i32 to index
      %get3A_111 = arith.constant 0 : index
      %get3A_112 = tpu.vector_load %arg13[%get3A, %get3A_111] {strides = array<i32>} : memref<200x128xf32, #tpu.memory_space<vmem>>, vector<1x16xf32>,
      %get3A_113 = vector.shape_cast %get3A_112 : vector<1x16xf32> to vector<16xf32>
      %swap3A = arith.index_cast %scan3A_110 : i32 to index
      %swap3A_114 = arith.constant 0 : index
      %swap3A_115 = tpu.vector_load %arg10[%swap3A, %swap3A_114] {strides = array<i32>} : memref<200x128xf32, #tpu.memory_space<vmem>>, vector<1x16xf32>,
      %swap3A_116 = vector.shape_cast %swap3A_115 : vector<1x16xf32> to vector<16xf32>
      %swap3A_117 = vector.shape_cast %get3A_113 : vector<16xf32> to vector<1x16xf32>
      tpu.vector_store %arg10[%swap3A, %swap3A_114], %swap3A_117 {add = true, strides = array<i32>} : memref<200x128xf32, #tpu.memory_space<vmem>>, vector<1x16xf32>,
      %get3A_118 = arith.index_cast %scan3A_110 : i32 to index
      %get3A_119 = arith.constant 16 : index
      %get3A_120 = tpu.vector_load %arg13[%get3A_118, %get3A_119] {strides = array<i32>} : memref<200x128xf32, #tpu.memory_space<vmem>>, vector<1x16xf32>,
      %get3A_121 = vector.shape_cast %get3A_120 : vector<1x16xf32> to vector<16xf32>
      %swap3A_122 = arith.index_cast %scan3A_110 : i32 to index
      %swap3A_123 = arith.constant 16 : index
      %swap3A_124 = tpu.vector_load %arg10[%swap3A_122, %swap3A_123] {strides = array<i32>} : memref<200x128xf32, #tpu.memory_space<vmem>>, vector<1x16xf32>,
      %swap3A_125 = vector.shape_cast %swap3A_124 : vector<1x16xf32> to vector<16xf32>
      %swap3A_126 = vector.shape_cast %get3A_121 : vector<16xf32> to vector<1x16xf32>
      tpu.vector_store %arg10[%swap3A_122, %swap3A_123], %swap3A_126 {add = true, strides = array<i32>} : memref<200x128xf32, #tpu.memory_space<vmem>>, vector<1x16xf32>,
      %get3A_127 = arith.index_cast %scan3A_110 : i32 to index
      %get3A_128 = arith.constant 32 : index
      %get3A_129 = tpu.vector_load %arg13[%get3A_127, %get3A_128] {strides = array<i32>} : memref<200x128xf32, #tpu.memory_space<vmem>>, vector<1x16xf32>,
      %get3A_130 = vector.shape_cast %get3A_129 : vector<1x16xf32> to vector<16xf32>
      %swap3A_131 = arith.index_cast %scan3A_110 : i32 to index
      %swap3A_132 = arith.constant 32 : index
      %swap3A_133 = tpu.vector_load %arg10[%swap3A_131, %swap3A_132] {strides = array<i32>} : memref<200x128xf32, #tpu.memory_space<vmem>>, vector<1x16xf32>,
      %swap3A_134 = vector.shape_cast %swap3A_133 : vector<1x16xf32> to vector<16xf32>
      %swap3A_135 = vector.shape_cast %get3A_130 : vector<16xf32> to vector<1x16xf32>
      tpu.vector_store %arg10[%swap3A_131, %swap3A_132], %swap3A_135 {add = true, strides = array<i32>} : memref<200x128xf32, #tpu.memory_space<vmem>>, vector<1x16xf32>,
      %get3A_136 = arith.index_cast %scan3A_110 : i32 to index
      %get3A_137 = arith.constant 48 : index
      %get3A_138 = tpu.vector_load %arg13[%get3A_136, %get3A_137] {strides = array<i32>} : memref<200x128xf32, #tpu.memory_space<vmem>>, vector<1x16xf32>,
      %get3A_139 = vector.shape_cast %get3A_138 : vector<1x16xf32> to vector<16xf32>
      %swap3A_140 = arith.index_cast %scan3A_110 : i32 to index
      %swap3A_141 = arith.constant 48 : index
      %swap3A_142 = tpu.vector_load %arg10[%swap3A_140, %swap3A_141] {strides = array<i32>} : memref<200x128xf32, #tpu.memory_space<vmem>>, vector<1x16xf32>,
      %swap3A_143 = vector.shape_cast %swap3A_142 : vector<1x16xf32> to vector<16xf32>
      %swap3A_144 = vector.shape_cast %get3A_139 : vector<16xf32> to vector<1x16xf32>
      tpu.vector_store %arg10[%swap3A_140, %swap3A_141], %swap3A_144 {add = true, strides = array<i32>} : memref<200x128xf32, #tpu.memory_space<vmem>>, vector<1x16xf32>,
      %get3A_145 = arith.index_cast %scan3A_110 : i32 to index
      %get3A_146 = arith.constant 64 : index
      %get3A_147 = tpu.vector_load %arg13[%get3A_145, %get3A_146] {strides = array<i32>} : memref<200x128xf32, #tpu.memory_space<vmem>>, vector<1x16xf32>,
      %get3A_148 = vector.shape_cast %get3A_147 : vector<1x16xf32> to vector<16xf32>
      %swap3A_149 = arith.index_cast %scan3A_110 : i32 to index
      %swap3A_150 = arith.constant 64 : index
      %swap3A_151 = tpu.vector_load %arg10[%swap3A_149, %swap3A_150] {strides = array<i32>} : memref<200x128xf32, #tpu.memory_space<vmem>>, vector<1x16xf32>,
      %swap3A_152 = vector.shape_cast %swap3A_151 : vector<1x16xf32> to vector<16xf32>
      %swap3A_153 = vector.shape_cast %get3A_148 : vector<16xf32> to vector<1x16xf32>
      tpu.vector_store %arg10[%swap3A_149, %swap3A_150], %swap3A_153 {add = true, strides = array<i32>} : memref<200x128xf32, #tpu.memory_space<vmem>>, vector<1x16xf32>,
      %get3A_154 = arith.index_cast %scan3A_110 : i32 to index
      %get3A_155 = arith.constant 80 : index
      %get3A_156 = tpu.vector_load %arg13[%get3A_154, %get3A_155] {strides = array<i32>} : memref<200x128xf32, #tpu.memory_space<vmem>>, vector<1x16xf32>,
      %get3A_157 = vector.shape_cast %get3A_156 : vector<1x16xf32> to vector<16xf32>
      %swap3A_158 = arith.index_cast %scan3A_110 : i32 to index
      %swap3A_159 = arith.constant 80 : index
      %swap3A_160 = tpu.vector_load %arg10[%swap3A_158, %swap3A_159] {strides = array<i32>} : memref<200x128xf32, #tpu.memory_space<vmem>>, vector<1x16xf32>,
      %swap3A_161 = vector.shape_cast %swap3A_160 : vector<1x16xf32> to vector<16xf32>
      %swap3A_162 = vector.shape_cast %get3A_157 : vector<16xf32> to vector<1x16xf32>
      tpu.vector_store %arg10[%swap3A_158, %swap3A_159], %swap3A_162 {add = true, strides = array<i32>} : memref<200x128xf32, #tpu.memory_space<vmem>>, vector<1x16xf32>,
      %get3A_163 = arith.index_cast %scan3A_110 : i32 to index
      %get3A_164 = arith.constant 96 : index
      %get3A_165 = tpu.vector_load %arg13[%get3A_163, %get3A_164] {strides = array<i32>} : memref<200x128xf32, #tpu.memory_space<vmem>>, vector<1x16xf32>,
      %get3A_166 = vector.shape_cast %get3A_165 : vector<1x16xf32> to vector<16xf32>
      %swap3A_167 = arith.index_cast %scan3A_110 : i32 to index
      %swap3A_168 = arith.constant 96 : index
      %swap3A_169 = tpu.vector_load %arg10[%swap3A_167, %swap3A_168] {strides = array<i32>} : memref<200x128xf32, #tpu.memory_space<vmem>>, vector<1x16xf32>,
      %swap3A_170 = vector.shape_cast %swap3A_169 : vector<1x16xf32> to vector<16xf32>
      %swap3A_171 = vector.shape_cast %get3A_166 : vector<16xf32> to vector<1x16xf32>
      tpu.vector_store %arg10[%swap3A_167, %swap3A_168], %swap3A_171 {add = true, strides = array<i32>} : memref<200x128xf32, #tpu.memory_space<vmem>>, vector<1x16xf32>,
      %get3A_172 = arith.index_cast %scan3A_110 : i32 to index
      %get3A_173 = arith.constant 112 : index
      %get3A_174 = tpu.vector_load %arg13[%get3A_172, %get3A_173] {strides = array<i32>} : memref<200x128xf32, #tpu.memory_space<vmem>>, vector<1x16xf32>,
      %get3A_175 = vector.shape_cast %get3A_174 : vector<1x16xf32> to vector<16xf32>
      %swap3A_176 = arith.index_cast %scan3A_110 : i32 to index
      %swap3A_177 = arith.constant 112 : index
      %swap3A_178 = tpu.vector_load %arg10[%swap3A_176, %swap3A_177] {strides = array<i32>} : memref<200x128xf32, #tpu.memory_space<vmem>>, vector<1x16xf32>,
      %swap3A_179 = vector.shape_cast %swap3A_178 : vector<1x16xf32> to vector<16xf32>
      %swap3A_180 = vector.shape_cast %get3A_175 : vector<16xf32> to vector<1x16xf32>
      tpu.vector_store %arg10[%swap3A_176, %swap3A_177], %swap3A_180 {add = true, strides = array<i32>} : memref<200x128xf32, #tpu.memory_space<vmem>>, vector<1x16xf32>,
      %scan3A_181 = arith.constant 1 : i32
      %scan3A_182 = arith.addi %scan3A_110, %scan3A_181 : i32
      %get3A_183 = arith.index_cast %scan3A_182 : i32 to index
      %get3A_184 = arith.constant 0 : index
      %get3A_185 = tpu.vector_load %arg13[%get3A_183, %get3A_184] {strides = array<i32>} : memref<200x128xf32, #tpu.memory_space<vmem>>, vector<1x16xf32>,
      %get3A_186 = vector.shape_cast %get3A_185 : vector<1x16xf32> to vector<16xf32>
      %swap3A_187 = arith.index_cast %scan3A_182 : i32 to index
      %swap3A_188 = arith.constant 0 : index
      %swap3A_189 = tpu.vector_load %arg10[%swap3A_187, %swap3A_188] {strides = array<i32>} : memref<200x128xf32, #tpu.memory_space<vmem>>, vector<1x16xf32>,
      %swap3A_190 = vector.shape_cast %swap3A_189 : vector<1x16xf32> to vector<16xf32>
      %swap3A_191 = vector.shape_cast %get3A_186 : vector<16xf32> to vector<1x16xf32>
      tpu.vector_store %arg10[%swap3A_187, %swap3A_188], %swap3A_191 {add = true, strides = array<i32>} : memref<200x128xf32, #tpu.memory_space<vmem>>, vector<1x16xf32>,
      %get3A_192 = arith.index_cast %scan3A_182 : i32 to index
      %get3A_193 = arith.constant 16 : index
      %get3A_194 = tpu.vector_load %arg13[%get3A_192, %get3A_193] {strides = array<i32>} : memref<200x128xf32, #tpu.memory_space<vmem>>, vector<1x16xf32>,
      %get3A_195 = vector.shape_cast %get3A_194 : vector<1x16xf32> to vector<16xf32>
      %swap3A_196 = arith.index_cast %scan3A_182 : i32 to index
      %swap3A_197 = arith.constant 16 : index
      %swap3A_198 = tpu.vector_load %arg10[%swap3A_196, %swap3A_197] {strides = array<i32>} : memref<200x128xf32, #tpu.memory_space<vmem>>, vector<1x16xf32>,
      %swap3A_199 = vector.shape_cast %swap3A_198 : vector<1x16xf32> to vector<16xf32>
      %swap3A_200 = vector.shape_cast %get3A_195 : vector<16xf32> to vector<1x16xf32>
      tpu.vector_store %arg10[%swap3A_196, %swap3A_197], %swap3A_200 {add = true, strides = array<i32>} : memref<200x128xf32, #tpu.memory_space<vmem>>, vector<1x16xf32>,
      %get3A_201 = arith.index_cast %scan3A_182 : i32 to index
      %get3A_202 = arith.constant 32 : index
      %get3A_203 = tpu.vector_load %arg13[%get3A_201, %get3A_202] {strides = array<i32>} : memref<200x128xf32, #tpu.memory_space<vmem>>, vector<1x16xf32>,
      %get3A_204 = vector.shape_cast %get3A_203 : vector<1x16xf32> to vector<16xf32>
      %swap3A_205 = arith.index_cast %scan3A_182 : i32 to index
      %swap3A_206 = arith.constant 32 : index
      %swap3A_207 = tpu.vector_load %arg10[%swap3A_205, %swap3A_206] {strides = array<i32>} : memref<200x128xf32, #tpu.memory_space<vmem>>, vector<1x16xf32>,
      %swap3A_208 = vector.shape_cast %swap3A_207 : vector<1x16xf32> to vector<16xf32>
      %swap3A_209 = vector.shape_cast %get3A_204 : vector<16xf32> to vector<1x16xf32>
      tpu.vector_store %arg10[%swap3A_205, %swap3A_206], %swap3A_209 {add = true, strides = array<i32>} : memref<200x128xf32, #tpu.memory_space<vmem>>, vector<1x16xf32>,
      %get3A_210 = arith.index_cast %scan3A_182 : i32 to index
      %get3A_211 = arith.constant 48 : index
      %get3A_212 = tpu.vector_load %arg13[%get3A_210, %get3A_211] {strides = array<i32>} : memref<200x128xf32, #tpu.memory_space<vmem>>, vector<1x16xf32>,
      %get3A_213 = vector.shape_cast %get3A_212 : vector<1x16xf32> to vector<16xf32>
      %swap3A_214 = arith.index_cast %scan3A_182 : i32 to index
      %swap3A_215 = arith.constant 48 : index
      %swap3A_216 = tpu.vector_load %arg10[%swap3A_214, %swap3A_215] {strides = array<i32>} : memref<200x128xf32, #tpu.memory_space<vmem>>, vector<1x16xf32>,
      %swap3A_217 = vector.shape_cast %swap3A_216 : vector<1x16xf32> to vector<16xf32>
      %swap3A_218 = vector.shape_cast %get3A_213 : vector<16xf32> to vector<1x16xf32>
      tpu.vector_store %arg10[%swap3A_214, %swap3A_215], %swap3A_218 {add = true, strides = array<i32>} : memref<200x128xf32, #tpu.memory_space<vmem>>, vector<1x16xf32>,
      %get3A_219 = arith.index_cast %scan3A_182 : i32 to index
      %get3A_220 = arith.constant 64 : index
      %get3A_221 = tpu.vector_load %arg13[%get3A_219, %get3A_220] {strides = array<i32>} : memref<200x128xf32, #tpu.memory_space<vmem>>, vector<1x16xf32>,
      %get3A_222 = vector.shape_cast %get3A_221 : vector<1x16xf32> to vector<16xf32>
      %swap3A_223 = arith.index_cast %scan3A_182 : i32 to index
      %swap3A_224 = arith.constant 64 : index
      %swap3A_225 = tpu.vector_load %arg10[%swap3A_223, %swap3A_224] {strides = array<i32>} : memref<200x128xf32, #tpu.memory_space<vmem>>, vector<1x16xf32>,
      %swap3A_226 = vector.shape_cast %swap3A_225 : vector<1x16xf32> to vector<16xf32>
      %swap3A_227 = vector.shape_cast %get3A_222 : vector<16xf32> to vector<1x16xf32>
      tpu.vector_store %arg10[%swap3A_223, %swap3A_224], %swap3A_227 {add = true, strides = array<i32>} : memref<200x128xf32, #tpu.memory_space<vmem>>, vector<1x16xf32>,
      %get3A_228 = arith.index_cast %scan3A_182 : i32 to index
      %get3A_229 = arith.constant 80 : index
      %get3A_230 = tpu.vector_load %arg13[%get3A_228, %get3A_229] {strides = array<i32>} : memref<200x128xf32, #tpu.memory_space<vmem>>, vector<1x16xf32>,
      %get3A_231 = vector.shape_cast %get3A_230 : vector<1x16xf32> to vector<16xf32>
      %swap3A_232 = arith.index_cast %scan3A_182 : i32 to index
      %swap3A_233 = arith.constant 80 : index
      %swap3A_234 = tpu.vector_load %arg10[%swap3A_232, %swap3A_233] {strides = array<i32>} : memref<200x128xf32, #tpu.memory_space<vmem>>, vector<1x16xf32>,
      %swap3A_235 = vector.shape_cast %swap3A_234 : vector<1x16xf32> to vector<16xf32>
      %swap3A_236 = vector.shape_cast %get3A_231 : vector<16xf32> to vector<1x16xf32>
      tpu.vector_store %arg10[%swap3A_232, %swap3A_233], %swap3A_236 {add = true, strides = array<i32>} : memref<200x128xf32, #tpu.memory_space<vmem>>, vector<1x16xf32>,
      %get3A_237 = arith.index_cast %scan3A_182 : i32 to index
      %get3A_238 = arith.constant 96 : index
      %get3A_239 = tpu.vector_load %arg13[%get3A_237, %get3A_238] {strides = array<i32>} : memref<200x128xf32, #tpu.memory_space<vmem>>, vector<1x16xf32>,
      %get3A_240 = vector.shape_cast %get3A_239 : vector<1x16xf32> to vector<16xf32>
      %swap3A_241 = arith.index_cast %scan3A_182 : i32 to index
      %swap3A_242 = arith.constant 96 : index
      %swap3A_243 = tpu.vector_load %arg10[%swap3A_241, %swap3A_242] {strides = array<i32>} : memref<200x128xf32, #tpu.memory_space<vmem>>, vector<1x16xf32>,
      %swap3A_244 = vector.shape_cast %swap3A_243 : vector<1x16xf32> to vector<16xf32>
      %swap3A_245 = vector.shape_cast %get3A_240 : vector<16xf32> to vector<1x16xf32>
      tpu.vector_store %arg10[%swap3A_241, %swap3A_242], %swap3A_245 {add = true, strides = array<i32>} : memref<200x128xf32, #tpu.memory_space<vmem>>, vector<1x16xf32>,
      %get3A_246 = arith.index_cast %scan3A_182 : i32 to index
      %get3A_247 = arith.constant 112 : index
      %get3A_248 = tpu.vector_load %arg13[%get3A_246, %get3A_247] {strides = array<i32>} : memref<200x128xf32, #tpu.memory_space<vmem>>, vector<1x16xf32>,
      %get3A_249 = vector.shape_cast %get3A_248 : vector<1x16xf32> to vector<16xf32>
      %swap3A_250 = arith.index_cast %scan3A_182 : i32 to index
      %swap3A_251 = arith.constant 112 : index
      %swap3A_252 = tpu.vector_load %arg10[%swap3A_250, %swap3A_251] {strides = array<i32>} : memref<200x128xf32, #tpu.memory_space<vmem>>, vector<1x16xf32>,
      %swap3A_253 = vector.shape_cast %swap3A_252 : vector<1x16xf32> to vector<16xf32>
      %swap3A_254 = vector.shape_cast %get3A_249 : vector<16xf32> to vector<1x16xf32>
      tpu.vector_store %arg10[%swap3A_250, %swap3A_251], %swap3A_254 {add = true, strides = array<i32>} : memref<200x128xf32, #tpu.memory_space<vmem>>, vector<1x16xf32>,
      %scan3A_255 = arith.constant 2 : i32
      %scan3A_256 = arith.addi %scan3A_110, %scan3A_255 : i32
      %get3A_257 = arith.index_cast %scan3A_256 : i32 to index
      %get3A_258 = arith.constant 0 : index
      %get3A_259 = tpu.vector_load %arg13[%get3A_257, %get3A_258] {strides = array<i32>} : memref<200x128xf32, #tpu.memory_space<vmem>>, vector<1x16xf32>,
      %get3A_260 = vector.shape_cast %get3A_259 : vector<1x16xf32> to vector<16xf32>
      %swap3A_261 = arith.index_cast %scan3A_256 : i32 to index
      %swap3A_262 = arith.constant 0 : index
      %swap3A_263 = tpu.vector_load %arg10[%swap3A_261, %swap3A_262] {strides = array<i32>} : memref<200x128xf32, #tpu.memory_space<vmem>>, vector<1x16xf32>,
      %swap3A_264 = vector.shape_cast %swap3A_263 : vector<1x16xf32> to vector<16xf32>
      %swap3A_265 = vector.shape_cast %get3A_260 : vector<16xf32> to vector<1x16xf32>
      tpu.vector_store %arg10[%swap3A_261, %swap3A_262], %swap3A_265 {add = true, strides = array<i32>} : memref<200x128xf32, #tpu.memory_space<vmem>>, vector<1x16xf32>,
      %get3A_266 = arith.index_cast %scan3A_256 : i32 to index
      %get3A_267 = arith.constant 16 : index
      %get3A_268 = tpu.vector_load %arg13[%get3A_266, %get3A_267] {strides = array<i32>} : memref<200x128xf32, #tpu.memory_space<vmem>>, vector<1x16xf32>,
      %get3A_269 = vector.shape_cast %get3A_268 : vector<1x16xf32> to vector<16xf32>
      %swap3A_270 = arith.index_cast %scan3A_256 : i32 to index
      %swap3A_271 = arith.constant 16 : index
      %swap3A_272 = tpu.vector_load %arg10[%swap3A_270, %swap3A_271] {strides = array<i32>} : memref<200x128xf32, #tpu.memory_space<vmem>>, vector<1x16xf32>,
      %swap3A_273 = vector.shape_cast %swap3A_272 : vector<1x16xf32> to vector<16xf32>
      %swap3A_274 = vector.shape_cast %get3A_269 : vector<16xf32> to vector<1x16xf32>
      tpu.vector_store %arg10[%swap3A_270, %swap3A_271], %swap3A_274 {add = true, strides = array<i32>} : memref<200x128xf32, #tpu.memory_space<vmem>>, vector<1x16xf32>,
      %get3A_275 = arith.index_cast %scan3A_256 : i32 to index
      %get3A_276 = arith.constant 32 : index
      %get3A_277 = tpu.vector_load %arg13[%get3A_275, %get3A_276] {strides = array<i32>} : memref<200x128xf32, #tpu.memory_space<vmem>>, vector<1x16xf32>,
      %get3A_278 = vector.shape_cast %get3A_277 : vector<1x16xf32> to vector<16xf32>
      %swap3A_279 = arith.index_cast %scan3A_256 : i32 to index
      %swap3A_280 = arith.constant 32 : index
      %swap3A_281 = tpu.vector_load %arg10[%swap3A_279, %swap3A_280] {strides = array<i32>} : memref<200x128xf32, #tpu.memory_space<vmem>>, vector<1x16xf32>,
      %swap3A_282 = vector.shape_cast %swap3A_281 : vector<1x16xf32> to vector<16xf32>
      %swap3A_283 = vector.shape_cast %get3A_278 : vector<16xf32> to vector<1x16xf32>
      tpu.vector_store %arg10[%swap3A_279, %swap3A_280], %swap3A_283 {add = true, strides = array<i32>} : memref<200x128xf32, #tpu.memory_space<vmem>>, vector<1x16xf32>,
      %get3A_284 = arith.index_cast %scan3A_256 : i32 to index
      %get3A_285 = arith.constant 48 : index
      %get3A_286 = tpu.vector_load %arg13[%get3A_284, %get3A_285] {strides = array<i32>} : memref<200x128xf32, #tpu.memory_space<vmem>>, vector<1x16xf32>,
      %get3A_287 = vector.shape_cast %get3A_286 : vector<1x16xf32> to vector<16xf32>
      %swap3A_288 = arith.index_cast %scan3A_256 : i32 to index
      %swap3A_289 = arith.constant 48 : index
      %swap3A_290 = tpu.vector_load %arg10[%swap3A_288, %swap3A_289] {strides = array<i32>} : memref<200x128xf32, #tpu.memory_space<vmem>>, vector<1x16xf32>,
      %swap3A_291 = vector.shape_cast %swap3A_290 : vector<1x16xf32> to vector<16xf32>
      %swap3A_292 = vector.shape_cast %get3A_287 : vector<16xf32> to vector<1x16xf32>
      tpu.vector_store %arg10[%swap3A_288, %swap3A_289], %swap3A_292 {add = true, strides = array<i32>} : memref<200x128xf32, #tpu.memory_space<vmem>>, vector<1x16xf32>,
      %get3A_293 = arith.index_cast %scan3A_256 : i32 to index
      %get3A_294 = arith.constant 64 : index
      %get3A_295 = tpu.vector_load %arg13[%get3A_293, %get3A_294] {strides = array<i32>} : memref<200x128xf32, #tpu.memory_space<vmem>>, vector<1x16xf32>,
      %get3A_296 = vector.shape_cast %get3A_295 : vector<1x16xf32> to vector<16xf32>
      %swap3A_297 = arith.index_cast %scan3A_256 : i32 to index
      %swap3A_298 = arith.constant 64 : index
      %swap3A_299 = tpu.vector_load %arg10[%swap3A_297, %swap3A_298] {strides = array<i32>} : memref<200x128xf32, #tpu.memory_space<vmem>>, vector<1x16xf32>,
      %swap3A_300 = vector.shape_cast %swap3A_299 : vector<1x16xf32> to vector<16xf32>
      %swap3A_301 = vector.shape_cast %get3A_296 : vector<16xf32> to vector<1x16xf32>
      tpu.vector_store %arg10[%swap3A_297, %swap3A_298], %swap3A_301 {add = true, strides = array<i32>} : memref<200x128xf32, #tpu.memory_space<vmem>>, vector<1x16xf32>,
      %get3A_302 = arith.index_cast %scan3A_256 : i32 to index
      %get3A_303 = arith.constant 80 : index
      %get3A_304 = tpu.vector_load %arg13[%get3A_302, %get3A_303] {strides = array<i32>} : memref<200x128xf32, #tpu.memory_space<vmem>>, vector<1x16xf32>,
      %get3A_305 = vector.shape_cast %get3A_304 : vector<1x16xf32> to vector<16xf32>
      %swap3A_306 = arith.index_cast %scan3A_256 : i32 to index
      %swap3A_307 = arith.constant 80 : index
      %swap3A_308 = tpu.vector_load %arg10[%swap3A_306, %swap3A_307] {strides = array<i32>} : memref<200x128xf32, #tpu.memory_space<vmem>>, vector<1x16xf32>,
      %swap3A_309 = vector.shape_cast %swap3A_308 : vector<1x16xf32> to vector<16xf32>
      %swap3A_310 = vector.shape_cast %get3A_305 : vector<16xf32> to vector<1x16xf32>
      tpu.vector_store %arg10[%swap3A_306, %swap3A_307], %swap3A_310 {add = true, strides = array<i32>} : memref<200x128xf32, #tpu.memory_space<vmem>>, vector<1x16xf32>,
      %get3A_311 = arith.index_cast %scan3A_256 : i32 to index
      %get3A_312 = arith.constant 96 : index
      %get3A_313 = tpu.vector_load %arg13[%get3A_311, %get3A_312] {strides = array<i32>} : memref<200x128xf32, #tpu.memory_space<vmem>>, vector<1x16xf32>,
      %get3A_314 = vector.shape_cast %get3A_313 : vector<1x16xf32> to vector<16xf32>
      %swap3A_315 = arith.index_cast %scan3A_256 : i32 to index
      %swap3A_316 = arith.constant 96 : index
      %swap3A_317 = tpu.vector_load %arg10[%swap3A_315, %swap3A_316] {strides = array<i32>} : memref<200x128xf32, #tpu.memory_space<vmem>>, vector<1x16xf32>,
      %swap3A_318 = vector.shape_cast %swap3A_317 : vector<1x16xf32> to vector<16xf32>
      %swap3A_319 = vector.shape_cast %get3A_314 : vector<16xf32> to vector<1x16xf32>
      tpu.vector_store %arg10[%swap3A_315, %swap3A_316], %swap3A_319 {add = true, strides = array<i32>} : memref<200x128xf32, #tpu.memory_space<vmem>>, vector<1x16xf32>,
      %get3A_320 = arith.index_cast %scan3A_256 : i32 to index
      %get3A_321 = arith.constant 112 : index
      %get3A_322 = tpu.vector_load %arg13[%get3A_320, %get3A_321] {strides = array<i32>} : memref<200x128xf32, #tpu.memory_space<vmem>>, vector<1x16xf32>,
      %get3A_323 = vector.shape_cast %get3A_322 : vector<1x16xf32> to vector<16xf32>
      %swap3A_324 = arith.index_cast %scan3A_256 : i32 to index
      %swap3A_325 = arith.constant 112 : index
      %swap3A_326 = tpu.vector_load %arg10[%swap3A_324, %swap3A_325] {strides = array<i32>} : memref<200x128xf32, #tpu.memory_space<vmem>>, vector<1x16xf32>,
      %swap3A_327 = vector.shape_cast %swap3A_326 : vector<1x16xf32> to vector<16xf32>
      %swap3A_328 = vector.shape_cast %get3A_323 : vector<16xf32> to vector<1x16xf32>
      tpu.vector_store %arg10[%swap3A_324, %swap3A_325], %swap3A_328 {add = true, strides = array<i32>} : memref<200x128xf32, #tpu.memory_space<vmem>>, vector<1x16xf32>,
      %scan3A_329 = arith.constant 3 : i32
      %scan3A_330 = arith.addi %scan3A_110, %scan3A_329 : i32
      %get3A_331 = arith.index_cast %scan3A_330 : i32 to index
      %get3A_332 = arith.constant 0 : index
      %get3A_333 = tpu.vector_load %arg13[%get3A_331, %get3A_332] {strides = array<i32>} : memref<200x128xf32, #tpu.memory_space<vmem>>, vector<1x16xf32>,
      %get3A_334 = vector.shape_cast %get3A_333 : vector<1x16xf32> to vector<16xf32>
      %swap3A_335 = arith.index_cast %scan3A_330 : i32 to index
      %swap3A_336 = arith.constant 0 : index
      %swap3A_337 = tpu.vector_load %arg10[%swap3A_335, %swap3A_336] {strides = array<i32>} : memref<200x128xf32, #tpu.memory_space<vmem>>, vector<1x16xf32>,
      %swap3A_338 = vector.shape_cast %swap3A_337 : vector<1x16xf32> to vector<16xf32>
      %swap3A_339 = vector.shape_cast %get3A_334 : vector<16xf32> to vector<1x16xf32>
      tpu.vector_store %arg10[%swap3A_335, %swap3A_336], %swap3A_339 {add = true, strides = array<i32>} : memref<200x128xf32, #tpu.memory_space<vmem>>, vector<1x16xf32>,
      %get3A_340 = arith.index_cast %scan3A_330 : i32 to index
      %get3A_341 = arith.constant 16 : index
      %get3A_342 = tpu.vector_load %arg13[%get3A_340, %get3A_341] {strides = array<i32>} : memref<200x128xf32, #tpu.memory_space<vmem>>, vector<1x16xf32>,
      %get3A_343 = vector.shape_cast %get3A_342 : vector<1x16xf32> to vector<16xf32>
      %swap3A_344 = arith.index_cast %scan3A_330 : i32 to index
      %swap3A_345 = arith.constant 16 : index
      %swap3A_346 = tpu.vector_load %arg10[%swap3A_344, %swap3A_345] {strides = array<i32>} : memref<200x128xf32, #tpu.memory_space<vmem>>, vector<1x16xf32>,
      %swap3A_347 = vector.shape_cast %swap3A_346 : vector<1x16xf32> to vector<16xf32>
      %swap3A_348 = vector.shape_cast %get3A_343 : vector<16xf32> to vector<1x16xf32>
      tpu.vector_store %arg10[%swap3A_344, %swap3A_345], %swap3A_348 {add = true, strides = array<i32>} : memref<200x128xf32, #tpu.memory_space<vmem>>, vector<1x16xf32>,
      %get3A_349 = arith.index_cast %scan3A_330 : i32 to index
      %get3A_350 = arith.constant 32 : index
      %get3A_351 = tpu.vector_load %arg13[%get3A_349, %get3A_350] {strides = array<i32>} : memref<200x128xf32, #tpu.memory_space<vmem>>, vector<1x16xf32>,
      %get3A_352 = vector.shape_cast %get3A_351 : vector<1x16xf32> to vector<16xf32>
      %swap3A_353 = arith.index_cast %scan3A_330 : i32 to index
      %swap3A_354 = arith.constant 32 : index
      %swap3A_355 = tpu.vector_load %arg10[%swap3A_353, %swap3A_354] {strides = array<i32>} : memref<200x128xf32, #tpu.memory_space<vmem>>, vector<1x16xf32>,
      %swap3A_356 = vector.shape_cast %swap3A_355 : vector<1x16xf32> to vector<16xf32>
      %swap3A_357 = vector.shape_cast %get3A_352 : vector<16xf32> to vector<1x16xf32>
      tpu.vector_store %arg10[%swap3A_353, %swap3A_354], %swap3A_357 {add = true, strides = array<i32>} : memref<200x128xf32, #tpu.memory_space<vmem>>, vector<1x16xf32>,
      %get3A_358 = arith.index_cast %scan3A_330 : i32 to index
      %get3A_359 = arith.constant 48 : index
      %get3A_360 = tpu.vector_load %arg13[%get3A_358, %get3A_359] {strides = array<i32>} : memref<200x128xf32, #tpu.memory_space<vmem>>, vector<1x16xf32>,
      %get3A_361 = vector.shape_cast %get3A_360 : vector<1x16xf32> to vector<16xf32>
      %swap3A_362 = arith.index_cast %scan3A_330 : i32 to index
      %swap3A_363 = arith.constant 48 : index
      %swap3A_364 = tpu.vector_load %arg10[%swap3A_362, %swap3A_363] {strides = array<i32>} : memref<200x128xf32, #tpu.memory_space<vmem>>, vector<1x16xf32>,
      %swap3A_365 = vector.shape_cast %swap3A_364 : vector<1x16xf32> to vector<16xf32>
      %swap3A_366 = vector.shape_cast %get3A_361 : vector<16xf32> to vector<1x16xf32>
      tpu.vector_store %arg10[%swap3A_362, %swap3A_363], %swap3A_366 {add = true, strides = array<i32>} : memref<200x128xf32, #tpu.memory_space<vmem>>, vector<1x16xf32>,
      %get3A_367 = arith.index_cast %scan3A_330 : i32 to index
      %get3A_368 = arith.constant 64 : index
      %get3A_369 = tpu.vector_load %arg13[%get3A_367, %get3A_368] {strides = array<i32>} : memref<200x128xf32, #tpu.memory_space<vmem>>, vector<1x16xf32>,
      %get3A_370 = vector.shape_cast %get3A_369 : vector<1x16xf32> to vector<16xf32>
      %swap3A_371 = arith.index_cast %scan3A_330 : i32 to index
      %swap3A_372 = arith.constant 64 : index
      %swap3A_373 = tpu.vector_load %arg10[%swap3A_371, %swap3A_372] {strides = array<i32>} : memref<200x128xf32, #tpu.memory_space<vmem>>, vector<1x16xf32>,
      %swap3A_374 = vector.shape_cast %swap3A_373 : vector<1x16xf32> to vector<16xf32>
      %swap3A_375 = vector.shape_cast %get3A_370 : vector<16xf32> to vector<1x16xf32>
      tpu.vector_store %arg10[%swap3A_371, %swap3A_372], %swap3A_375 {add = true, strides = array<i32>} : memref<200x128xf32, #tpu.memory_space<vmem>>, vector<1x16xf32>,
      %get3A_376 = arith.index_cast %scan3A_330 : i32 to index
      %get3A_377 = arith.constant 80 : index
      %get3A_378 = tpu.vector_load %arg13[%get3A_376, %get3A_377] {strides = array<i32>} : memref<200x128xf32, #tpu.memory_space<vmem>>, vector<1x16xf32>,
      %get3A_379 = vector.shape_cast %get3A_378 : vector<1x16xf32> to vector<16xf32>
      %swap3A_380 = arith.index_cast %scan3A_330 : i32 to index
      %swap3A_381 = arith.constant 80 : index
      %swap3A_382 = tpu.vector_load %arg10[%swap3A_380, %swap3A_381] {strides = array<i32>} : memref<200x128xf32, #tpu.memory_space<vmem>>, vector<1x16xf32>,
      %swap3A_383 = vector.shape_cast %swap3A_382 : vector<1x16xf32> to vector<16xf32>
      %swap3A_384 = vector.shape_cast %get3A_379 : vector<16xf32> to vector<1x16xf32>
      tpu.vector_store %arg10[%swap3A_380, %swap3A_381], %swap3A_384 {add = true, strides = array<i32>} : memref<200x128xf32, #tpu.memory_space<vmem>>, vector<1x16xf32>,
      %get3A_385 = arith.index_cast %scan3A_330 : i32 to index
      %get3A_386 = arith.constant 96 : index
      %get3A_387 = tpu.vector_load %arg13[%get3A_385, %get3A_386] {strides = array<i32>} : memref<200x128xf32, #tpu.memory_space<vmem>>, vector<1x16xf32>,
      %get3A_388 = vector.shape_cast %get3A_387 : vector<1x16xf32> to vector<16xf32>
      %swap3A_389 = arith.index_cast %scan3A_330 : i32 to index
      %swap3A_390 = arith.constant 96 : index
      %swap3A_391 = tpu.vector_load %arg10[%swap3A_389, %swap3A_390] {strides = array<i32>} : memref<200x128xf32, #tpu.memory_space<vmem>>, vector<1x16xf32>,
      %swap3A_392 = vector.shape_cast %swap3A_391 : vector<1x16xf32> to vector<16xf32>
      %swap3A_393 = vector.shape_cast %get3A_388 : vector<16xf32> to vector<1x16xf32>
      tpu.vector_store %arg10[%swap3A_389, %swap3A_390], %swap3A_393 {add = true, strides = array<i32>} : memref<200x128xf32, #tpu.memory_space<vmem>>, vector<1x16xf32>,
      %get3A_394 = arith.index_cast %scan3A_330 : i32 to index
      %get3A_395 = arith.constant 112 : index
      %get3A_396 = tpu.vector_load %arg13[%get3A_394, %get3A_395] {strides = array<i32>} : memref<200x128xf32, #tpu.memory_space<vmem>>, vector<1x16xf32>,
      %get3A_397 = vector.shape_cast %get3A_396 : vector<1x16xf32> to vector<16xf32>
      %swap3A_398 = arith.index_cast %scan3A_330 : i32 to index
      %swap3A_399 = arith.constant 112 : index
      %swap3A_400 = tpu.vector_load %arg10[%swap3A_398, %swap3A_399] {strides = array<i32>} : memref<200x128xf32, #tpu.memory_space<vmem>>, vector<1x16xf32>,
      %swap3A_401 = vector.shape_cast %swap3A_400 : vector<1x16xf32> to vector<16xf32>
      %swap3A_402 = vector.shape_cast %get3A_397 : vector<16xf32> to vector<1x16xf32>
      tpu.vector_store %arg10[%swap3A_398, %swap3A_399], %swap3A_402 {add = true, strides = array<i32>} : memref<200x128xf32, #tpu.memory_space<vmem>>, vector<1x16xf32>,
    }
    %scan3A_73 = arith.constant 200 : i32
    %add3A_74 = arith.constant 25200 : i32
    %add3A_75 = arith.addi %mul3A_2, %add3A_74 : i32
    %dma_start3A_76 = arith.constant 0 : i32
    %dma_start3A_77 = tpu.memref_slice %arg6[%add3A_75, %dma_start3A_76] : memref<819200x128xf32, #tpu.memory_space<hbm>> -> memref<200x128xf32, #tpu.memory_space<hbm>>
    %dma_start3A_78 = arith.constant 0 : i32
    %dma_start3A_79 = tpu.memref_slice %arg6[%add3A_75, %dma_start3A_78] : memref<819200x128xf32, #tpu.memory_space<hbm>> -> memref<200x128xf32, #tpu.memory_space<hbm>>
    tpu.enqueue_dma source(%arg10 : memref<200x128xf32, #tpu.memory_space<vmem>>) target(%dma_start3A_79 : memref<200x128xf32, #tpu.memory_space<hbm>>) target_semaphore(%arg20 : memref<!tpu.dma_semaphore, #tpu.memory_space<semaphore_mem>>)
    %dma_wait3A_80 = arith.constant 0 : i32
    %dma_wait3A_81 = arith.constant 0 : i32
    %dma_wait3A_82 = tpu.memref_slice %arg3[%dma_wait3A_80, %dma_wait3A_81] : memref<1024x128xf32, #tpu.memory_space<hbm>> -> memref<200x128xf32, #tpu.memory_space<hbm>>
    %dma_wait3A_83 = arith.constant 0 : i32
    %dma_wait3A_84 = arith.constant 0 : i32
    %dma_wait3A_85 = tpu.memref_slice %arg3[%dma_wait3A_83, %dma_wait3A_84] : memref<1024x128xf32, #tpu.memory_space<hbm>> -> memref<200x128xf32, #tpu.memory_space<hbm>>
    tpu.wait_dma2 semaphore(%arg18 : memref<!tpu.dma_semaphore, #tpu.memory_space<semaphore_mem>>) src(%dma_wait3A_85 : memref<200x128xf32, #tpu.memory_space<hbm>>) dst(%arg11 : memref<200x128xf32, #tpu.memory_space<vmem>>)
    %scan3A_86 = arith.constant 0 : i32
    %scan3A_87 = arith.constant 0 : i32
    %scan3A_88 = arith.constant 200 : i32
    %scan3A_89 = arith.addi %scan3A_87, %scan3A_88 : i32
    %scan3A_90 = arith.constant 4 : i32
    scf.for %scan3A_110 = %scan3A_87 to %scan3A_89 step %scan3A_90  : i32 {
      %get3A = arith.index_cast %scan3A_110 : i32 to index
      %get3A_111 = arith.constant 0 : index
      %get3A_112 = tpu.vector_load %arg13[%get3A, %get3A_111] {strides = array<i32>} : memref<200x128xf32, #tpu.memory_space<vmem>>, vector<1x16xf32>,
      %get3A_113 = vector.shape_cast %get3A_112 : vector<1x16xf32> to vector<16xf32>
      %swap3A = arith.index_cast %scan3A_110 : i32 to index
      %swap3A_114 = arith.constant 0 : index
      %swap3A_115 = tpu.vector_load %arg11[%swap3A, %swap3A_114] {strides = array<i32>} : memref<200x128xf32, #tpu.memory_space<vmem>>, vector<1x16xf32>,
      %swap3A_116 = vector.shape_cast %swap3A_115 : vector<1x16xf32> to vector<16xf32>
      %swap3A_117 = vector.shape_cast %get3A_113 : vector<16xf32> to vector<1x16xf32>
      tpu.vector_store %arg11[%swap3A, %swap3A_114], %swap3A_117 {add = true, strides = array<i32>} : memref<200x128xf32, #tpu.memory_space<vmem>>, vector<1x16xf32>,
      %get3A_118 = arith.index_cast %scan3A_110 : i32 to index
      %get3A_119 = arith.constant 16 : index
      %get3A_120 = tpu.vector_load %arg13[%get3A_118, %get3A_119] {strides = array<i32>} : memref<200x128xf32, #tpu.memory_space<vmem>>, vector<1x16xf32>,
      %get3A_121 = vector.shape_cast %get3A_120 : vector<1x16xf32> to vector<16xf32>
      %swap3A_122 = arith.index_cast %scan3A_110 : i32 to index
      %swap3A_123 = arith.constant 16 : index
      %swap3A_124 = tpu.vector_load %arg11[%swap3A_122, %swap3A_123] {strides = array<i32>} : memref<200x128xf32, #tpu.memory_space<vmem>>, vector<1x16xf32>,
      %swap3A_125 = vector.shape_cast %swap3A_124 : vector<1x16xf32> to vector<16xf32>
      %swap3A_126 = vector.shape_cast %get3A_121 : vector<16xf32> to vector<1x16xf32>
      tpu.vector_store %arg11[%swap3A_122, %swap3A_123], %swap3A_126 {add = true, strides = array<i32>} : memref<200x128xf32, #tpu.memory_space<vmem>>, vector<1x16xf32>,
      %get3A_127 = arith.index_cast %scan3A_110 : i32 to index
      %get3A_128 = arith.constant 32 : index
      %get3A_129 = tpu.vector_load %arg13[%get3A_127, %get3A_128] {strides = array<i32>} : memref<200x128xf32, #tpu.memory_space<vmem>>, vector<1x16xf32>,
      %get3A_130 = vector.shape_cast %get3A_129 : vector<1x16xf32> to vector<16xf32>
      %swap3A_131 = arith.index_cast %scan3A_110 : i32 to index
      %swap3A_132 = arith.constant 32 : index
      %swap3A_133 = tpu.vector_load %arg11[%swap3A_131, %swap3A_132] {strides = array<i32>} : memref<200x128xf32, #tpu.memory_space<vmem>>, vector<1x16xf32>,
      %swap3A_134 = vector.shape_cast %swap3A_133 : vector<1x16xf32> to vector<16xf32>
      %swap3A_135 = vector.shape_cast %get3A_130 : vector<16xf32> to vector<1x16xf32>
      tpu.vector_store %arg11[%swap3A_131, %swap3A_132], %swap3A_135 {add = true, strides = array<i32>} : memref<200x128xf32, #tpu.memory_space<vmem>>, vector<1x16xf32>,
      %get3A_136 = arith.index_cast %scan3A_110 : i32 to index
      %get3A_137 = arith.constant 48 : index
      %get3A_138 = tpu.vector_load %arg13[%get3A_136, %get3A_137] {strides = array<i32>} : memref<200x128xf32, #tpu.memory_space<vmem>>, vector<1x16xf32>,
      %get3A_139 = vector.shape_cast %get3A_138 : vector<1x16xf32> to vector<16xf32>
      %swap3A_140 = arith.index_cast %scan3A_110 : i32 to index
      %swap3A_141 = arith.constant 48 : index
      %swap3A_142 = tpu.vector_load %arg11[%swap3A_140, %swap3A_141] {strides = array<i32>} : memref<200x128xf32, #tpu.memory_space<vmem>>, vector<1x16xf32>,
      %swap3A_143 = vector.shape_cast %swap3A_142 : vector<1x16xf32> to vector<16xf32>
      %swap3A_144 = vector.shape_cast %get3A_139 : vector<16xf32> to vector<1x16xf32>
      tpu.vector_store %arg11[%swap3A_140, %swap3A_141], %swap3A_144 {add = true, strides = array<i32>} : memref<200x128xf32, #tpu.memory_space<vmem>>, vector<1x16xf32>,
      %get3A_145 = arith.index_cast %scan3A_110 : i32 to index
      %get3A_146 = arith.constant 64 : index
      %get3A_147 = tpu.vector_load %arg13[%get3A_145, %get3A_146] {strides = array<i32>} : memref<200x128xf32, #tpu.memory_space<vmem>>, vector<1x16xf32>,
      %get3A_148 = vector.shape_cast %get3A_147 : vector<1x16xf32> to vector<16xf32>
      %swap3A_149 = arith.index_cast %scan3A_110 : i32 to index
      %swap3A_150 = arith.constant 64 : index
      %swap3A_151 = tpu.vector_load %arg11[%swap3A_149, %swap3A_150] {strides = array<i32>} : memref<200x128xf32, #tpu.memory_space<vmem>>, vector<1x16xf32>,
      %swap3A_152 = vector.shape_cast %swap3A_151 : vector<1x16xf32> to vector<16xf32>
      %swap3A_153 = vector.shape_cast %get3A_148 : vector<16xf32> to vector<1x16xf32>
      tpu.vector_store %arg11[%swap3A_149, %swap3A_150], %swap3A_153 {add = true, strides = array<i32>} : memref<200x128xf32, #tpu.memory_space<vmem>>, vector<1x16xf32>,
      %get3A_154 = arith.index_cast %scan3A_110 : i32 to index
      %get3A_155 = arith.constant 80 : index
      %get3A_156 = tpu.vector_load %arg13[%get3A_154, %get3A_155] {strides = array<i32>} : memref<200x128xf32, #tpu.memory_space<vmem>>, vector<1x16xf32>,
      %get3A_157 = vector.shape_cast %get3A_156 : vector<1x16xf32> to vector<16xf32>
      %swap3A_158 = arith.index_cast %scan3A_110 : i32 to index
      %swap3A_159 = arith.constant 80 : index
      %swap3A_160 = tpu.vector_load %arg11[%swap3A_158, %swap3A_159] {strides = array<i32>} : memref<200x128xf32, #tpu.memory_space<vmem>>, vector<1x16xf32>,
      %swap3A_161 = vector.shape_cast %swap3A_160 : vector<1x16xf32> to vector<16xf32>
      %swap3A_162 = vector.shape_cast %get3A_157 : vector<16xf32> to vector<1x16xf32>
      tpu.vector_store %arg11[%swap3A_158, %swap3A_159], %swap3A_162 {add = true, strides = array<i32>} : memref<200x128xf32, #tpu.memory_space<vmem>>, vector<1x16xf32>,
      %get3A_163 = arith.index_cast %scan3A_110 : i32 to index
      %get3A_164 = arith.constant 96 : index
      %get3A_165 = tpu.vector_load %arg13[%get3A_163, %get3A_164] {strides = array<i32>} : memref<200x128xf32, #tpu.memory_space<vmem>>, vector<1x16xf32>,
      %get3A_166 = vector.shape_cast %get3A_165 : vector<1x16xf32> to vector<16xf32>
      %swap3A_167 = arith.index_cast %scan3A_110 : i32 to index
      %swap3A_168 = arith.constant 96 : index
      %swap3A_169 = tpu.vector_load %arg11[%swap3A_167, %swap3A_168] {strides = array<i32>} : memref<200x128xf32, #tpu.memory_space<vmem>>, vector<1x16xf32>,
      %swap3A_170 = vector.shape_cast %swap3A_169 : vector<1x16xf32> to vector<16xf32>
      %swap3A_171 = vector.shape_cast %get3A_166 : vector<16xf32> to vector<1x16xf32>
      tpu.vector_store %arg11[%swap3A_167, %swap3A_168], %swap3A_171 {add = true, strides = array<i32>} : memref<200x128xf32, #tpu.memory_space<vmem>>, vector<1x16xf32>,
      %get3A_172 = arith.index_cast %scan3A_110 : i32 to index
      %get3A_173 = arith.constant 112 : index
      %get3A_174 = tpu.vector_load %arg13[%get3A_172, %get3A_173] {strides = array<i32>} : memref<200x128xf32, #tpu.memory_space<vmem>>, vector<1x16xf32>,
      %get3A_175 = vector.shape_cast %get3A_174 : vector<1x16xf32> to vector<16xf32>
      %swap3A_176 = arith.index_cast %scan3A_110 : i32 to index
      %swap3A_177 = arith.constant 112 : index
      %swap3A_178 = tpu.vector_load %arg11[%swap3A_176, %swap3A_177] {strides = array<i32>} : memref<200x128xf32, #tpu.memory_space<vmem>>, vector<1x16xf32>,
      %swap3A_179 = vector.shape_cast %swap3A_178 : vector<1x16xf32> to vector<16xf32>
      %swap3A_180 = vector.shape_cast %get3A_175 : vector<16xf32> to vector<1x16xf32>
      tpu.vector_store %arg11[%swap3A_176, %swap3A_177], %swap3A_180 {add = true, strides = array<i32>} : memref<200x128xf32, #tpu.memory_space<vmem>>, vector<1x16xf32>,
      %scan3A_181 = arith.constant 1 : i32
      %scan3A_182 = arith.addi %scan3A_110, %scan3A_181 : i32
      %get3A_183 = arith.index_cast %scan3A_182 : i32 to index
      %get3A_184 = arith.constant 0 : index
      %get3A_185 = tpu.vector_load %arg13[%get3A_183, %get3A_184] {strides = array<i32>} : memref<200x128xf32, #tpu.memory_space<vmem>>, vector<1x16xf32>,
      %get3A_186 = vector.shape_cast %get3A_185 : vector<1x16xf32> to vector<16xf32>
      %swap3A_187 = arith.index_cast %scan3A_182 : i32 to index
      %swap3A_188 = arith.constant 0 : index
      %swap3A_189 = tpu.vector_load %arg11[%swap3A_187, %swap3A_188] {strides = array<i32>} : memref<200x128xf32, #tpu.memory_space<vmem>>, vector<1x16xf32>,
      %swap3A_190 = vector.shape_cast %swap3A_189 : vector<1x16xf32> to vector<16xf32>
      %swap3A_191 = vector.shape_cast %get3A_186 : vector<16xf32> to vector<1x16xf32>
      tpu.vector_store %arg11[%swap3A_187, %swap3A_188], %swap3A_191 {add = true, strides = array<i32>} : memref<200x128xf32, #tpu.memory_space<vmem>>, vector<1x16xf32>,
      %get3A_192 = arith.index_cast %scan3A_182 : i32 to index
      %get3A_193 = arith.constant 16 : index
      %get3A_194 = tpu.vector_load %arg13[%get3A_192, %get3A_193] {strides = array<i32>} : memref<200x128xf32, #tpu.memory_space<vmem>>, vector<1x16xf32>,
      %get3A_195 = vector.shape_cast %get3A_194 : vector<1x16xf32> to vector<16xf32>
      %swap3A_196 = arith.index_cast %scan3A_182 : i32 to index
      %swap3A_197 = arith.constant 16 : index
      %swap3A_198 = tpu.vector_load %arg11[%swap3A_196, %swap3A_197] {strides = array<i32>} : memref<200x128xf32, #tpu.memory_space<vmem>>, vector<1x16xf32>,
      %swap3A_199 = vector.shape_cast %swap3A_198 : vector<1x16xf32> to vector<16xf32>
      %swap3A_200 = vector.shape_cast %get3A_195 : vector<16xf32> to vector<1x16xf32>
      tpu.vector_store %arg11[%swap3A_196, %swap3A_197], %swap3A_200 {add = true, strides = array<i32>} : memref<200x128xf32, #tpu.memory_space<vmem>>, vector<1x16xf32>,
      %get3A_201 = arith.index_cast %scan3A_182 : i32 to index
      %get3A_202 = arith.constant 32 : index
      %get3A_203 = tpu.vector_load %arg13[%get3A_201, %get3A_202] {strides = array<i32>} : memref<200x128xf32, #tpu.memory_space<vmem>>, vector<1x16xf32>,
      %get3A_204 = vector.shape_cast %get3A_203 : vector<1x16xf32> to vector<16xf32>
      %swap3A_205 = arith.index_cast %scan3A_182 : i32 to index
      %swap3A_206 = arith.constant 32 : index
      %swap3A_207 = tpu.vector_load %arg11[%swap3A_205, %swap3A_206] {strides = array<i32>} : memref<200x128xf32, #tpu.memory_space<vmem>>, vector<1x16xf32>,
      %swap3A_208 = vector.shape_cast %swap3A_207 : vector<1x16xf32> to vector<16xf32>
      %swap3A_209 = vector.shape_cast %get3A_204 : vector<16xf32> to vector<1x16xf32>
      tpu.vector_store %arg11[%swap3A_205, %swap3A_206], %swap3A_209 {add = true, strides = array<i32>} : memref<200x128xf32, #tpu.memory_space<vmem>>, vector<1x16xf32>,
      %get3A_210 = arith.index_cast %scan3A_182 : i32 to index
      %get3A_211 = arith.constant 48 : index
      %get3A_212 = tpu.vector_load %arg13[%get3A_210, %get3A_211] {strides = array<i32>} : memref<200x128xf32, #tpu.memory_space<vmem>>, vector<1x16xf32>,
      %get3A_213 = vector.shape_cast %get3A_212 : vector<1x16xf32> to vector<16xf32>
      %swap3A_214 = arith.index_cast %scan3A_182 : i32 to index
      %swap3A_215 = arith.constant 48 : index
      %swap3A_216 = tpu.vector_load %arg11[%swap3A_214, %swap3A_215] {strides = array<i32>} : memref<200x128xf32, #tpu.memory_space<vmem>>, vector<1x16xf32>,
      %swap3A_217 = vector.shape_cast %swap3A_216 : vector<1x16xf32> to vector<16xf32>
      %swap3A_218 = vector.shape_cast %get3A_213 : vector<16xf32> to vector<1x16xf32>
      tpu.vector_store %arg11[%swap3A_214, %swap3A_215], %swap3A_218 {add = true, strides = array<i32>} : memref<200x128xf32, #tpu.memory_space<vmem>>, vector<1x16xf32>,
      %get3A_219 = arith.index_cast %scan3A_182 : i32 to index
      %get3A_220 = arith.constant 64 : index
      %get3A_221 = tpu.vector_load %arg13[%get3A_219, %get3A_220] {strides = array<i32>} : memref<200x128xf32, #tpu.memory_space<vmem>>, vector<1x16xf32>,
      %get3A_222 = vector.shape_cast %get3A_221 : vector<1x16xf32> to vector<16xf32>
      %swap3A_223 = arith.index_cast %scan3A_182 : i32 to index
      %swap3A_224 = arith.constant 64 : index
      %swap3A_225 = tpu.vector_load %arg11[%swap3A_223, %swap3A_224] {strides = array<i32>} : memref<200x128xf32, #tpu.memory_space<vmem>>, vector<1x16xf32>,
      %swap3A_226 = vector.shape_cast %swap3A_225 : vector<1x16xf32> to vector<16xf32>
      %swap3A_227 = vector.shape_cast %get3A_222 : vector<16xf32> to vector<1x16xf32>
      tpu.vector_store %arg11[%swap3A_223, %swap3A_224], %swap3A_227 {add = true, strides = array<i32>} : memref<200x128xf32, #tpu.memory_space<vmem>>, vector<1x16xf32>,
      %get3A_228 = arith.index_cast %scan3A_182 : i32 to index
      %get3A_229 = arith.constant 80 : index
      %get3A_230 = tpu.vector_load %arg13[%get3A_228, %get3A_229] {strides = array<i32>} : memref<200x128xf32, #tpu.memory_space<vmem>>, vector<1x16xf32>,
      %get3A_231 = vector.shape_cast %get3A_230 : vector<1x16xf32> to vector<16xf32>
      %swap3A_232 = arith.index_cast %scan3A_182 : i32 to index
      %swap3A_233 = arith.constant 80 : index
      %swap3A_234 = tpu.vector_load %arg11[%swap3A_232, %swap3A_233] {strides = array<i32>} : memref<200x128xf32, #tpu.memory_space<vmem>>, vector<1x16xf32>,
      %swap3A_235 = vector.shape_cast %swap3A_234 : vector<1x16xf32> to vector<16xf32>
      %swap3A_236 = vector.shape_cast %get3A_231 : vector<16xf32> to vector<1x16xf32>
      tpu.vector_store %arg11[%swap3A_232, %swap3A_233], %swap3A_236 {add = true, strides = array<i32>} : memref<200x128xf32, #tpu.memory_space<vmem>>, vector<1x16xf32>,
      %get3A_237 = arith.index_cast %scan3A_182 : i32 to index
      %get3A_238 = arith.constant 96 : index
      %get3A_239 = tpu.vector_load %arg13[%get3A_237, %get3A_238] {strides = array<i32>} : memref<200x128xf32, #tpu.memory_space<vmem>>, vector<1x16xf32>,
      %get3A_240 = vector.shape_cast %get3A_239 : vector<1x16xf32> to vector<16xf32>
      %swap3A_241 = arith.index_cast %scan3A_182 : i32 to index
      %swap3A_242 = arith.constant 96 : index
      %swap3A_243 = tpu.vector_load %arg11[%swap3A_241, %swap3A_242] {strides = array<i32>} : memref<200x128xf32, #tpu.memory_space<vmem>>, vector<1x16xf32>,
      %swap3A_244 = vector.shape_cast %swap3A_243 : vector<1x16xf32> to vector<16xf32>
      %swap3A_245 = vector.shape_cast %get3A_240 : vector<16xf32> to vector<1x16xf32>
      tpu.vector_store %arg11[%swap3A_241, %swap3A_242], %swap3A_245 {add = true, strides = array<i32>} : memref<200x128xf32, #tpu.memory_space<vmem>>, vector<1x16xf32>,
      %get3A_246 = arith.index_cast %scan3A_182 : i32 to index
      %get3A_247 = arith.constant 112 : index
      %get3A_248 = tpu.vector_load %arg13[%get3A_246, %get3A_247] {strides = array<i32>} : memref<200x128xf32, #tpu.memory_space<vmem>>, vector<1x16xf32>,
      %get3A_249 = vector.shape_cast %get3A_248 : vector<1x16xf32> to vector<16xf32>
      %swap3A_250 = arith.index_cast %scan3A_182 : i32 to index
      %swap3A_251 = arith.constant 112 : index
      %swap3A_252 = tpu.vector_load %arg11[%swap3A_250, %swap3A_251] {strides = array<i32>} : memref<200x128xf32, #tpu.memory_space<vmem>>, vector<1x16xf32>,
      %swap3A_253 = vector.shape_cast %swap3A_252 : vector<1x16xf32> to vector<16xf32>
      %swap3A_254 = vector.shape_cast %get3A_249 : vector<16xf32> to vector<1x16xf32>
      tpu.vector_store %arg11[%swap3A_250, %swap3A_251], %swap3A_254 {add = true, strides = array<i32>} : memref<200x128xf32, #tpu.memory_space<vmem>>, vector<1x16xf32>,
      %scan3A_255 = arith.constant 2 : i32
      %scan3A_256 = arith.addi %scan3A_110, %scan3A_255 : i32
      %get3A_257 = arith.index_cast %scan3A_256 : i32 to index
      %get3A_258 = arith.constant 0 : index
      %get3A_259 = tpu.vector_load %arg13[%get3A_257, %get3A_258] {strides = array<i32>} : memref<200x128xf32, #tpu.memory_space<vmem>>, vector<1x16xf32>,
      %get3A_260 = vector.shape_cast %get3A_259 : vector<1x16xf32> to vector<16xf32>
      %swap3A_261 = arith.index_cast %scan3A_256 : i32 to index
      %swap3A_262 = arith.constant 0 : index
      %swap3A_263 = tpu.vector_load %arg11[%swap3A_261, %swap3A_262] {strides = array<i32>} : memref<200x128xf32, #tpu.memory_space<vmem>>, vector<1x16xf32>,
      %swap3A_264 = vector.shape_cast %swap3A_263 : vector<1x16xf32> to vector<16xf32>
      %swap3A_265 = vector.shape_cast %get3A_260 : vector<16xf32> to vector<1x16xf32>
      tpu.vector_store %arg11[%swap3A_261, %swap3A_262], %swap3A_265 {add = true, strides = array<i32>} : memref<200x128xf32, #tpu.memory_space<vmem>>, vector<1x16xf32>,
      %get3A_266 = arith.index_cast %scan3A_256 : i32 to index
      %get3A_267 = arith.constant 16 : index
      %get3A_268 = tpu.vector_load %arg13[%get3A_266, %get3A_267] {strides = array<i32>} : memref<200x128xf32, #tpu.memory_space<vmem>>, vector<1x16xf32>,
      %get3A_269 = vector.shape_cast %get3A_268 : vector<1x16xf32> to vector<16xf32>
      %swap3A_270 = arith.index_cast %scan3A_256 : i32 to index
      %swap3A_271 = arith.constant 16 : index
      %swap3A_272 = tpu.vector_load %arg11[%swap3A_270, %swap3A_271] {strides = array<i32>} : memref<200x128xf32, #tpu.memory_space<vmem>>, vector<1x16xf32>,
      %swap3A_273 = vector.shape_cast %swap3A_272 : vector<1x16xf32> to vector<16xf32>
      %swap3A_274 = vector.shape_cast %get3A_269 : vector<16xf32> to vector<1x16xf32>
      tpu.vector_store %arg11[%swap3A_270, %swap3A_271], %swap3A_274 {add = true, strides = array<i32>} : memref<200x128xf32, #tpu.memory_space<vmem>>, vector<1x16xf32>,
      %get3A_275 = arith.index_cast %scan3A_256 : i32 to index
      %get3A_276 = arith.constant 32 : index
      %get3A_277 = tpu.vector_load %arg13[%get3A_275, %get3A_276] {strides = array<i32>} : memref<200x128xf32, #tpu.memory_space<vmem>>, vector<1x16xf32>,
      %get3A_278 = vector.shape_cast %get3A_277 : vector<1x16xf32> to vector<16xf32>
      %swap3A_279 = arith.index_cast %scan3A_256 : i32 to index
      %swap3A_280 = arith.constant 32 : index
      %swap3A_281 = tpu.vector_load %arg11[%swap3A_279, %swap3A_280] {strides = array<i32>} : memref<200x128xf32, #tpu.memory_space<vmem>>, vector<1x16xf32>,
      %swap3A_282 = vector.shape_cast %swap3A_281 : vector<1x16xf32> to vector<16xf32>
      %swap3A_283 = vector.shape_cast %get3A_278 : vector<16xf32> to vector<1x16xf32>
      tpu.vector_store %arg11[%swap3A_279, %swap3A_280], %swap3A_283 {add = true, strides = array<i32>} : memref<200x128xf32, #tpu.memory_space<vmem>>, vector<1x16xf32>,
      %get3A_284 = arith.index_cast %scan3A_256 : i32 to index
      %get3A_285 = arith.constant 48 : index
      %get3A_286 = tpu.vector_load %arg13[%get3A_284, %get3A_285] {strides = array<i32>} : memref<200x128xf32, #tpu.memory_space<vmem>>, vector<1x16xf32>,
      %get3A_287 = vector.shape_cast %get3A_286 : vector<1x16xf32> to vector<16xf32>
      %swap3A_288 = arith.index_cast %scan3A_256 : i32 to index
      %swap3A_289 = arith.constant 48 : index
      %swap3A_290 = tpu.vector_load %arg11[%swap3A_288, %swap3A_289] {strides = array<i32>} : memref<200x128xf32, #tpu.memory_space<vmem>>, vector<1x16xf32>,
      %swap3A_291 = vector.shape_cast %swap3A_290 : vector<1x16xf32> to vector<16xf32>
      %swap3A_292 = vector.shape_cast %get3A_287 : vector<16xf32> to vector<1x16xf32>
      tpu.vector_store %arg11[%swap3A_288, %swap3A_289], %swap3A_292 {add = true, strides = array<i32>} : memref<200x128xf32, #tpu.memory_space<vmem>>, vector<1x16xf32>,
      %get3A_293 = arith.index_cast %scan3A_256 : i32 to index
      %get3A_294 = arith.constant 64 : index
      %get3A_295 = tpu.vector_load %arg13[%get3A_293, %get3A_294] {strides = array<i32>} : memref<200x128xf32, #tpu.memory_space<vmem>>, vector<1x16xf32>,
      %get3A_296 = vector.shape_cast %get3A_295 : vector<1x16xf32> to vector<16xf32>
      %swap3A_297 = arith.index_cast %scan3A_256 : i32 to index
      %swap3A_298 = arith.constant 64 : index
      %swap3A_299 = tpu.vector_load %arg11[%swap3A_297, %swap3A_298] {strides = array<i32>} : memref<200x128xf32, #tpu.memory_space<vmem>>, vector<1x16xf32>,
      %swap3A_300 = vector.shape_cast %swap3A_299 : vector<1x16xf32> to vector<16xf32>
      %swap3A_301 = vector.shape_cast %get3A_296 : vector<16xf32> to vector<1x16xf32>
      tpu.vector_store %arg11[%swap3A_297, %swap3A_298], %swap3A_301 {add = true, strides = array<i32>} : memref<200x128xf32, #tpu.memory_space<vmem>>, vector<1x16xf32>,
      %get3A_302 = arith.index_cast %scan3A_256 : i32 to index
      %get3A_303 = arith.constant 80 : index
      %get3A_304 = tpu.vector_load %arg13[%get3A_302, %get3A_303] {strides = array<i32>} : memref<200x128xf32, #tpu.memory_space<vmem>>, vector<1x16xf32>,
      %get3A_305 = vector.shape_cast %get3A_304 : vector<1x16xf32> to vector<16xf32>
      %swap3A_306 = arith.index_cast %scan3A_256 : i32 to index
      %swap3A_307 = arith.constant 80 : index
      %swap3A_308 = tpu.vector_load %arg11[%swap3A_306, %swap3A_307] {strides = array<i32>} : memref<200x128xf32, #tpu.memory_space<vmem>>, vector<1x16xf32>,
      %swap3A_309 = vector.shape_cast %swap3A_308 : vector<1x16xf32> to vector<16xf32>
      %swap3A_310 = vector.shape_cast %get3A_305 : vector<16xf32> to vector<1x16xf32>
      tpu.vector_store %arg11[%swap3A_306, %swap3A_307], %swap3A_310 {add = true, strides = array<i32>} : memref<200x128xf32, #tpu.memory_space<vmem>>, vector<1x16xf32>,
      %get3A_311 = arith.index_cast %scan3A_256 : i32 to index
      %get3A_312 = arith.constant 96 : index
      %get3A_313 = tpu.vector_load %arg13[%get3A_311, %get3A_312] {strides = array<i32>} : memref<200x128xf32, #tpu.memory_space<vmem>>, vector<1x16xf32>,
      %get3A_314 = vector.shape_cast %get3A_313 : vector<1x16xf32> to vector<16xf32>
      %swap3A_315 = arith.index_cast %scan3A_256 : i32 to index
      %swap3A_316 = arith.constant 96 : index
      %swap3A_317 = tpu.vector_load %arg11[%swap3A_315, %swap3A_316] {strides = array<i32>} : memref<200x128xf32, #tpu.memory_space<vmem>>, vector<1x16xf32>,
      %swap3A_318 = vector.shape_cast %swap3A_317 : vector<1x16xf32> to vector<16xf32>
      %swap3A_319 = vector.shape_cast %get3A_314 : vector<16xf32> to vector<1x16xf32>
      tpu.vector_store %arg11[%swap3A_315, %swap3A_316], %swap3A_319 {add = true, strides = array<i32>} : memref<200x128xf32, #tpu.memory_space<vmem>>, vector<1x16xf32>,
      %get3A_320 = arith.index_cast %scan3A_256 : i32 to index
      %get3A_321 = arith.constant 112 : index
      %get3A_322 = tpu.vector_load %arg13[%get3A_320, %get3A_321] {strides = array<i32>} : memref<200x128xf32, #tpu.memory_space<vmem>>, vector<1x16xf32>,
      %get3A_323 = vector.shape_cast %get3A_322 : vector<1x16xf32> to vector<16xf32>
      %swap3A_324 = arith.index_cast %scan3A_256 : i32 to index
      %swap3A_325 = arith.constant 112 : index
      %swap3A_326 = tpu.vector_load %arg11[%swap3A_324, %swap3A_325] {strides = array<i32>} : memref<200x128xf32, #tpu.memory_space<vmem>>, vector<1x16xf32>,
      %swap3A_327 = vector.shape_cast %swap3A_326 : vector<1x16xf32> to vector<16xf32>
      %swap3A_328 = vector.shape_cast %get3A_323 : vector<16xf32> to vector<1x16xf32>
      tpu.vector_store %arg11[%swap3A_324, %swap3A_325], %swap3A_328 {add = true, strides = array<i32>} : memref<200x128xf32, #tpu.memory_space<vmem>>, vector<1x16xf32>,
      %scan3A_329 = arith.constant 3 : i32
      %scan3A_330 = arith.addi %scan3A_110, %scan3A_329 : i32
      %get3A_331 = arith.index_cast %scan3A_330 : i32 to index
      %get3A_332 = arith.constant 0 : index
      %get3A_333 = tpu.vector_load %arg13[%get3A_331, %get3A_332] {strides = array<i32>} : memref<200x128xf32, #tpu.memory_space<vmem>>, vector<1x16xf32>,
      %get3A_334 = vector.shape_cast %get3A_333 : vector<1x16xf32> to vector<16xf32>
      %swap3A_335 = arith.index_cast %scan3A_330 : i32 to index
      %swap3A_336 = arith.constant 0 : index
      %swap3A_337 = tpu.vector_load %arg11[%swap3A_335, %swap3A_336] {strides = array<i32>} : memref<200x128xf32, #tpu.memory_space<vmem>>, vector<1x16xf32>,
      %swap3A_338 = vector.shape_cast %swap3A_337 : vector<1x16xf32> to vector<16xf32>
      %swap3A_339 = vector.shape_cast %get3A_334 : vector<16xf32> to vector<1x16xf32>
      tpu.vector_store %arg11[%swap3A_335, %swap3A_336], %swap3A_339 {add = true, strides = array<i32>} : memref<200x128xf32, #tpu.memory_space<vmem>>, vector<1x16xf32>,
      %get3A_340 = arith.index_cast %scan3A_330 : i32 to index
      %get3A_341 = arith.constant 16 : index
      %get3A_342 = tpu.vector_load %arg13[%get3A_340, %get3A_341] {strides = array<i32>} : memref<200x128xf32, #tpu.memory_space<vmem>>, vector<1x16xf32>,
      %get3A_343 = vector.shape_cast %get3A_342 : vector<1x16xf32> to vector<16xf32>
      %swap3A_344 = arith.index_cast %scan3A_330 : i32 to index
      %swap3A_345 = arith.constant 16 : index
      %swap3A_346 = tpu.vector_load %arg11[%swap3A_344, %swap3A_345] {strides = array<i32>} : memref<200x128xf32, #tpu.memory_space<vmem>>, vector<1x16xf32>,
      %swap3A_347 = vector.shape_cast %swap3A_346 : vector<1x16xf32> to vector<16xf32>
      %swap3A_348 = vector.shape_cast %get3A_343 : vector<16xf32> to vector<1x16xf32>
      tpu.vector_store %arg11[%swap3A_344, %swap3A_345], %swap3A_348 {add = true, strides = array<i32>} : memref<200x128xf32, #tpu.memory_space<vmem>>, vector<1x16xf32>,
      %get3A_349 = arith.index_cast %scan3A_330 : i32 to index
      %get3A_350 = arith.constant 32 : index
      %get3A_351 = tpu.vector_load %arg13[%get3A_349, %get3A_350] {strides = array<i32>} : memref<200x128xf32, #tpu.memory_space<vmem>>, vector<1x16xf32>,
      %get3A_352 = vector.shape_cast %get3A_351 : vector<1x16xf32> to vector<16xf32>
      %swap3A_353 = arith.index_cast %scan3A_330 : i32 to index
      %swap3A_354 = arith.constant 32 : index
      %swap3A_355 = tpu.vector_load %arg11[%swap3A_353, %swap3A_354] {strides = array<i32>} : memref<200x128xf32, #tpu.memory_space<vmem>>, vector<1x16xf32>,
      %swap3A_356 = vector.shape_cast %swap3A_355 : vector<1x16xf32> to vector<16xf32>
      %swap3A_357 = vector.shape_cast %get3A_352 : vector<16xf32> to vector<1x16xf32>
      tpu.vector_store %arg11[%swap3A_353, %swap3A_354], %swap3A_357 {add = true, strides = array<i32>} : memref<200x128xf32, #tpu.memory_space<vmem>>, vector<1x16xf32>,
      %get3A_358 = arith.index_cast %scan3A_330 : i32 to index
      %get3A_359 = arith.constant 48 : index
      %get3A_360 = tpu.vector_load %arg13[%get3A_358, %get3A_359] {strides = array<i32>} : memref<200x128xf32, #tpu.memory_space<vmem>>, vector<1x16xf32>,
      %get3A_361 = vector.shape_cast %get3A_360 : vector<1x16xf32> to vector<16xf32>
      %swap3A_362 = arith.index_cast %scan3A_330 : i32 to index
      %swap3A_363 = arith.constant 48 : index
      %swap3A_364 = tpu.vector_load %arg11[%swap3A_362, %swap3A_363] {strides = array<i32>} : memref<200x128xf32, #tpu.memory_space<vmem>>, vector<1x16xf32>,
      %swap3A_365 = vector.shape_cast %swap3A_364 : vector<1x16xf32> to vector<16xf32>
      %swap3A_366 = vector.shape_cast %get3A_361 : vector<16xf32> to vector<1x16xf32>
      tpu.vector_store %arg11[%swap3A_362, %swap3A_363], %swap3A_366 {add = true, strides = array<i32>} : memref<200x128xf32, #tpu.memory_space<vmem>>, vector<1x16xf32>,
      %get3A_367 = arith.index_cast %scan3A_330 : i32 to index
      %get3A_368 = arith.constant 64 : index
      %get3A_369 = tpu.vector_load %arg13[%get3A_367, %get3A_368] {strides = array<i32>} : memref<200x128xf32, #tpu.memory_space<vmem>>, vector<1x16xf32>,
      %get3A_370 = vector.shape_cast %get3A_369 : vector<1x16xf32> to vector<16xf32>
      %swap3A_371 = arith.index_cast %scan3A_330 : i32 to index
      %swap3A_372 = arith.constant 64 : index
      %swap3A_373 = tpu.vector_load %arg11[%swap3A_371, %swap3A_372] {strides = array<i32>} : memref<200x128xf32, #tpu.memory_space<vmem>>, vector<1x16xf32>,
      %swap3A_374 = vector.shape_cast %swap3A_373 : vector<1x16xf32> to vector<16xf32>
      %swap3A_375 = vector.shape_cast %get3A_370 : vector<16xf32> to vector<1x16xf32>
      tpu.vector_store %arg11[%swap3A_371, %swap3A_372], %swap3A_375 {add = true, strides = array<i32>} : memref<200x128xf32, #tpu.memory_space<vmem>>, vector<1x16xf32>,
      %get3A_376 = arith.index_cast %scan3A_330 : i32 to index
      %get3A_377 = arith.constant 80 : index
      %get3A_378 = tpu.vector_load %arg13[%get3A_376, %get3A_377] {strides = array<i32>} : memref<200x128xf32, #tpu.memory_space<vmem>>, vector<1x16xf32>,
      %get3A_379 = vector.shape_cast %get3A_378 : vector<1x16xf32> to vector<16xf32>
      %swap3A_380 = arith.index_cast %scan3A_330 : i32 to index
      %swap3A_381 = arith.constant 80 : index
      %swap3A_382 = tpu.vector_load %arg11[%swap3A_380, %swap3A_381] {strides = array<i32>} : memref<200x128xf32, #tpu.memory_space<vmem>>, vector<1x16xf32>,
      %swap3A_383 = vector.shape_cast %swap3A_382 : vector<1x16xf32> to vector<16xf32>
      %swap3A_384 = vector.shape_cast %get3A_379 : vector<16xf32> to vector<1x16xf32>
      tpu.vector_store %arg11[%swap3A_380, %swap3A_381], %swap3A_384 {add = true, strides = array<i32>} : memref<200x128xf32, #tpu.memory_space<vmem>>, vector<1x16xf32>,
      %get3A_385 = arith.index_cast %scan3A_330 : i32 to index
      %get3A_386 = arith.constant 96 : index
      %get3A_387 = tpu.vector_load %arg13[%get3A_385, %get3A_386] {strides = array<i32>} : memref<200x128xf32, #tpu.memory_space<vmem>>, vector<1x16xf32>,
      %get3A_388 = vector.shape_cast %get3A_387 : vector<1x16xf32> to vector<16xf32>
      %swap3A_389 = arith.index_cast %scan3A_330 : i32 to index
      %swap3A_390 = arith.constant 96 : index
      %swap3A_391 = tpu.vector_load %arg11[%swap3A_389, %swap3A_390] {strides = array<i32>} : memref<200x128xf32, #tpu.memory_space<vmem>>, vector<1x16xf32>,
      %swap3A_392 = vector.shape_cast %swap3A_391 : vector<1x16xf32> to vector<16xf32>
      %swap3A_393 = vector.shape_cast %get3A_388 : vector<16xf32> to vector<1x16xf32>
      tpu.vector_store %arg11[%swap3A_389, %swap3A_390], %swap3A_393 {add = true, strides = array<i32>} : memref<200x128xf32, #tpu.memory_space<vmem>>, vector<1x16xf32>,
      %get3A_394 = arith.index_cast %scan3A_330 : i32 to index
      %get3A_395 = arith.constant 112 : index
      %get3A_396 = tpu.vector_load %arg13[%get3A_394, %get3A_395] {strides = array<i32>} : memref<200x128xf32, #tpu.memory_space<vmem>>, vector<1x16xf32>,
      %get3A_397 = vector.shape_cast %get3A_396 : vector<1x16xf32> to vector<16xf32>
      %swap3A_398 = arith.index_cast %scan3A_330 : i32 to index
      %swap3A_399 = arith.constant 112 : index
      %swap3A_400 = tpu.vector_load %arg11[%swap3A_398, %swap3A_399] {strides = array<i32>} : memref<200x128xf32, #tpu.memory_space<vmem>>, vector<1x16xf32>,
      %swap3A_401 = vector.shape_cast %swap3A_400 : vector<1x16xf32> to vector<16xf32>
      %swap3A_402 = vector.shape_cast %get3A_397 : vector<16xf32> to vector<1x16xf32>
      tpu.vector_store %arg11[%swap3A_398, %swap3A_399], %swap3A_402 {add = true, strides = array<i32>} : memref<200x128xf32, #tpu.memory_space<vmem>>, vector<1x16xf32>,
    }
    %scan3A_91 = arith.constant 200 : i32
    %add3A_92 = arith.constant 25400 : i32
    %add3A_93 = arith.addi %mul3A_2, %add3A_92 : i32
    %dma_start3A_94 = arith.constant 0 : i32
    %dma_start3A_95 = tpu.memref_slice %arg6[%add3A_93, %dma_start3A_94] : memref<819200x128xf32, #tpu.memory_space<hbm>> -> memref<200x128xf32, #tpu.memory_space<hbm>>
    %dma_start3A_96 = arith.constant 0 : i32
    %dma_start3A_97 = tpu.memref_slice %arg6[%add3A_93, %dma_start3A_96] : memref<819200x128xf32, #tpu.memory_space<hbm>> -> memref<200x128xf32, #tpu.memory_space<hbm>>
    tpu.enqueue_dma source(%arg11 : memref<200x128xf32, #tpu.memory_space<vmem>>) target(%dma_start3A_97 : memref<200x128xf32, #tpu.memory_space<hbm>>) target_semaphore(%arg21 : memref<!tpu.dma_semaphore, #tpu.memory_space<semaphore_mem>>)
    %dma_wait3A_98 = arith.constant 0 : i32
    %dma_wait3A_99 = arith.constant 0 : i32
    %dma_wait3A_100 = tpu.memref_slice %arg6[%dma_wait3A_98, %dma_wait3A_99] : memref<819200x128xf32, #tpu.memory_space<hbm>> -> memref<200x128xf32, #tpu.memory_space<hbm>>
    %dma_wait3A_101 = arith.constant 0 : i32
    %dma_wait3A_102 = arith.constant 0 : i32
    %dma_wait3A_103 = tpu.memref_slice %arg6[%dma_wait3A_101, %dma_wait3A_102] : memref<819200x128xf32, #tpu.memory_space<hbm>> -> memref<200x128xf32, #tpu.memory_space<hbm>>
    tpu.wait_dma2 semaphore(%arg20 : memref<!tpu.dma_semaphore, #tpu.memory_space<semaphore_mem>>) src(%arg10 : memref<200x128xf32, #tpu.memory_space<vmem>>) dst(%dma_wait3A_103 : memref<200x128xf32, #tpu.memory_space<hbm>>)
    %dma_wait3A_104 = arith.constant 0 : i32
    %dma_wait3A_105 = arith.constant 0 : i32
    %dma_wait3A_106 = tpu.memref_slice %arg6[%dma_wait3A_104, %dma_wait3A_105] : memref<819200x128xf32, #tpu.memory_space<hbm>> -> memref<200x128xf32, #tpu.memory_space<hbm>>
    %dma_wait3A_107 = arith.constant 0 : i32
    %dma_wait3A_108 = arith.constant 0 : i32
    %dma_wait3A_109 = tpu.memref_slice %arg6[%dma_wait3A_107, %dma_wait3A_108] : memref<819200x128xf32, #tpu.memory_space<hbm>> -> memref<200x128xf32, #tpu.memory_space<hbm>>
    tpu.wait_dma2 semaphore(%arg21 : memref<!tpu.dma_semaphore, #tpu.memory_space<semaphore_mem>>) src(%arg11 : memref<200x128xf32, #tpu.memory_space<vmem>>) dst(%dma_wait3A_109 : memref<200x128xf32, #tpu.memory_space<hbm>>)
    return
  }
}

</mosaic_0001>

<sc_bundles>
// kernel: kernel.3.cloned.1.call-start
scs
__scs_entry_jumppad:
0x0: {  	(pc) =	sbr.rel $0x88, $3  }
0x1: {  	(tag) =	ssettag $0x0;
	lr =	simm.s32 $0x1  }
0x2: {  	[smem:$0x3F9F] =	sst lr;
	_ =	strace $0xD0000000  }
0x3: {  	_ = 	snop  }
0x4: {  	_ = 	snop  }
0x5: {  	_ = 	snop  }
0x6: {  	_ = 	snop  }
0x7: {  	_ = 	snop  }
__scs_overlays_trampoline_lowered:
0x8: {  	[smem:$0x3FAE] =	sst s0  }
0x9: {  	[smem:$0x3FAF] =	sst s1  }
0xa: {  	[smem:$0x3FB0] =	sst s2  }
0xb: {  	[smem:$0x3FB1] =	sst s3  }
0xc: {  	[smem:$0x3FB2] =	sst s4  }
0xd: {  	[smem:$0x3FB3] =	sst s5  }
0xe: {  	[smem:$0x3FB4] =	sst s6  }
0xf: {  	[smem:$0x3FB5] =	sst s7  }
0x10: {  	[smem:$0x3FB6] =	sst s8  }
0x11: {  	[smem:$0x3FB7] =	sst s9;
	s0 =	simm.s32 @!p0 $0x0  }
0x12: {  	s1 =	sld [smem:$0x3F9D];
	s0 =	simm.s32 @p0 $0x1  }
0x13: {  	[smem:$0x3FB8] =	sst s0;
	s0 =	simm.s32 @!p1 $0x0  }
0x14: {  	s2 =	sld [smem:$0x3F9C];
	s0 =	simm.s32 @p1 $0x1  }
0x15: {  	[smem:$0x3FB9] =	sst s0;
	s0 =	simm.s32 @!p2 $0x0  }
0x16: {  	s3 =	sld [smem:$0x3FDB];
	s0 =	simm.s32 @p2 $0x1  }
0x17: {  	s4 =	simm.s32 $0x1BF5;
	[smem:$0x3FBB] =	sst s0  }
0x18: {  	s0 =	sld [smem:$0x3F9E];
	_ =	swait.ge [sflag:s4], $0x0  }
0x19: {  	s7 =	sld [smem:$0x3F9F]  }
0x1a: {  	s8 =	sadd.s32 $0xFFFFE003, lr  }
0x1b: {  	s9 =	sadd.s32 $0xFFFFFEF7, lr;
	s5 =	simm.s32 $0xFFFFFFFF;
	p2 =	slt.u32 s8, $0xFFFFF086  }
0x1c: {  	p1 =	slt.u32 s9, $0xF7A;
	s5 =	simm.s32 @!p2 $0x0  }
0x1d: {  	s5 =	simm.s32 @p1 $0x1;
	p0 =	seq.s32 s7, s2  }
0x1e: {  	s7 =	smul.u32 @!p0 $0xF7A, s2;
	p2 =	seq.s32 @!p0 s5, $0x0  }
0x1f: {  	s9 =	smul.u32 $0xF7A, s1;
	s8 =	simm.s32 @!p0 $0x1BF5;
	p2 =	por !p2, p0  }
0x20: {  	[sflag:s8] =	ssyncset.s32 @!p0 $0xFFFFF086;
	s6 =	sadd.s32 @!p0 s3, s7;
	s7 =	simm.s32 @!p0 $0x108  }
0x21: {  	s3 =	sadd.s32 s3, s9;
	s6 =	sadd.s32 @!p0 $0x88, s6;
	s7 =	simm.s32 @p2 $0x1082  }
0x22: {  	[simem:s7], [sflag:s8] =	dma.local @!p0 [hbm:s6], $0xF7A  }
0x23: {  	s9 =	sor.u32 $0xD0000000, s2;
	s6 =	simm.s32 $0x108;
	_ =	swait.ge @!p0 [sflag:s8], $0x0  }
0x24: {  	s3 =	sadd.s32 $0x88, s3;
	s6 =	simm.s32 @!p1 $0x1082;
	[sflag:s4] =	ssyncset.s32 $0xFFFFF086  }
0x25: {  	[simem:s6], [sflag:s4] =	dma.local [hbm:s3], $0xF7A  }
0x26: {  	[smem:$0x3F9F] =	sst s1;
	(tag) =	ssettag s2;
	_ =	strace s9  }
0x27: {  	s1 =	sld [smem:$0x3FAF]  }
0x28: {  	s2 =	sld [smem:$0x3FB0]  }
0x29: {  	s4 =	sld [smem:$0x3FB2]  }
0x2a: {  	p0 =	seq.s32 s5, $0x0;
	s5 =	sld [smem:$0x3FB3]  }
0x2b: {  	s6 =	sld [smem:$0x3FB4]  }
0x2c: {  	s7 =	sld [smem:$0x3FB5]  }
0x2d: {  	s3 =	simm.s32 $0x108;
	s8 =	sld [smem:$0x3FB6]  }
0x2e: {  	s3 =	simm.s32 @!p0 $0x1082;
	s9 =	sld [smem:$0x3FB7]  }
0x2f: {  	lr =	sadd.s32 s0, s3;
	s0 =	sld [smem:$0x3FAE]  }
0x30: {  	s3 =	sld [smem:$0x3FB1]  }
0x31: {  	[smem:$0x3FBA] =	sst s10  }
0x32: {  	s10 =	sld [smem:$0x3FB8];
	_ =	sdelay $0x3  }
0x33: {  	p0 =	seq.s32 s10, $0x1;
	s10 =	sld [smem:$0x3FBA];
	_ =	sdelay $0x3  }
0x34: {  	[smem:$0x3FBA] =	sst s10  }
0x35: {  	s10 =	sld [smem:$0x3FB9];
	_ =	sdelay $0x3  }
0x36: {  	p1 =	seq.s32 s10, $0x1;
	s10 =	sld [smem:$0x3FBA];
	_ =	sdelay $0x3  }
0x37: {  	[smem:$0x3FBA] =	sst s10  }
0x38: {  	s10 =	sld [smem:$0x3FBB]  }
0x39: {  	_ = 	snop;
	(pc) =	sbr.ind lr, $3  }
0x3a: {  	_ = 	snop  }
0x3b: {  	_ = 	snop  }
0x3c: {  	p2 =	seq.s32 s10, $0x1;
	s10 =	sld [smem:$0x3FBA]  }
0x3d: {  	_ =	shalt  }
0x3e: {  	_ =	shalt  }
0x3f: {  	_ =	shalt  }
0x40: {  	_ =	shalt  }
0x41: {  	_ =	shalt  }
0x42: {  	_ =	shalt  }
0x43: {  	_ =	shalt  }
0x44: {  	_ =	shalt  }
0x45: {  	_ =	shalt  }
0x46: {  	_ =	shalt  }
0x47: {  	_ =	shalt  }
0x48: {  	_ =	shalt  }
0x49: {  	_ =	shalt  }
0x4a: {  	_ =	shalt  }
0x4b: {  	_ =	shalt  }
0x4c: {  	_ =	shalt  }
0x4d: {  	_ =	shalt  }
0x4e: {  	_ =	shalt  }
0x4f: {  	_ =	shalt  }
0x50: {  	_ =	shalt  }
0x51: {  	_ =	shalt  }
0x52: {  	_ =	shalt  }
0x53: {  	_ =	shalt  }
0x54: {  	_ =	shalt  }
0x55: {  	_ =	shalt  }
0x56: {  	_ =	shalt  }
0x57: {  	_ =	shalt  }
0x58: {  	_ =	shalt  }
0x59: {  	_ =	shalt  }
0x5a: {  	_ =	shalt  }
0x5b: {  	_ =	shalt  }
0x5c: {  	_ =	shalt  }
0x5d: {  	_ =	shalt  }
0x5e: {  	_ =	shalt  }
0x5f: {  	_ =	shalt  }
0x60: {  	_ =	shalt  }
0x61: {  	_ =	shalt  }
0x62: {  	_ =	shalt  }
0x63: {  	_ =	shalt  }
0x64: {  	_ =	shalt  }
0x65: {  	_ =	shalt  }
0x66: {  	_ =	shalt  }
0x67: {  	_ =	shalt  }
0x68: {  	_ =	shalt  }
0x69: {  	_ =	shalt  }
0x6a: {  	_ =	shalt  }
0x6b: {  	_ =	shalt  }
0x6c: {  	_ =	shalt  }
0x6d: {  	_ =	shalt  }
0x6e: {  	_ =	shalt  }
0x6f: {  	_ =	shalt  }
0x70: {  	_ =	shalt  }
0x71: {  	_ =	shalt  }
0x72: {  	_ =	shalt  }
0x73: {  	_ =	shalt  }
0x74: {  	_ =	shalt  }
0x75: {  	_ =	shalt  }
0x76: {  	_ =	shalt  }
0x77: {  	_ =	shalt  }
0x78: {  	_ =	shalt  }
0x79: {  	_ =	shalt  }
0x7a: {  	_ =	shalt  }
0x7b: {  	_ =	shalt  }
0x7c: {  	_ =	shalt  }
0x7d: {  	_ =	shalt  }
0x7e: {  	_ =	shalt  }
0x7f: {  	_ =	shalt  }
0x80: {  	_ =	shalt  }
0x81: {  	_ =	shalt  }
0x82: {  	_ =	shalt  }
0x83: {  	_ =	shalt  }
0x84: {  	_ =	shalt  }
0x85: {  	_ =	shalt  }
0x86: {  	_ =	shalt  }
0x87: {  	_ =	shalt  }
.Lfunc_end0:
.L_simem_size_0:
called_computation_lowered:
.L_overlay_start_0:
0x88: {  	s2 =	sld [smem:$0x3FD9]  }
0x89: {  	s3 =	sld [smem:$0x3FFE];
	_ =	sdelay $0x1  }
0x8a: {  	s1 =	srdreg.scid  }
0x8b: {  	s0 =	sand.u32 $0x1, s1  }
0x8c: {  	s17 =	sshll.u32 s0, $0xA;
	s2 =	sadd.s32 s3, s2  }
0x8d: {  	s2 =	sadd.s32 s2, s17  }
0x8e: {  	[smem:$0x3FC6] =	sst s2  }
0x8f: {  	_ = 	snop  }
0x90: {  	s2 =	sld [smem:$0x3FD0];
	(tm) =	ssettm $0x1  }
0x91: {  	s18 =	sld [smem:$0x3FFB];
	_ =	sdelay $0x3  }
0x92: {  	_ =	strace s18  }
0x93: {  	s3 =	sld [smem:$0x3FFC];
	_ =	sdelay $0x3  }
0x94: {  	_ =	strace s3  }
0x95: {  	s3 =	sld [smem:$0x3FFD];
	_ =	sdelay $0x3  }
0x96: {  	_ =	strace s3  }
0x97: {  	_ =	strace $0x8FFFFFFF  }
0x98: {  	s19 =	sld [smem:$0x3FDB];
	_ =	sdelay $0x1  }
0x99: {  	s4 =	simm.s32 $_scs_section_size  }
0x9a: {  	s5 =	simm.s32 $_size__tile_overlayer_lowered;
	s6 =	simm.s32 $_tile_overlayer_lowered  }
0x9b: {  	s22 =	simm.s32 $0x1BFF;
	s21 =	sshll.u32 s6, $0x1;
	s3 =	sadd.s32 s4, s19  }
0x9c: {  	s7 =	simm.s32 $0x0;
	s20 =	sshll.u32 s5, $0x1;
	s5 =	sadd.s32 s21, s3  }
0x9d: {  	[timem:s7], [sflag:s22] =	dma.local [hbm:s5], s20  }
0x9e: {  	_ =	swait.ge [sflag:s22], s20  }
0x9f: {  	s4 =	ssub.s32 $0x0, s20;
	[sflag:s22] =	ssyncset.done $0x0  }
0xa0: {  	[sflag:s22] =	ssyncadd.s32 s4;
	_ =	sdelay $0x1  }
0xa1: {  	s23 =	simm.s32 $0x1B8B  }
0xa2: {  	_ =	swait.ge [sflag:s23], $0x1  }
0xa3: {  	[sflag:s23] =	ssyncset.done $0x0  }
0xa4: {  	s25 =	simm.s32 $0x1B8E;
	s24 =	sld [smem:$0x3FFE];
	[sflag:s23] =	ssyncadd.s32 $0xFFFFFFFF  }
0xa5: {  	s26 =	simm.s32 $execute0_lowered;
	[smem:$0x3FD2] =	sst s25  }
0xa6: {  	s5 =	sshll.u32 s26, $0x1;
	_ =	strace $0x80000046;
	[dreg:$0x1] =	wrdreg $0xFFFFFFFF  }
0xa7: {  	s28 =	simm.s32 $_size_execute0_lowered;
	s3 =	sadd.s32 s3, s5;
	[dreg:$0x0] =	wrdreg $0x0  }
0xa8: {  	s5 =	sshll.u32 s28, $0x1;
	[dreg:$0x2] =	wrdreg s3  }
0xa9: {  	[dreg:$0x3] =	wrdreg s5  }
0xaa: {  	[dreg:$0x4] =	wrdreg $0xC0  }
0xab: {  	_ =	task [dreg:s7], $0x5FFFF  }
0xac: {  	[dreg:$0x1] =	wrdreg $0xFFFFFFFF  }
0xad: {  	[dreg:$0x0] =	wrdreg $0x60  }
0xae: {  	[dreg:$0x2] =	wrdreg s24  }
0xaf: {  	[dreg:$0x3] =	wrdreg s2  }
0xb0: {  	[dreg:$0x4] =	wrdreg $0x193800  }
0xb1: {  	[dreg:$0x5] =	wrdreg $0x1B3800  }
0xb2: {  	[dreg:$0x6] =	wrdreg $0x9  }
0xb3: {  	_ =	task.clear_ibuf [dreg:s7], $0x7FFFF;
	_ =	strace $0x90000046  }
0xb4: {  	s29 =	simm.s32 $0x9;
	_ =	strace $0x80000048  }
0xb5: {  	_ =	swait.ge [sflag:s29], $0x1  }
0xb6: {  	[sflag:s29] =	ssyncadd.s32 $0xFFFFFFFF  }
0xb7: {  	_ =	strace $0x90000048  }
0xb8: {  	_ =	sfence  }
0xb9: {  	s30 =	sld [smem:$0x0];
	_ =	sdelay $0x2  }
0xba: {  	s31 =	sshll.u32 s1, $0xD;
	s1 =	sshrl.u32 s1, $0x2  }
0xbb: {  	s3 =	sand.u32 $0x4000, s31;
	s1 =	sadd.s32 s1, s30  }
0xbc: {  	s0 =	sor.u32 s3, s0;
	s1 =	sshll.u32 s1, $0x11  }
0xbd: {  	s0 =	sor.u32 s1, s0  }
0xbe: {  	s0 =	sadd.s32 $0x8F2B, s0  }
0xbf: {  	[sflag:s0] =	ssyncadd.remote.s32 $0x1  }
0xc0: {  	_ =	sfence.sel $0xFFFF  }
0xc1: {  	[dreg:$0x0] =	wrdreg $0xFFFFFFFF;
	(pc) =	sbr.abs _section_cstart, $3  }
0xc2: {  	[dreg:$0x1] =	wrdreg $0xFFFFFFFF  }
0xc3: {  	_ =	task.clear_ibuf [dreg:s7], $0x2FFFF;
	_ =	strace $0x9FFFFFFF  }
0xc4: {  	(tm) =	ssettm $0x7FFFFFFF  }
0xc5: {  	_ =	shalt  }
tec
execute0_lowered:
.L_overlay_start_1:
0x0: {  	(tag) =	ssettag $0x1  }
0x1: {  	s0 =	rddreg [dreg:$0x0]  }
0x2: {  	s1 =	rddreg [dreg:$0x1]  }
0x3: {  	s2 =	rddreg [dreg:$0x2]  }
0x4: {  	s4 =	simm.s32 $0x0;
	s3 =	stileid.u32;
	s5 =	srdreg.scid  }
0x5: {  	s20 =	simm.s32 $0x300;
	s21 =	simm.s32 $0xA;
	s28 =	simm.s32 $0x100  }
0x6: {  	s29 =	simm.s32 $0x8;
	s30 =	simm.s32 $0x6700;
	s22 =	simm.s32 $0x1  }
0x7: {  	s11 =	simm.s32 $0x2;
	s12 =	simm.s32 $0x7;
	s17 =	simm.s32 $0x4  }
0x8: {  	s18 =	simm.s32 $0x3;
	[smem:$0x7FF] =	sst s4;
	s6 =	sand.u32 $0x1, s5  }
0x9: {  	s7 =	sshll.u32 s3, $0x1;
	s5 =	sadd.s32 $0x800, s0;
	s8 =	sshll.u32 s3, $0xA  }
0xa: {  	s10 =	sadd.s32 $0x19800, s0;
	s25 =	sshll.u32 s3, $0xD;
	p0 =	sne.s32 s3, $0x0  }
0xb: {  	s3 =	simm.s32 $0x200;
	_ =	strace $0x80000047;
	s7 =	sor.u32 s6, s7  }
0xc: {  	s8 =	sadd.s32 s8, s0;
	[dreg:$0x5] =	wrdreg s10;
	s0 =	sadd.s32 $0x1E600, s0  }
0xd: {  	s9 =	ssub.s32 $0x2, s6;
	s6 =	smul.u32 $0x6400, s7;
	[dreg:$0x6] =	wrdreg s0  }
0xe: {  	s23 =	sshrl.u32 s9, $0x1;
	s7 =	smul.u32 $0x320000, s7;
	s8 =	sadd.s32 $0x1A600, s8  }
0xf: {  	s0 =	ssub.s32 s9, s23;
	[dreg:$0x7] =	wrdreg s8;
	s8 =	sadd.s32 s25, s2  }
0x10: {  	s25 =	simm.s32 $0x48;
	s23 =	simm.s32 $0x9;
	s24 =	sshrl.u32 s6, $0x3  }
0x11: {  	[dreg:$0x9] =	wrdreg s8;
	s7 =	sshrl.u32 s7, $0x3;
	s13 =	sor.u32 $0x190, s6  }
0x12: {  	s14 =	sor.u32 $0x258, s6;
	s15 =	sor.u32 $0xC8, s6;
	s0 =	smax.u32 s0, $0x1  }
0x13: {  	s16 =	sor.u32 $0x320, s6;
	s9 =	sadd.s32 s5, s24;
	[dreg:$0xd] =	wrdreg s0  }
0x14: {  	s7 =	sadd.s32 s1, s7;
	[dreg:$0x8] =	wrdreg s9;
	s26 =	sadd.s32 $0x19, s9  }
0x15: {  	s24 =	simm.s32 $0x80;
	s31 =	sadd.s32 $0x62700, s7;
	[dreg:$0xa] =	wrdreg s26  }
0x16: {  	s0 =	simm.s32 $0xA700;
	s7 =	sadd.s32 $0x63380, s7;
	[dreg:$0xb] =	wrdreg s31  }
0x17: {  	s9 =	simm.s32 $0x0;
	[dreg:$0xc] =	wrdreg s7;
	s7 =	simm.s32 $0xCB00  }
.LBB2_1:
0x18: {  	[dreg:$0xe] =	wrdreg s9  }
0x19: {  	s8 =	rddreg [dreg:$0x7]  }
0x1a: {  	[tilespmem:s20], [sflag:$0xA] =	stream.linear.gather [hbm4b:s8+s4], $0x2000, $0x38;
	[tilespmem:$0x1B9C0] =	vst v63  }
0x1b: {  	_ =	swait.ge [sflag:s21], $0x2000  }
0x1c: {  	[sflag:s21] =	ssyncset.done $0x0  }
0x1d: {  	s8 =	simm.s32 $0x0;
	[sflag:s21] =	ssyncadd.s32 $0xFFFFE000  }
0x1e: {  	v3 =	vld [tilespmem:s8+$0x300]  }
0x1f: {  	v5 =	vld [tilespmem:s8+$0x310]  }
0x20: {  	v4 =	vld [tilespmem:s8+$0x320]  }
0x21: {  	v2 =	vld [tilespmem:s8+$0x330]  }
0x22: {  	v0 =	vld [tilespmem:s8+$0x340]  }
0x23: {  	v1 =	vld [tilespmem:s8+$0x350];
	v6 =	vmul.f32 $1.131370830e+01, v3  }
0x24: {  	s9 =	simm.s32 $0x200;
	v5 =	vmul.f32 $1.131370830e+01, v5;
	v3 =	vld [tilespmem:s8+$0x360]  }
.LBB2_2:
0x25: {  	s10 =	sshra.s32 s9, $0x2;
	p1 =	sne.s32 s9, $0x7E00;
	[tilespmem:s8+$0x300] =	vst v6;
	v4 =	vmul.f32 $1.131370830e+01, v4;
	v6 =	vld [tilespmem:s8+$0x370]  }
0x26: {  	v7 =	vld [tilespmem:s10+$0x300];
	[tilespmem:s8+$0x310] =	vst v5;
	v2 =	vmul.f32 $1.131370830e+01, v2  }
0x27: {  	v5 =	vld [tilespmem:s10+$0x310];
	[tilespmem:s8+$0x320] =	vst v4;
	v0 =	vmul.f32 $1.131370830e+01, v0  }
.Ltmp0:
0x28: {  	v4 =	vld [tilespmem:s10+$0x320];
	[tilespmem:s8+$0x330] =	vst v2;
	v1 =	vmul.f32 $1.131370830e+01, v1;
	(pc) =	sbr.rel @p1 .LBB2_2-.Ltmp0, $4  }
0x29: {  	v2 =	vld [tilespmem:s10+$0x330];
	[tilespmem:s8+$0x340] =	vst v0;
	v3 =	vmul.f32 $1.131370830e+01, v3  }
0x2a: {  	v0 =	vld [tilespmem:s10+$0x340];
	[tilespmem:s8+$0x350] =	vst v1;
	v8 =	vmul.f32 $1.131370830e+01, v6  }
0x2b: {  	v6 =	vmul.f32 $1.131370830e+01, v7;
	v1 =	vld [tilespmem:s10+$0x350];
	[tilespmem:s8+$0x360] =	vst v3  }
0x2c: {  	s9 =	sadd.s32 $0x200, s9;
	v5 =	vmul.f32 $1.131370830e+01, v5;
	v3 =	vld [tilespmem:s10+$0x360];
	[tilespmem:s8+$0x370] =	vst v8;
	s8 =	smov.u32 s10  }
0x2d: {  	[tilespmem:s8+$0x300] =	vst v6;
	v4 =	vmul.f32 $1.131370830e+01, v4;
	v61 =	vld [tilespmem:s8+$0x370]  }
0x2e: {  	[tilespmem:s8+$0x310] =	vst v5;
	v2 =	vmul.f32 $1.131370830e+01, v2  }
0x2f: {  	[tilespmem:s8+$0x320] =	vst v4;
	v0 =	vmul.f32 $1.131370830e+01, v0  }
0x30: {  	[tilespmem:s8+$0x330] =	vst v2;
	v1 =	vmul.f32 $1.131370830e+01, v1  }
0x31: {  	[tilespmem:s8+$0x340] =	vst v0;
	v62 =	vmul.f32 $1.131370830e+01, v3  }
0x32: {  	[tilespmem:s8+$0x350] =	vst v1;
	v63 =	vmul.f32 $1.131370830e+01, v61  }
0x33: {  	[tilespmem:s8+$0x360] =	vst v62  }
0x34: {  	s10 =	rddreg [dreg:$0x9];
	[tilespmem:s8+$0x370] =	vst v63  }
0x35: {  	[spmem:s10] =	stream.linear.scatter [tilespmem:s20], [sflag:$0xA], $0x2000, $0x38;
	[tilespmem:$0x1B9C0] =	vst v63  }
0x36: {  	_ =	swait.ge [sflag:s21], $0x2000  }
0x37: {  	[sflag:s21] =	ssyncset.done $0x0  }
0x38: {  	s9 =	simm.s32 $0x12F00;
	s19 =	rddreg [dreg:$0x5];
	[sflag:s21] =	ssyncadd.s32 $0xFFFFE000  }
0x39: {  	[tilespmem:s9], [sflag:$0xA] =	stream.linear.gather [hbm4b:s19+s4], $0x6400, $0x38;
	[tilespmem:$0x1B9C0] =	vst v63  }
0x3a: {  	_ =	swait.ge [sflag:s21], $0x6400  }
0x3b: {  	[sflag:s21] =	ssyncset.done $0x0  }
0x3c: {  	s31 =	simm.s32 $0x19300;
	s26 =	rddreg [dreg:$0x6];
	[sflag:s21] =	ssyncadd.s32 $0xFFFF9C00  }
0x3d: {  	[tilespmem:s31], [sflag:$0xA] =	stream.linear.gather [hbm4b:s26+s4], $0x80, $0x38;
	[tilespmem:$0x1B9C0] =	vst v63  }
0x3e: {  	_ =	swait.ge [sflag:s21], $0x80  }
0x3f: {  	[sflag:s21] =	ssyncset.done $0x0  }
0x40: {  	[sflag:s21] =	ssyncadd.s32 $0xFFFFFF80  }
0x41: {  	s8 =	simm.s32 @!p0 $0x12F00;
	s9 =	rddreg [dreg:$0x3]  }
0x42: {  	[spmem:s9] =	stream.linear.scatter @!p0 [tilespmem:s8], [sflag:$0xA], $0x6400, $0x38;
	[tilespmem:$0x1B9C0] =	vst v63  }
0x43: {  	s8 =	simm.s32 @!p0 $0xA  }
0x44: {  	_ =	swait.ge @!p0 [sflag:s8], $0x6400  }
0x45: {  	[sflag:s8] =	ssyncset.done @!p0 $0x0  }
0x46: {  	[sflag:s8] =	ssyncadd.s32 @!p0 $0xFFFF9C00  }
0x47: {  	[bflag:$0x0] =	sbarrier.arrive $0xFFFF  }
0x48: {  	s19 =	simm.s32 $0x0;
	s10 =	rddreg [dreg:$0x8]  }
0x49: {  	[tilespmem:s19], [sflag:$0xA] =	stream.linear.gather [hbm4b:s10+s19], $0xC8, $0x38;
	[tilespmem:$0x1B9C0] =	vst v63  }
0x4a: {  	_ =	swait.ge [sflag:s21], $0xC8  }
0x4b: {  	[sflag:s21] =	ssyncset.done $0x0  }
0x4c: {  	[sflag:s21] =	ssyncadd.s32 $0xFFFFFF38  }
0x4d: {  	[tilespmem:s20], [sflag:$0x1] =	stream.indirect.gather [spmem:s2], $0x80, s19, s24, $0xb8;
	[tilespmem:$0x1B9C0] =	vst v63  }
0x4e: {  	s26 =	simm.s32 $0x4300  }
0x4f: {  	[tilespmem:s26], [sflag:$0x1] =	stream.indirect.gather [spmem:s2], $0x80, s24, s25, $0xb8;
	[tilespmem:$0x1B9C0] =	vst v63  }
0x50: {  	s10 =	simm.s32 $0x0;
	s31 =	rddreg [dreg:$0xa]  }
0x51: {  	[tilespmem:s28], [sflag:$0x8] =	stream.linear.gather [hbm4b:s31+s19], $0xC8, $0x38;
	[tilespmem:$0x1B9C0] =	vst v63  }
.LBB2_4:
0x52: {  	_ =	swait.ge [sflag:s29], $0xC8  }
0x53: {  	p1 =	seq.s32 s10, $0x0;
	[sflag:s29] =	ssyncset.done $0x0  }
0x54: {  	s8 =	simm.s32 @!p1 $0x5;
	[sflag:s29] =	ssyncadd.s32 $0xFFFFFF38  }
0x55: {  	_ =	swait.ge @!p1 [sflag:s8], $0x6400  }
0x56: {  	[sflag:s8] =	ssyncset.done @!p1 $0x0  }
0x57: {  	[sflag:s8] =	ssyncadd.s32 @!p1 $0xFFFF9C00;
	s8 =	smul.u32 $0x258, s10  }
0x58: {  	[tilespmem:s30], [sflag:$0x2] =	stream.indirect.gather [spmem:s2], $0x80, s28, s24, $0xb8;
	[tilespmem:$0x1B9C0] =	vst v63  }
0x59: {  	s9 =	simm.s32 $0x180;
	s21 =	sadd.s32 s8, s13  }
0x5a: {  	[tilespmem:s0], [sflag:$0x2] =	stream.indirect.gather [spmem:s2], $0x80, s9, s25, $0xb8;
	[tilespmem:$0x1B9C0] =	vst v63  }
0x5b: {  	s26 =	sshrl.u32 s21, $0x3  }
0x5c: {  	s9 =	sadd.s32 s5, s26  }
0x5d: {  	[tilespmem:s3], [sflag:$0x9] =	stream.linear.gather [hbm4b:s9+s19], $0xC8, $0x38;
	[tilespmem:$0x1B9C0] =	vst v63  }
0x5e: {  	_ =	swait.ge [sflag:s22], $0x6400  }
0x5f: {  	[sflag:s22] =	ssyncset.done $0x0  }
0x60: {  	s9 =	simm.s32 $0x0;
	[sflag:s22] =	ssyncadd.s32 $0xFFFF9C00  }
0x61: {  	v0 =	vld [tilespmem:s9+$0x130F0]  }
0x62: {  	v1 =	vld [tilespmem:s9+$0x12F00]  }
0x63: {  	v2 =	vld [tilespmem:s9+$0x12F10]  }
0x64: {  	v3 =	vld [tilespmem:s9+$0x12F20]  }
0x65: {  	v4 =	vld [tilespmem:s9+$0x12F30]  }
0x66: {  	v5 =	vld [tilespmem:s9+$0x12F40]  }
0x67: {  	v6 =	vld [tilespmem:s9+$0x12F50]  }
0x68: {  	v7 =	vld [tilespmem:s9+$0x12F60]  }
0x69: {  	v8 =	vld [tilespmem:s9+$0x12F70]  }
0x6a: {  	v9 =	vld [tilespmem:s9+$0x12F80]  }
0x6b: {  	v10 =	vld [tilespmem:s9+$0x12F90]  }
0x6c: {  	v11 =	vld [tilespmem:s9+$0x12FA0]  }
0x6d: {  	v12 =	vld [tilespmem:s9+$0x12FB0]  }
0x6e: {  	v13 =	vld [tilespmem:s9+$0x12FC0]  }
0x6f: {  	v14 =	vld [tilespmem:s9+$0x12FD0]  }
0x70: {  	v15 =	vld [tilespmem:s9+$0x12FE0]  }
0x71: {  	v16 =	vld [tilespmem:s9+$0x12FF0]  }
0x72: {  	v17 =	vld [tilespmem:s9+$0x13000]  }
0x73: {  	v18 =	vld [tilespmem:s9+$0x13010]  }
0x74: {  	v19 =	vld [tilespmem:s9+$0x13020]  }
0x75: {  	v20 =	vld [tilespmem:s9+$0x13030]  }
0x76: {  	v21 =	vld [tilespmem:s9+$0x13040]  }
0x77: {  	v22 =	vld [tilespmem:s9+$0x13050]  }
0x78: {  	v23 =	vld [tilespmem:s9+$0x13060]  }
0x79: {  	v24 =	vld [tilespmem:s9+$0x13070]  }
0x7a: {  	v25 =	vld [tilespmem:s9+$0x13080]  }
0x7b: {  	v26 =	vld [tilespmem:s9+$0x13090]  }
0x7c: {  	v27 =	vld [tilespmem:s9+$0x130A0]  }
0x7d: {  	v28 =	vld [tilespmem:s9+$0x130B0]  }
0x7e: {  	v29 =	vld [tilespmem:s9+$0x130C0]  }
0x7f: {  	v30 =	vld [tilespmem:s9+$0x130D0]  }
0x80: {  	[tilespmem:s9+$0x4F0] =	vst.add.f32.msk $0xffff, v0  }
0x81: {  	v0 =	vld [tilespmem:s9+$0x130E0]  }
0x82: {  	[tilespmem:s9+$0x300] =	vst.add.f32.msk $0xffff, v1  }
0x83: {  	[tilespmem:s9+$0x310] =	vst.add.f32.msk $0xffff, v2  }
0x84: {  	[tilespmem:s9+$0x320] =	vst.add.f32.msk $0xffff, v3  }
0x85: {  	[tilespmem:s9+$0x330] =	vst.add.f32.msk $0xffff, v4  }
0x86: {  	[tilespmem:s9+$0x340] =	vst.add.f32.msk $0xffff, v5  }
0x87: {  	[tilespmem:s9+$0x350] =	vst.add.f32.msk $0xffff, v6  }
0x88: {  	[tilespmem:s9+$0x360] =	vst.add.f32.msk $0xffff, v7  }
0x89: {  	[tilespmem:s9+$0x370] =	vst.add.f32.msk $0xffff, v8  }
0x8a: {  	[tilespmem:s9+$0x380] =	vst.add.f32.msk $0xffff, v9  }
0x8b: {  	[tilespmem:s9+$0x390] =	vst.add.f32.msk $0xffff, v10  }
0x8c: {  	[tilespmem:s9+$0x3A0] =	vst.add.f32.msk $0xffff, v11  }
0x8d: {  	[tilespmem:s9+$0x3B0] =	vst.add.f32.msk $0xffff, v12  }
0x8e: {  	[tilespmem:s9+$0x3C0] =	vst.add.f32.msk $0xffff, v13  }
0x8f: {  	[tilespmem:s9+$0x3D0] =	vst.add.f32.msk $0xffff, v14  }
0x90: {  	[tilespmem:s9+$0x3E0] =	vst.add.f32.msk $0xffff, v15  }
0x91: {  	[tilespmem:s9+$0x3F0] =	vst.add.f32.msk $0xffff, v16  }
0x92: {  	[tilespmem:s9+$0x400] =	vst.add.f32.msk $0xffff, v17  }
0x93: {  	[tilespmem:s9+$0x410] =	vst.add.f32.msk $0xffff, v18  }
0x94: {  	[tilespmem:s9+$0x420] =	vst.add.f32.msk $0xffff, v19  }
0x95: {  	[tilespmem:s9+$0x430] =	vst.add.f32.msk $0xffff, v20  }
0x96: {  	[tilespmem:s9+$0x440] =	vst.add.f32.msk $0xffff, v21  }
0x97: {  	[tilespmem:s9+$0x450] =	vst.add.f32.msk $0xffff, v22  }
0x98: {  	[tilespmem:s9+$0x460] =	vst.add.f32.msk $0xffff, v23  }
0x99: {  	[tilespmem:s9+$0x470] =	vst.add.f32.msk $0xffff, v24  }
0x9a: {  	[tilespmem:s9+$0x480] =	vst.add.f32.msk $0xffff, v25  }
0x9b: {  	[tilespmem:s9+$0x490] =	vst.add.f32.msk $0xffff, v26  }
0x9c: {  	[tilespmem:s9+$0x4A0] =	vst.add.f32.msk $0xffff, v27  }
0x9d: {  	[tilespmem:s9+$0x4B0] =	vst.add.f32.msk $0xffff, v28  }
0x9e: {  	[tilespmem:s9+$0x4C0] =	vst.add.f32.msk $0xffff, v29  }
0x9f: {  	s31 =	simm.s32 $0x800;
	s26 =	simm.s32 $0x0;
	[tilespmem:s9+$0x4D0] =	vst.add.f32.msk $0xffff, v30  }
.LBB2_5:
0xa0: {  	s26 =	sadd.s32 $0x4, s26;
	[tilespmem:s9+$0x4E0] =	vst.add.f32.msk $0xffff, v0;
	s9 =	sshra.s32 s31, $0x2  }
0xa1: {  	v0 =	vld [tilespmem:s9+$0x130F0];
	p2 =	slt.u32 s26, $0xC4  }
0xa2: {  	v1 =	vld [tilespmem:s9+$0x12F00]  }
0xa3: {  	v2 =	vld [tilespmem:s9+$0x12F10]  }
0xa4: {  	v3 =	vld [tilespmem:s9+$0x12F20]  }
0xa5: {  	v4 =	vld [tilespmem:s9+$0x12F30]  }
0xa6: {  	[tilespmem:s9+$0x4F0] =	vst.add.f32.msk $0xffff, v0  }
0xa7: {  	v5 =	vld [tilespmem:s9+$0x12F40]  }
0xa8: {  	v6 =	vld [tilespmem:s9+$0x12F50]  }
0xa9: {  	v7 =	vld [tilespmem:s9+$0x12F60]  }
0xaa: {  	v8 =	vld [tilespmem:s9+$0x12F70]  }
0xab: {  	v9 =	vld [tilespmem:s9+$0x12F80]  }
0xac: {  	v10 =	vld [tilespmem:s9+$0x12F90]  }
0xad: {  	v11 =	vld [tilespmem:s9+$0x12FA0]  }
0xae: {  	v12 =	vld [tilespmem:s9+$0x12FB0]  }
0xaf: {  	v13 =	vld [tilespmem:s9+$0x12FC0]  }
0xb0: {  	v14 =	vld [tilespmem:s9+$0x12FD0]  }
0xb1: {  	v15 =	vld [tilespmem:s9+$0x12FE0]  }
0xb2: {  	v16 =	vld [tilespmem:s9+$0x12FF0]  }
0xb3: {  	v17 =	vld [tilespmem:s9+$0x13000]  }
0xb4: {  	v18 =	vld [tilespmem:s9+$0x13010]  }
0xb5: {  	v19 =	vld [tilespmem:s9+$0x13020]  }
0xb6: {  	v20 =	vld [tilespmem:s9+$0x13030]  }
0xb7: {  	v21 =	vld [tilespmem:s9+$0x13040]  }
0xb8: {  	v22 =	vld [tilespmem:s9+$0x13050]  }
0xb9: {  	v23 =	vld [tilespmem:s9+$0x13060]  }
0xba: {  	v24 =	vld [tilespmem:s9+$0x13070]  }
0xbb: {  	v25 =	vld [tilespmem:s9+$0x13080]  }
0xbc: {  	v26 =	vld [tilespmem:s9+$0x13090]  }
0xbd: {  	v27 =	vld [tilespmem:s9+$0x130A0]  }
0xbe: {  	v28 =	vld [tilespmem:s9+$0x130B0]  }
0xbf: {  	v29 =	vld [tilespmem:s9+$0x130C0]  }
0xc0: {  	v30 =	vld [tilespmem:s9+$0x130D0]  }
0xc1: {  	v0 =	vld [tilespmem:s9+$0x130E0]  }
0xc2: {  	[tilespmem:s9+$0x300] =	vst.add.f32.msk $0xffff, v1  }
0xc3: {  	[tilespmem:s9+$0x310] =	vst.add.f32.msk $0xffff, v2  }
0xc4: {  	[tilespmem:s9+$0x320] =	vst.add.f32.msk $0xffff, v3  }
0xc5: {  	[tilespmem:s9+$0x330] =	vst.add.f32.msk $0xffff, v4  }
0xc6: {  	[tilespmem:s9+$0x340] =	vst.add.f32.msk $0xffff, v5  }
0xc7: {  	[tilespmem:s9+$0x350] =	vst.add.f32.msk $0xffff, v6  }
0xc8: {  	[tilespmem:s9+$0x360] =	vst.add.f32.msk $0xffff, v7  }
0xc9: {  	[tilespmem:s9+$0x370] =	vst.add.f32.msk $0xffff, v8  }
0xca: {  	[tilespmem:s9+$0x380] =	vst.add.f32.msk $0xffff, v9  }
0xcb: {  	[tilespmem:s9+$0x390] =	vst.add.f32.msk $0xffff, v10  }
0xcc: {  	[tilespmem:s9+$0x3A0] =	vst.add.f32.msk $0xffff, v11  }
0xcd: {  	[tilespmem:s9+$0x3B0] =	vst.add.f32.msk $0xffff, v12  }
0xce: {  	[tilespmem:s9+$0x3C0] =	vst.add.f32.msk $0xffff, v13  }
0xcf: {  	[tilespmem:s9+$0x3D0] =	vst.add.f32.msk $0xffff, v14  }
0xd0: {  	[tilespmem:s9+$0x3E0] =	vst.add.f32.msk $0xffff, v15  }
0xd1: {  	[tilespmem:s9+$0x3F0] =	vst.add.f32.msk $0xffff, v16  }
0xd2: {  	[tilespmem:s9+$0x400] =	vst.add.f32.msk $0xffff, v17  }
0xd3: {  	[tilespmem:s9+$0x410] =	vst.add.f32.msk $0xffff, v18  }
0xd4: {  	[tilespmem:s9+$0x420] =	vst.add.f32.msk $0xffff, v19  }
0xd5: {  	[tilespmem:s9+$0x430] =	vst.add.f32.msk $0xffff, v20  }
0xd6: {  	[tilespmem:s9+$0x440] =	vst.add.f32.msk $0xffff, v21  }
0xd7: {  	[tilespmem:s9+$0x450] =	vst.add.f32.msk $0xffff, v22  }
0xd8: {  	[tilespmem:s9+$0x460] =	vst.add.f32.msk $0xffff, v23  }
0xd9: {  	[tilespmem:s9+$0x470] =	vst.add.f32.msk $0xffff, v24  }
0xda: {  	[tilespmem:s9+$0x480] =	vst.add.f32.msk $0xffff, v25  }
.Ltmp1:
0xdb: {  	[tilespmem:s9+$0x490] =	vst.add.f32.msk $0xffff, v26;
	(pc) =	sbr.rel @p2 .LBB2_5-.Ltmp1, $4  }
0xdc: {  	[tilespmem:s9+$0x4A0] =	vst.add.f32.msk $0xffff, v27  }
0xdd: {  	[tilespmem:s9+$0x4B0] =	vst.add.f32.msk $0xffff, v28  }
0xde: {  	[tilespmem:s9+$0x4C0] =	vst.add.f32.msk $0xffff, v29  }
0xdf: {  	s31 =	sadd.s32 $0x800, s31;
	[tilespmem:s9+$0x4D0] =	vst.add.f32.msk $0xffff, v30  }
0xe0: {  	s26 =	sadd.s32 s6, s8  }
0xe1: {  	s26 =	sshll.u32 s26, $0x4  }
0xe2: {  	[tilespmem:s9+$0x4E0] =	vst.add.f32.msk $0xffff, v0;
	s26 =	sadd.s32 s1, s26  }
0xe3: {  	[hbm4b:s26+s4] =	stream.linear.scatter [tilespmem:s20], [sflag:$0x4], $0x6400, $0x38;
	[tilespmem:$0x1B9C0] =	vst v63  }
0xe4: {  	_ =	swait.ge [sflag:s23], $0xC8  }
0xe5: {  	[sflag:s23] =	ssyncset.done $0x0  }
0xe6: {  	s9 =	simm.s32 @!p1 $0x6;
	[sflag:s23] =	ssyncadd.s32 $0xFFFFFF38  }
0xe7: {  	_ =	swait.ge @!p1 [sflag:s9], $0x6400  }
0xe8: {  	[sflag:s9] =	ssyncset.done @!p1 $0x0  }
0xe9: {  	[sflag:s9] =	ssyncadd.s32 @!p1 $0xFFFF9C00  }
0xea: {  	[tilespmem:s7], [sflag:$0x3] =	stream.indirect.gather [spmem:s2], $0x80, s3, s24, $0xb8;
	[tilespmem:$0x1B9C0] =	vst v63  }
0xeb: {  	s26 =	simm.s32 $0x10B00;
	s9 =	simm.s32 $0x280  }
0xec: {  	[tilespmem:s26], [sflag:$0x3] =	stream.indirect.gather [spmem:s2], $0x80, s9, s25, $0xb8;
	[tilespmem:$0x1B9C0] =	vst v63  }
0xed: {  	s26 =	sadd.s32 s8, s14  }
0xee: {  	s9 =	sshrl.u32 s26, $0x3  }
0xef: {  	s26 =	simm.s32 $0x0;
	s9 =	sadd.s32 s5, s9  }
0xf0: {  	[tilespmem:s26], [sflag:$0x7] =	stream.linear.gather [hbm4b:s9+s26], $0xC8, $0x38;
	[tilespmem:$0x1B9C0] =	vst v63  }
0xf1: {  	_ =	swait.ge [sflag:s11], $0x6400  }
0xf2: {  	[sflag:s11] =	ssyncset.done $0x0  }
0xf3: {  	s9 =	simm.s32 $0x0;
	[sflag:s11] =	ssyncadd.s32 $0xFFFF9C00  }
0xf4: {  	v0 =	vld [tilespmem:s9+$0x130F0]  }
0xf5: {  	v1 =	vld [tilespmem:s9+$0x12F00]  }
0xf6: {  	v2 =	vld [tilespmem:s9+$0x12F10]  }
0xf7: {  	v3 =	vld [tilespmem:s9+$0x12F20]  }
0xf8: {  	v4 =	vld [tilespmem:s9+$0x12F30]  }
0xf9: {  	v5 =	vld [tilespmem:s9+$0x12F40]  }
0xfa: {  	v6 =	vld [tilespmem:s9+$0x12F50]  }
0xfb: {  	v7 =	vld [tilespmem:s9+$0x12F60]  }
0xfc: {  	v8 =	vld [tilespmem:s9+$0x12F70]  }
0xfd: {  	v9 =	vld [tilespmem:s9+$0x12F80]  }
0xfe: {  	v10 =	vld [tilespmem:s9+$0x12F90]  }
0xff: {  	v11 =	vld [tilespmem:s9+$0x12FA0]  }
0x100: {  	v12 =	vld [tilespmem:s9+$0x12FB0]  }
0x101: {  	v13 =	vld [tilespmem:s9+$0x12FC0]  }
0x102: {  	v14 =	vld [tilespmem:s9+$0x12FD0]  }
0x103: {  	v15 =	vld [tilespmem:s9+$0x12FE0]  }
0x104: {  	v16 =	vld [tilespmem:s9+$0x12FF0]  }
0x105: {  	v17 =	vld [tilespmem:s9+$0x13000]  }
0x106: {  	v18 =	vld [tilespmem:s9+$0x13010]  }
0x107: {  	v19 =	vld [tilespmem:s9+$0x13020]  }
0x108: {  	v20 =	vld [tilespmem:s9+$0x13030]  }
0x109: {  	v21 =	vld [tilespmem:s9+$0x13040]  }
0x10a: {  	v22 =	vld [tilespmem:s9+$0x13050]  }
0x10b: {  	v23 =	vld [tilespmem:s9+$0x13060]  }
0x10c: {  	v24 =	vld [tilespmem:s9+$0x13070]  }
0x10d: {  	v25 =	vld [tilespmem:s9+$0x13080]  }
0x10e: {  	v26 =	vld [tilespmem:s9+$0x13090]  }
0x10f: {  	v27 =	vld [tilespmem:s9+$0x130A0]  }
0x110: {  	v28 =	vld [tilespmem:s9+$0x130B0]  }
0x111: {  	v29 =	vld [tilespmem:s9+$0x130C0]  }
0x112: {  	v30 =	vld [tilespmem:s9+$0x130D0]  }
0x113: {  	[tilespmem:s9+$0x68F0] =	vst.add.f32.msk $0xffff, v0  }
0x114: {  	v0 =	vld [tilespmem:s9+$0x130E0]  }
0x115: {  	[tilespmem:s9+$0x6700] =	vst.add.f32.msk $0xffff, v1  }
0x116: {  	[tilespmem:s9+$0x6710] =	vst.add.f32.msk $0xffff, v2  }
0x117: {  	[tilespmem:s9+$0x6720] =	vst.add.f32.msk $0xffff, v3  }
0x118: {  	[tilespmem:s9+$0x6730] =	vst.add.f32.msk $0xffff, v4  }
0x119: {  	[tilespmem:s9+$0x6740] =	vst.add.f32.msk $0xffff, v5  }
0x11a: {  	[tilespmem:s9+$0x6750] =	vst.add.f32.msk $0xffff, v6  }
0x11b: {  	[tilespmem:s9+$0x6760] =	vst.add.f32.msk $0xffff, v7  }
0x11c: {  	[tilespmem:s9+$0x6770] =	vst.add.f32.msk $0xffff, v8  }
0x11d: {  	[tilespmem:s9+$0x6780] =	vst.add.f32.msk $0xffff, v9  }
0x11e: {  	[tilespmem:s9+$0x6790] =	vst.add.f32.msk $0xffff, v10  }
0x11f: {  	[tilespmem:s9+$0x67A0] =	vst.add.f32.msk $0xffff, v11  }
0x120: {  	[tilespmem:s9+$0x67B0] =	vst.add.f32.msk $0xffff, v12  }
0x121: {  	[tilespmem:s9+$0x67C0] =	vst.add.f32.msk $0xffff, v13  }
0x122: {  	[tilespmem:s9+$0x67D0] =	vst.add.f32.msk $0xffff, v14  }
0x123: {  	[tilespmem:s9+$0x67E0] =	vst.add.f32.msk $0xffff, v15  }
0x124: {  	[tilespmem:s9+$0x67F0] =	vst.add.f32.msk $0xffff, v16  }
0x125: {  	[tilespmem:s9+$0x6800] =	vst.add.f32.msk $0xffff, v17  }
0x126: {  	[tilespmem:s9+$0x6810] =	vst.add.f32.msk $0xffff, v18  }
0x127: {  	[tilespmem:s9+$0x6820] =	vst.add.f32.msk $0xffff, v19  }
0x128: {  	[tilespmem:s9+$0x6830] =	vst.add.f32.msk $0xffff, v20  }
0x129: {  	[tilespmem:s9+$0x6840] =	vst.add.f32.msk $0xffff, v21  }
0x12a: {  	[tilespmem:s9+$0x6850] =	vst.add.f32.msk $0xffff, v22  }
0x12b: {  	[tilespmem:s9+$0x6860] =	vst.add.f32.msk $0xffff, v23  }
0x12c: {  	[tilespmem:s9+$0x6870] =	vst.add.f32.msk $0xffff, v24  }
0x12d: {  	[tilespmem:s9+$0x6880] =	vst.add.f32.msk $0xffff, v25  }
0x12e: {  	[tilespmem:s9+$0x6890] =	vst.add.f32.msk $0xffff, v26  }
0x12f: {  	[tilespmem:s9+$0x68A0] =	vst.add.f32.msk $0xffff, v27  }
0x130: {  	[tilespmem:s9+$0x68B0] =	vst.add.f32.msk $0xffff, v28  }
0x131: {  	[tilespmem:s9+$0x68C0] =	vst.add.f32.msk $0xffff, v29  }
0x132: {  	s31 =	simm.s32 $0x800;
	s26 =	simm.s32 $0x0;
	[tilespmem:s9+$0x68D0] =	vst.add.f32.msk $0xffff, v30  }
.LBB2_7:
0x133: {  	s26 =	sadd.s32 $0x4, s26;
	[tilespmem:s9+$0x68E0] =	vst.add.f32.msk $0xffff, v0;
	s9 =	sshra.s32 s31, $0x2  }
0x134: {  	v0 =	vld [tilespmem:s9+$0x130F0];
	p1 =	slt.u32 s26, $0xC4  }
0x135: {  	v1 =	vld [tilespmem:s9+$0x12F00]  }
0x136: {  	v2 =	vld [tilespmem:s9+$0x12F10]  }
0x137: {  	v3 =	vld [tilespmem:s9+$0x12F20]  }
0x138: {  	v4 =	vld [tilespmem:s9+$0x12F30]  }
0x139: {  	[tilespmem:s9+$0x68F0] =	vst.add.f32.msk $0xffff, v0  }
0x13a: {  	v5 =	vld [tilespmem:s9+$0x12F40]  }
0x13b: {  	v6 =	vld [tilespmem:s9+$0x12F50]  }
0x13c: {  	v7 =	vld [tilespmem:s9+$0x12F60]  }
0x13d: {  	v8 =	vld [tilespmem:s9+$0x12F70]  }
0x13e: {  	v9 =	vld [tilespmem:s9+$0x12F80]  }
0x13f: {  	v10 =	vld [tilespmem:s9+$0x12F90]  }
0x140: {  	v11 =	vld [tilespmem:s9+$0x12FA0]  }
0x141: {  	v12 =	vld [tilespmem:s9+$0x12FB0]  }
0x142: {  	v13 =	vld [tilespmem:s9+$0x12FC0]  }
0x143: {  	v14 =	vld [tilespmem:s9+$0x12FD0]  }
0x144: {  	v15 =	vld [tilespmem:s9+$0x12FE0]  }
0x145: {  	v16 =	vld [tilespmem:s9+$0x12FF0]  }
0x146: {  	v17 =	vld [tilespmem:s9+$0x13000]  }
0x147: {  	v18 =	vld [tilespmem:s9+$0x13010]  }
0x148: {  	v19 =	vld [tilespmem:s9+$0x13020]  }
0x149: {  	v20 =	vld [tilespmem:s9+$0x13030]  }
0x14a: {  	v21 =	vld [tilespmem:s9+$0x13040]  }
0x14b: {  	v22 =	vld [tilespmem:s9+$0x13050]  }
0x14c: {  	v23 =	vld [tilespmem:s9+$0x13060]  }
0x14d: {  	v24 =	vld [tilespmem:s9+$0x13070]  }
0x14e: {  	v25 =	vld [tilespmem:s9+$0x13080]  }
0x14f: {  	v26 =	vld [tilespmem:s9+$0x13090]  }
0x150: {  	v27 =	vld [tilespmem:s9+$0x130A0]  }
0x151: {  	v28 =	vld [tilespmem:s9+$0x130B0]  }
0x152: {  	v29 =	vld [tilespmem:s9+$0x130C0]  }
0x153: {  	v30 =	vld [tilespmem:s9+$0x130D0]  }
0x154: {  	v0 =	vld [tilespmem:s9+$0x130E0]  }
0x155: {  	[tilespmem:s9+$0x6700] =	vst.add.f32.msk $0xffff, v1  }
0x156: {  	[tilespmem:s9+$0x6710] =	vst.add.f32.msk $0xffff, v2  }
0x157: {  	[tilespmem:s9+$0x6720] =	vst.add.f32.msk $0xffff, v3  }
0x158: {  	[tilespmem:s9+$0x6730] =	vst.add.f32.msk $0xffff, v4  }
0x159: {  	[tilespmem:s9+$0x6740] =	vst.add.f32.msk $0xffff, v5  }
0x15a: {  	[tilespmem:s9+$0x6750] =	vst.add.f32.msk $0xffff, v6  }
0x15b: {  	[tilespmem:s9+$0x6760] =	vst.add.f32.msk $0xffff, v7  }
0x15c: {  	[tilespmem:s9+$0x6770] =	vst.add.f32.msk $0xffff, v8  }
0x15d: {  	[tilespmem:s9+$0x6780] =	vst.add.f32.msk $0xffff, v9  }
0x15e: {  	[tilespmem:s9+$0x6790] =	vst.add.f32.msk $0xffff, v10  }
0x15f: {  	[tilespmem:s9+$0x67A0] =	vst.add.f32.msk $0xffff, v11  }
0x160: {  	[tilespmem:s9+$0x67B0] =	vst.add.f32.msk $0xffff, v12  }
0x161: {  	[tilespmem:s9+$0x67C0] =	vst.add.f32.msk $0xffff, v13  }
0x162: {  	[tilespmem:s9+$0x67D0] =	vst.add.f32.msk $0xffff, v14  }
0x163: {  	[tilespmem:s9+$0x67E0] =	vst.add.f32.msk $0xffff, v15  }
0x164: {  	[tilespmem:s9+$0x67F0] =	vst.add.f32.msk $0xffff, v16  }
0x165: {  	[tilespmem:s9+$0x6800] =	vst.add.f32.msk $0xffff, v17  }
0x166: {  	[tilespmem:s9+$0x6810] =	vst.add.f32.msk $0xffff, v18  }
0x167: {  	[tilespmem:s9+$0x6820] =	vst.add.f32.msk $0xffff, v19  }
0x168: {  	[tilespmem:s9+$0x6830] =	vst.add.f32.msk $0xffff, v20  }
0x169: {  	[tilespmem:s9+$0x6840] =	vst.add.f32.msk $0xffff, v21  }
0x16a: {  	[tilespmem:s9+$0x6850] =	vst.add.f32.msk $0xffff, v22  }
0x16b: {  	[tilespmem:s9+$0x6860] =	vst.add.f32.msk $0xffff, v23  }
0x16c: {  	[tilespmem:s9+$0x6870] =	vst.add.f32.msk $0xffff, v24  }
0x16d: {  	[tilespmem:s9+$0x6880] =	vst.add.f32.msk $0xffff, v25  }
.Ltmp2:
0x16e: {  	[tilespmem:s9+$0x6890] =	vst.add.f32.msk $0xffff, v26;
	(pc) =	sbr.rel @p1 .LBB2_7-.Ltmp2, $4  }
0x16f: {  	[tilespmem:s9+$0x68A0] =	vst.add.f32.msk $0xffff, v27  }
0x170: {  	[tilespmem:s9+$0x68B0] =	vst.add.f32.msk $0xffff, v28  }
0x171: {  	[tilespmem:s9+$0x68C0] =	vst.add.f32.msk $0xffff, v29  }
0x172: {  	s31 =	sadd.s32 $0x800, s31;
	[tilespmem:s9+$0x68D0] =	vst.add.f32.msk $0xffff, v30  }
0x173: {  	s26 =	sadd.s32 s8, s15  }
0x174: {  	s26 =	sshll.u32 s26, $0x4  }
0x175: {  	[tilespmem:s9+$0x68E0] =	vst.add.f32.msk $0xffff, v0;
	s31 =	sadd.s32 s1, s26;
	s26 =	simm.s32 $0x0  }
0x176: {  	[hbm4b:s31+s26] =	stream.linear.scatter [tilespmem:s30], [sflag:$0x5], $0x6400, $0x38;
	[tilespmem:$0x1B9C0] =	vst v63  }
0x177: {  	_ =	swait.ge [sflag:s12], $0xC8  }
0x178: {  	[sflag:s12] =	ssyncset.done $0x0  }
0x179: {  	[sflag:s12] =	ssyncadd.s32 $0xFFFFFF38  }
0x17a: {  	_ =	swait.ge [sflag:s17], $0x6400  }
0x17b: {  	[sflag:s17] =	ssyncset.done $0x0  }
0x17c: {  	[sflag:s17] =	ssyncadd.s32 $0xFFFF9C00  }
0x17d: {  	[tilespmem:s20], [sflag:$0x1] =	stream.indirect.gather [spmem:s2], $0x80, s26, s24, $0xb8;
	[tilespmem:$0x1B9C0] =	vst v63  }
0x17e: {  	s31 =	simm.s32 $0x4300  }
0x17f: {  	[tilespmem:s31], [sflag:$0x1] =	stream.indirect.gather [spmem:s2], $0x80, s24, s25, $0xb8;
	[tilespmem:$0x1B9C0] =	vst v63  }
0x180: {  	s31 =	sadd.s32 s8, s16  }
0x181: {  	s8 =	sshrl.u32 s31, $0x3  }
0x182: {  	s8 =	sadd.s32 s5, s8  }
0x183: {  	[tilespmem:s28], [sflag:$0x8] =	stream.linear.gather [hbm4b:s8+s26], $0xC8, $0x38;
	[tilespmem:$0x1B9C0] =	vst v63  }
0x184: {  	_ =	swait.ge [sflag:s18], $0x6400  }
0x185: {  	[sflag:s18] =	ssyncset.done $0x0  }
0x186: {  	s8 =	simm.s32 $0x0;
	[sflag:s18] =	ssyncadd.s32 $0xFFFF9C00  }
0x187: {  	v0 =	vld [tilespmem:s8+$0x130F0]  }
0x188: {  	v1 =	vld [tilespmem:s8+$0x12F00]  }
0x189: {  	v2 =	vld [tilespmem:s8+$0x12F10]  }
0x18a: {  	v3 =	vld [tilespmem:s8+$0x12F20]  }
0x18b: {  	v4 =	vld [tilespmem:s8+$0x12F30]  }
0x18c: {  	v5 =	vld [tilespmem:s8+$0x12F40]  }
0x18d: {  	v6 =	vld [tilespmem:s8+$0x12F50]  }
0x18e: {  	v7 =	vld [tilespmem:s8+$0x12F60]  }
0x18f: {  	v8 =	vld [tilespmem:s8+$0x12F70]  }
0x190: {  	v9 =	vld [tilespmem:s8+$0x12F80]  }
0x191: {  	v10 =	vld [tilespmem:s8+$0x12F90]  }
0x192: {  	v11 =	vld [tilespmem:s8+$0x12FA0]  }
0x193: {  	v12 =	vld [tilespmem:s8+$0x12FB0]  }
0x194: {  	v13 =	vld [tilespmem:s8+$0x12FC0]  }
0x195: {  	v14 =	vld [tilespmem:s8+$0x12FD0]  }
0x196: {  	v15 =	vld [tilespmem:s8+$0x12FE0]  }
0x197: {  	v16 =	vld [tilespmem:s8+$0x12FF0]  }
0x198: {  	v17 =	vld [tilespmem:s8+$0x13000]  }
0x199: {  	v18 =	vld [tilespmem:s8+$0x13010]  }
0x19a: {  	v19 =	vld [tilespmem:s8+$0x13020]  }
0x19b: {  	v20 =	vld [tilespmem:s8+$0x13030]  }
0x19c: {  	v21 =	vld [tilespmem:s8+$0x13040]  }
0x19d: {  	v22 =	vld [tilespmem:s8+$0x13050]  }
0x19e: {  	v23 =	vld [tilespmem:s8+$0x13060]  }
0x19f: {  	v24 =	vld [tilespmem:s8+$0x13070]  }
0x1a0: {  	v25 =	vld [tilespmem:s8+$0x13080]  }
0x1a1: {  	v26 =	vld [tilespmem:s8+$0x13090]  }
0x1a2: {  	v27 =	vld [tilespmem:s8+$0x130A0]  }
0x1a3: {  	v28 =	vld [tilespmem:s8+$0x130B0]  }
0x1a4: {  	v29 =	vld [tilespmem:s8+$0x130C0]  }
0x1a5: {  	v30 =	vld [tilespmem:s8+$0x130D0]  }
0x1a6: {  	[tilespmem:s8+$0xCCF0] =	vst.add.f32.msk $0xffff, v0  }
0x1a7: {  	v0 =	vld [tilespmem:s8+$0x130E0]  }
0x1a8: {  	[tilespmem:s8+$0xCB00] =	vst.add.f32.msk $0xffff, v1  }
0x1a9: {  	[tilespmem:s8+$0xCB10] =	vst.add.f32.msk $0xffff, v2  }
0x1aa: {  	[tilespmem:s8+$0xCB20] =	vst.add.f32.msk $0xffff, v3  }
0x1ab: {  	[tilespmem:s8+$0xCB30] =	vst.add.f32.msk $0xffff, v4  }
0x1ac: {  	[tilespmem:s8+$0xCB40] =	vst.add.f32.msk $0xffff, v5  }
0x1ad: {  	[tilespmem:s8+$0xCB50] =	vst.add.f32.msk $0xffff, v6  }
0x1ae: {  	[tilespmem:s8+$0xCB60] =	vst.add.f32.msk $0xffff, v7  }
0x1af: {  	[tilespmem:s8+$0xCB70] =	vst.add.f32.msk $0xffff, v8  }
0x1b0: {  	[tilespmem:s8+$0xCB80] =	vst.add.f32.msk $0xffff, v9  }
0x1b1: {  	[tilespmem:s8+$0xCB90] =	vst.add.f32.msk $0xffff, v10  }
0x1b2: {  	[tilespmem:s8+$0xCBA0] =	vst.add.f32.msk $0xffff, v11  }
0x1b3: {  	[tilespmem:s8+$0xCBB0] =	vst.add.f32.msk $0xffff, v12  }
0x1b4: {  	[tilespmem:s8+$0xCBC0] =	vst.add.f32.msk $0xffff, v13  }
0x1b5: {  	[tilespmem:s8+$0xCBD0] =	vst.add.f32.msk $0xffff, v14  }
0x1b6: {  	[tilespmem:s8+$0xCBE0] =	vst.add.f32.msk $0xffff, v15  }
0x1b7: {  	[tilespmem:s8+$0xCBF0] =	vst.add.f32.msk $0xffff, v16  }
0x1b8: {  	[tilespmem:s8+$0xCC00] =	vst.add.f32.msk $0xffff, v17  }
0x1b9: {  	[tilespmem:s8+$0xCC10] =	vst.add.f32.msk $0xffff, v18  }
0x1ba: {  	[tilespmem:s8+$0xCC20] =	vst.add.f32.msk $0xffff, v19  }
0x1bb: {  	[tilespmem:s8+$0xCC30] =	vst.add.f32.msk $0xffff, v20  }
0x1bc: {  	[tilespmem:s8+$0xCC40] =	vst.add.f32.msk $0xffff, v21  }
0x1bd: {  	[tilespmem:s8+$0xCC50] =	vst.add.f32.msk $0xffff, v22  }
0x1be: {  	[tilespmem:s8+$0xCC60] =	vst.add.f32.msk $0xffff, v23  }
0x1bf: {  	[tilespmem:s8+$0xCC70] =	vst.add.f32.msk $0xffff, v24  }
0x1c0: {  	[tilespmem:s8+$0xCC80] =	vst.add.f32.msk $0xffff, v25  }
0x1c1: {  	[tilespmem:s8+$0xCC90] =	vst.add.f32.msk $0xffff, v26  }
0x1c2: {  	[tilespmem:s8+$0xCCA0] =	vst.add.f32.msk $0xffff, v27  }
0x1c3: {  	[tilespmem:s8+$0xCCB0] =	vst.add.f32.msk $0xffff, v28  }
0x1c4: {  	[tilespmem:s8+$0xCCC0] =	vst.add.f32.msk $0xffff, v29  }
0x1c5: {  	s9 =	simm.s32 $0x0;
	s26 =	simm.s32 $0x800;
	[tilespmem:s8+$0xCCD0] =	vst.add.f32.msk $0xffff, v30  }
.LBB2_9:
0x1c6: {  	s9 =	sadd.s32 $0x4, s9;
	[tilespmem:s8+$0xCCE0] =	vst.add.f32.msk $0xffff, v0;
	s8 =	sshra.s32 s26, $0x2  }
0x1c7: {  	v0 =	vld [tilespmem:s8+$0x130F0];
	p1 =	slt.u32 s9, $0xC4  }
0x1c8: {  	v1 =	vld [tilespmem:s8+$0x12F00]  }
0x1c9: {  	v2 =	vld [tilespmem:s8+$0x12F10]  }
0x1ca: {  	v3 =	vld [tilespmem:s8+$0x12F20]  }
0x1cb: {  	v4 =	vld [tilespmem:s8+$0x12F30]  }
0x1cc: {  	[tilespmem:s8+$0xCCF0] =	vst.add.f32.msk $0xffff, v0  }
0x1cd: {  	v5 =	vld [tilespmem:s8+$0x12F40]  }
0x1ce: {  	v6 =	vld [tilespmem:s8+$0x12F50]  }
0x1cf: {  	v7 =	vld [tilespmem:s8+$0x12F60]  }
0x1d0: {  	v8 =	vld [tilespmem:s8+$0x12F70]  }
0x1d1: {  	v9 =	vld [tilespmem:s8+$0x12F80]  }
0x1d2: {  	v10 =	vld [tilespmem:s8+$0x12F90]  }
0x1d3: {  	v11 =	vld [tilespmem:s8+$0x12FA0]  }
0x1d4: {  	v12 =	vld [tilespmem:s8+$0x12FB0]  }
0x1d5: {  	v13 =	vld [tilespmem:s8+$0x12FC0]  }
0x1d6: {  	v14 =	vld [tilespmem:s8+$0x12FD0]  }
0x1d7: {  	v15 =	vld [tilespmem:s8+$0x12FE0]  }
0x1d8: {  	v16 =	vld [tilespmem:s8+$0x12FF0]  }
0x1d9: {  	v17 =	vld [tilespmem:s8+$0x13000]  }
0x1da: {  	v18 =	vld [tilespmem:s8+$0x13010]  }
0x1db: {  	v19 =	vld [tilespmem:s8+$0x13020]  }
0x1dc: {  	v20 =	vld [tilespmem:s8+$0x13030]  }
0x1dd: {  	v21 =	vld [tilespmem:s8+$0x13040]  }
0x1de: {  	v22 =	vld [tilespmem:s8+$0x13050]  }
0x1df: {  	v23 =	vld [tilespmem:s8+$0x13060]  }
0x1e0: {  	v24 =	vld [tilespmem:s8+$0x13070]  }
0x1e1: {  	v25 =	vld [tilespmem:s8+$0x13080]  }
0x1e2: {  	v26 =	vld [tilespmem:s8+$0x13090]  }
0x1e3: {  	v27 =	vld [tilespmem:s8+$0x130A0]  }
0x1e4: {  	v28 =	vld [tilespmem:s8+$0x130B0]  }
0x1e5: {  	v29 =	vld [tilespmem:s8+$0x130C0]  }
0x1e6: {  	v30 =	vld [tilespmem:s8+$0x130D0]  }
0x1e7: {  	v0 =	vld [tilespmem:s8+$0x130E0]  }
0x1e8: {  	[tilespmem:s8+$0xCB00] =	vst.add.f32.msk $0xffff, v1  }
0x1e9: {  	[tilespmem:s8+$0xCB10] =	vst.add.f32.msk $0xffff, v2  }
0x1ea: {  	[tilespmem:s8+$0xCB20] =	vst.add.f32.msk $0xffff, v3  }
0x1eb: {  	[tilespmem:s8+$0xCB30] =	vst.add.f32.msk $0xffff, v4  }
0x1ec: {  	[tilespmem:s8+$0xCB40] =	vst.add.f32.msk $0xffff, v5  }
0x1ed: {  	[tilespmem:s8+$0xCB50] =	vst.add.f32.msk $0xffff, v6  }
0x1ee: {  	[tilespmem:s8+$0xCB60] =	vst.add.f32.msk $0xffff, v7  }
0x1ef: {  	[tilespmem:s8+$0xCB70] =	vst.add.f32.msk $0xffff, v8  }
0x1f0: {  	[tilespmem:s8+$0xCB80] =	vst.add.f32.msk $0xffff, v9  }
0x1f1: {  	[tilespmem:s8+$0xCB90] =	vst.add.f32.msk $0xffff, v10  }
0x1f2: {  	[tilespmem:s8+$0xCBA0] =	vst.add.f32.msk $0xffff, v11  }
0x1f3: {  	[tilespmem:s8+$0xCBB0] =	vst.add.f32.msk $0xffff, v12  }
0x1f4: {  	[tilespmem:s8+$0xCBC0] =	vst.add.f32.msk $0xffff, v13  }
0x1f5: {  	[tilespmem:s8+$0xCBD0] =	vst.add.f32.msk $0xffff, v14  }
0x1f6: {  	[tilespmem:s8+$0xCBE0] =	vst.add.f32.msk $0xffff, v15  }
0x1f7: {  	[tilespmem:s8+$0xCBF0] =	vst.add.f32.msk $0xffff, v16  }
0x1f8: {  	[tilespmem:s8+$0xCC00] =	vst.add.f32.msk $0xffff, v17  }
0x1f9: {  	[tilespmem:s8+$0xCC10] =	vst.add.f32.msk $0xffff, v18  }
0x1fa: {  	[tilespmem:s8+$0xCC20] =	vst.add.f32.msk $0xffff, v19  }
0x1fb: {  	[tilespmem:s8+$0xCC30] =	vst.add.f32.msk $0xffff, v20  }
0x1fc: {  	[tilespmem:s8+$0xCC40] =	vst.add.f32.msk $0xffff, v21  }
0x1fd: {  	[tilespmem:s8+$0xCC50] =	vst.add.f32.msk $0xffff, v22  }
0x1fe: {  	[tilespmem:s8+$0xCC60] =	vst.add.f32.msk $0xffff, v23  }
0x1ff: {  	[tilespmem:s8+$0xCC70] =	vst.add.f32.msk $0xffff, v24  }
0x200: {  	[tilespmem:s8+$0xCC80] =	vst.add.f32.msk $0xffff, v25  }
.Ltmp3:
0x201: {  	[tilespmem:s8+$0xCC90] =	vst.add.f32.msk $0xffff, v26;
	(pc) =	sbr.rel @p1 .LBB2_9-.Ltmp3, $4  }
0x202: {  	[tilespmem:s8+$0xCCA0] =	vst.add.f32.msk $0xffff, v27  }
0x203: {  	[tilespmem:s8+$0xCCB0] =	vst.add.f32.msk $0xffff, v28  }
0x204: {  	[tilespmem:s8+$0xCCC0] =	vst.add.f32.msk $0xffff, v29  }
0x205: {  	s26 =	sadd.s32 $0x800, s26;
	[tilespmem:s8+$0xCCD0] =	vst.add.f32.msk $0xffff, v30  }
0x206: {  	s10 =	sadd.s32 $0x1, s10  }
0x207: {  	p1 =	sne.s32 s10, $0x2A  }
.Ltmp4:
0x208: {  	_ = 	snop;
	(pc) =	sbr.rel @p1 .LBB2_4-.Ltmp4, $4  }
0x209: {  	_ = 	snop  }
0x20a: {  	s9 =	sshll.u32 s21, $0x4  }
0x20b: {  	[tilespmem:s8+$0xCCE0] =	vst.add.f32.msk $0xffff, v0;
	s31 =	sadd.s32 s1, s9  }
0x20c: {  	[hbm4b:s31+s4] =	stream.linear.scatter [tilespmem:s7], [sflag:$0x6], $0x6400, $0x38;
	[tilespmem:$0x1B9C0] =	vst v63  }
0x20d: {  	_ =	swait.ge [sflag:s29], $0xC8  }
0x20e: {  	[sflag:s29] =	ssyncset.done $0x0  }
0x20f: {  	s19 =	simm.s32 $0x5;
	[sflag:s29] =	ssyncadd.s32 $0xFFFFFF38  }
0x210: {  	_ =	swait.ge [sflag:s19], $0x6400  }
0x211: {  	[sflag:s19] =	ssyncset.done $0x0  }
0x212: {  	[sflag:s19] =	ssyncadd.s32 $0xFFFF9C00  }
0x213: {  	[tilespmem:s30], [sflag:$0x2] =	stream.indirect.gather [spmem:s2], $0x80, s28, s24, $0xb8;
	[tilespmem:$0x1B9C0] =	vst v63  }
0x214: {  	s8 =	simm.s32 $0x180  }
0x215: {  	[tilespmem:s0], [sflag:$0x2] =	stream.indirect.gather [spmem:s2], $0x80, s8, s25, $0xb8;
	[tilespmem:$0x1B9C0] =	vst v63  }
0x216: {  	_ =	swait.ge [sflag:s22], $0x6400  }
0x217: {  	[sflag:s22] =	ssyncset.done $0x0  }
0x218: {  	s8 =	simm.s32 $0x0;
	[sflag:s22] =	ssyncadd.s32 $0xFFFF9C00  }
0x219: {  	v0 =	vld [tilespmem:s8+$0x130F0]  }
0x21a: {  	v1 =	vld [tilespmem:s8+$0x12F00]  }
0x21b: {  	v2 =	vld [tilespmem:s8+$0x12F10]  }
0x21c: {  	v3 =	vld [tilespmem:s8+$0x12F20]  }
0x21d: {  	v4 =	vld [tilespmem:s8+$0x12F30]  }
0x21e: {  	v5 =	vld [tilespmem:s8+$0x12F40]  }
0x21f: {  	v6 =	vld [tilespmem:s8+$0x12F50]  }
0x220: {  	v7 =	vld [tilespmem:s8+$0x12F60]  }
0x221: {  	v8 =	vld [tilespmem:s8+$0x12F70]  }
0x222: {  	v9 =	vld [tilespmem:s8+$0x12F80]  }
0x223: {  	v10 =	vld [tilespmem:s8+$0x12F90]  }
0x224: {  	v11 =	vld [tilespmem:s8+$0x12FA0]  }
0x225: {  	v12 =	vld [tilespmem:s8+$0x12FB0]  }
0x226: {  	v13 =	vld [tilespmem:s8+$0x12FC0]  }
0x227: {  	v14 =	vld [tilespmem:s8+$0x12FD0]  }
0x228: {  	v15 =	vld [tilespmem:s8+$0x12FE0]  }
0x229: {  	v16 =	vld [tilespmem:s8+$0x12FF0]  }
0x22a: {  	v17 =	vld [tilespmem:s8+$0x13000]  }
0x22b: {  	v18 =	vld [tilespmem:s8+$0x13010]  }
0x22c: {  	v19 =	vld [tilespmem:s8+$0x13020]  }
0x22d: {  	v20 =	vld [tilespmem:s8+$0x13030]  }
0x22e: {  	v21 =	vld [tilespmem:s8+$0x13040]  }
0x22f: {  	v22 =	vld [tilespmem:s8+$0x13050]  }
0x230: {  	v23 =	vld [tilespmem:s8+$0x13060]  }
0x231: {  	v24 =	vld [tilespmem:s8+$0x13070]  }
0x232: {  	v25 =	vld [tilespmem:s8+$0x13080]  }
0x233: {  	v26 =	vld [tilespmem:s8+$0x13090]  }
0x234: {  	v27 =	vld [tilespmem:s8+$0x130A0]  }
0x235: {  	v28 =	vld [tilespmem:s8+$0x130B0]  }
0x236: {  	v29 =	vld [tilespmem:s8+$0x130C0]  }
0x237: {  	v30 =	vld [tilespmem:s8+$0x130D0]  }
0x238: {  	[tilespmem:s8+$0x4F0] =	vst.add.f32.msk $0xffff, v0  }
0x239: {  	v0 =	vld [tilespmem:s8+$0x130E0]  }
0x23a: {  	[tilespmem:s8+$0x300] =	vst.add.f32.msk $0xffff, v1  }
0x23b: {  	[tilespmem:s8+$0x310] =	vst.add.f32.msk $0xffff, v2  }
0x23c: {  	[tilespmem:s8+$0x320] =	vst.add.f32.msk $0xffff, v3  }
0x23d: {  	[tilespmem:s8+$0x330] =	vst.add.f32.msk $0xffff, v4  }
0x23e: {  	[tilespmem:s8+$0x340] =	vst.add.f32.msk $0xffff, v5  }
0x23f: {  	[tilespmem:s8+$0x350] =	vst.add.f32.msk $0xffff, v6  }
0x240: {  	[tilespmem:s8+$0x360] =	vst.add.f32.msk $0xffff, v7  }
0x241: {  	[tilespmem:s8+$0x370] =	vst.add.f32.msk $0xffff, v8  }
0x242: {  	[tilespmem:s8+$0x380] =	vst.add.f32.msk $0xffff, v9  }
0x243: {  	[tilespmem:s8+$0x390] =	vst.add.f32.msk $0xffff, v10  }
0x244: {  	[tilespmem:s8+$0x3A0] =	vst.add.f32.msk $0xffff, v11  }
0x245: {  	[tilespmem:s8+$0x3B0] =	vst.add.f32.msk $0xffff, v12  }
0x246: {  	[tilespmem:s8+$0x3C0] =	vst.add.f32.msk $0xffff, v13  }
0x247: {  	[tilespmem:s8+$0x3D0] =	vst.add.f32.msk $0xffff, v14  }
0x248: {  	[tilespmem:s8+$0x3E0] =	vst.add.f32.msk $0xffff, v15  }
0x249: {  	[tilespmem:s8+$0x3F0] =	vst.add.f32.msk $0xffff, v16  }
0x24a: {  	[tilespmem:s8+$0x400] =	vst.add.f32.msk $0xffff, v17  }
0x24b: {  	[tilespmem:s8+$0x410] =	vst.add.f32.msk $0xffff, v18  }
0x24c: {  	[tilespmem:s8+$0x420] =	vst.add.f32.msk $0xffff, v19  }
0x24d: {  	[tilespmem:s8+$0x430] =	vst.add.f32.msk $0xffff, v20  }
0x24e: {  	[tilespmem:s8+$0x440] =	vst.add.f32.msk $0xffff, v21  }
0x24f: {  	[tilespmem:s8+$0x450] =	vst.add.f32.msk $0xffff, v22  }
0x250: {  	[tilespmem:s8+$0x460] =	vst.add.f32.msk $0xffff, v23  }
0x251: {  	[tilespmem:s8+$0x470] =	vst.add.f32.msk $0xffff, v24  }
0x252: {  	[tilespmem:s8+$0x480] =	vst.add.f32.msk $0xffff, v25  }
0x253: {  	[tilespmem:s8+$0x490] =	vst.add.f32.msk $0xffff, v26  }
0x254: {  	[tilespmem:s8+$0x4A0] =	vst.add.f32.msk $0xffff, v27  }
0x255: {  	[tilespmem:s8+$0x4B0] =	vst.add.f32.msk $0xffff, v28  }
0x256: {  	[tilespmem:s8+$0x4C0] =	vst.add.f32.msk $0xffff, v29  }
0x257: {  	s9 =	simm.s32 $0x0;
	s10 =	simm.s32 $0x800;
	[tilespmem:s8+$0x4D0] =	vst.add.f32.msk $0xffff, v30  }
.LBB2_12:
0x258: {  	s9 =	sadd.s32 $0x4, s9;
	[tilespmem:s8+$0x4E0] =	vst.add.f32.msk $0xffff, v0;
	s8 =	sshra.s32 s10, $0x2  }
0x259: {  	v0 =	vld [tilespmem:s8+$0x130F0];
	p1 =	slt.u32 s9, $0xC4  }
0x25a: {  	v1 =	vld [tilespmem:s8+$0x12F00]  }
0x25b: {  	v2 =	vld [tilespmem:s8+$0x12F10]  }
0x25c: {  	v3 =	vld [tilespmem:s8+$0x12F20]  }
0x25d: {  	v4 =	vld [tilespmem:s8+$0x12F30]  }
0x25e: {  	[tilespmem:s8+$0x4F0] =	vst.add.f32.msk $0xffff, v0  }
0x25f: {  	v5 =	vld [tilespmem:s8+$0x12F40]  }
0x260: {  	v6 =	vld [tilespmem:s8+$0x12F50]  }
0x261: {  	v7 =	vld [tilespmem:s8+$0x12F60]  }
0x262: {  	v8 =	vld [tilespmem:s8+$0x12F70]  }
0x263: {  	v9 =	vld [tilespmem:s8+$0x12F80]  }
0x264: {  	v10 =	vld [tilespmem:s8+$0x12F90]  }
0x265: {  	v11 =	vld [tilespmem:s8+$0x12FA0]  }
0x266: {  	v12 =	vld [tilespmem:s8+$0x12FB0]  }
0x267: {  	v13 =	vld [tilespmem:s8+$0x12FC0]  }
0x268: {  	v14 =	vld [tilespmem:s8+$0x12FD0]  }
0x269: {  	v15 =	vld [tilespmem:s8+$0x12FE0]  }
0x26a: {  	v16 =	vld [tilespmem:s8+$0x12FF0]  }
0x26b: {  	v17 =	vld [tilespmem:s8+$0x13000]  }
0x26c: {  	v18 =	vld [tilespmem:s8+$0x13010]  }
0x26d: {  	v19 =	vld [tilespmem:s8+$0x13020]  }
0x26e: {  	v20 =	vld [tilespmem:s8+$0x13030]  }
0x26f: {  	v21 =	vld [tilespmem:s8+$0x13040]  }
0x270: {  	v22 =	vld [tilespmem:s8+$0x13050]  }
0x271: {  	v23 =	vld [tilespmem:s8+$0x13060]  }
0x272: {  	v24 =	vld [tilespmem:s8+$0x13070]  }
0x273: {  	v25 =	vld [tilespmem:s8+$0x13080]  }
0x274: {  	v26 =	vld [tilespmem:s8+$0x13090]  }
0x275: {  	v27 =	vld [tilespmem:s8+$0x130A0]  }
0x276: {  	v28 =	vld [tilespmem:s8+$0x130B0]  }
0x277: {  	v29 =	vld [tilespmem:s8+$0x130C0]  }
0x278: {  	v30 =	vld [tilespmem:s8+$0x130D0]  }
0x279: {  	v0 =	vld [tilespmem:s8+$0x130E0]  }
0x27a: {  	[tilespmem:s8+$0x300] =	vst.add.f32.msk $0xffff, v1  }
0x27b: {  	[tilespmem:s8+$0x310] =	vst.add.f32.msk $0xffff, v2  }
0x27c: {  	[tilespmem:s8+$0x320] =	vst.add.f32.msk $0xffff, v3  }
0x27d: {  	[tilespmem:s8+$0x330] =	vst.add.f32.msk $0xffff, v4  }
0x27e: {  	[tilespmem:s8+$0x340] =	vst.add.f32.msk $0xffff, v5  }
0x27f: {  	[tilespmem:s8+$0x350] =	vst.add.f32.msk $0xffff, v6  }
0x280: {  	[tilespmem:s8+$0x360] =	vst.add.f32.msk $0xffff, v7  }
0x281: {  	[tilespmem:s8+$0x370] =	vst.add.f32.msk $0xffff, v8  }
0x282: {  	[tilespmem:s8+$0x380] =	vst.add.f32.msk $0xffff, v9  }
0x283: {  	[tilespmem:s8+$0x390] =	vst.add.f32.msk $0xffff, v10  }
0x284: {  	[tilespmem:s8+$0x3A0] =	vst.add.f32.msk $0xffff, v11  }
0x285: {  	[tilespmem:s8+$0x3B0] =	vst.add.f32.msk $0xffff, v12  }
0x286: {  	[tilespmem:s8+$0x3C0] =	vst.add.f32.msk $0xffff, v13  }
0x287: {  	[tilespmem:s8+$0x3D0] =	vst.add.f32.msk $0xffff, v14  }
0x288: {  	[tilespmem:s8+$0x3E0] =	vst.add.f32.msk $0xffff, v15  }
0x289: {  	[tilespmem:s8+$0x3F0] =	vst.add.f32.msk $0xffff, v16  }
0x28a: {  	[tilespmem:s8+$0x400] =	vst.add.f32.msk $0xffff, v17  }
0x28b: {  	[tilespmem:s8+$0x410] =	vst.add.f32.msk $0xffff, v18  }
0x28c: {  	[tilespmem:s8+$0x420] =	vst.add.f32.msk $0xffff, v19  }
0x28d: {  	[tilespmem:s8+$0x430] =	vst.add.f32.msk $0xffff, v20  }
0x28e: {  	[tilespmem:s8+$0x440] =	vst.add.f32.msk $0xffff, v21  }
0x28f: {  	[tilespmem:s8+$0x450] =	vst.add.f32.msk $0xffff, v22  }
0x290: {  	[tilespmem:s8+$0x460] =	vst.add.f32.msk $0xffff, v23  }
0x291: {  	[tilespmem:s8+$0x470] =	vst.add.f32.msk $0xffff, v24  }
0x292: {  	[tilespmem:s8+$0x480] =	vst.add.f32.msk $0xffff, v25  }
.Ltmp5:
0x293: {  	[tilespmem:s8+$0x490] =	vst.add.f32.msk $0xffff, v26;
	(pc) =	sbr.rel @p1 .LBB2_12-.Ltmp5, $4  }
0x294: {  	[tilespmem:s8+$0x4A0] =	vst.add.f32.msk $0xffff, v27  }
0x295: {  	[tilespmem:s8+$0x4B0] =	vst.add.f32.msk $0xffff, v28  }
0x296: {  	[tilespmem:s8+$0x4C0] =	vst.add.f32.msk $0xffff, v29  }
0x297: {  	s10 =	sadd.s32 $0x800, s10;
	[tilespmem:s8+$0x4D0] =	vst.add.f32.msk $0xffff, v30  }
0x298: {  	[tilespmem:s8+$0x4E0] =	vst.add.f32.msk $0xffff, v0;
	s31 =	simm.s32 $0x0;
	s9 =	rddreg [dreg:$0xb]  }
0x299: {  	[hbm4b:s9+s31] =	stream.linear.scatter [tilespmem:s20], [sflag:$0x4], $0x6400, $0x38;
	[tilespmem:$0x1B9C0] =	vst v63  }
0x29a: {  	_ =	swait.ge [sflag:s11], $0x6400  }
0x29b: {  	[sflag:s11] =	ssyncset.done $0x0  }
0x29c: {  	s8 =	simm.s32 $0x0;
	[sflag:s11] =	ssyncadd.s32 $0xFFFF9C00  }
0x29d: {  	v0 =	vld [tilespmem:s8+$0x130F0]  }
0x29e: {  	v1 =	vld [tilespmem:s8+$0x12F00]  }
0x29f: {  	v2 =	vld [tilespmem:s8+$0x12F10]  }
0x2a0: {  	v3 =	vld [tilespmem:s8+$0x12F20]  }
0x2a1: {  	v4 =	vld [tilespmem:s8+$0x12F30]  }
0x2a2: {  	v5 =	vld [tilespmem:s8+$0x12F40]  }
0x2a3: {  	v6 =	vld [tilespmem:s8+$0x12F50]  }
0x2a4: {  	v7 =	vld [tilespmem:s8+$0x12F60]  }
0x2a5: {  	v8 =	vld [tilespmem:s8+$0x12F70]  }
0x2a6: {  	v9 =	vld [tilespmem:s8+$0x12F80]  }
0x2a7: {  	v10 =	vld [tilespmem:s8+$0x12F90]  }
0x2a8: {  	v11 =	vld [tilespmem:s8+$0x12FA0]  }
0x2a9: {  	v12 =	vld [tilespmem:s8+$0x12FB0]  }
0x2aa: {  	v13 =	vld [tilespmem:s8+$0x12FC0]  }
0x2ab: {  	v14 =	vld [tilespmem:s8+$0x12FD0]  }
0x2ac: {  	v15 =	vld [tilespmem:s8+$0x12FE0]  }
0x2ad: {  	v16 =	vld [tilespmem:s8+$0x12FF0]  }
0x2ae: {  	v17 =	vld [tilespmem:s8+$0x13000]  }
0x2af: {  	v18 =	vld [tilespmem:s8+$0x13010]  }
0x2b0: {  	v19 =	vld [tilespmem:s8+$0x13020]  }
0x2b1: {  	v20 =	vld [tilespmem:s8+$0x13030]  }
0x2b2: {  	v21 =	vld [tilespmem:s8+$0x13040]  }
0x2b3: {  	v22 =	vld [tilespmem:s8+$0x13050]  }
0x2b4: {  	v23 =	vld [tilespmem:s8+$0x13060]  }
0x2b5: {  	v24 =	vld [tilespmem:s8+$0x13070]  }
0x2b6: {  	v25 =	vld [tilespmem:s8+$0x13080]  }
0x2b7: {  	v26 =	vld [tilespmem:s8+$0x13090]  }
0x2b8: {  	v27 =	vld [tilespmem:s8+$0x130A0]  }
0x2b9: {  	v28 =	vld [tilespmem:s8+$0x130B0]  }
0x2ba: {  	v29 =	vld [tilespmem:s8+$0x130C0]  }
0x2bb: {  	v30 =	vld [tilespmem:s8+$0x130D0]  }
0x2bc: {  	[tilespmem:s8+$0x68F0] =	vst.add.f32.msk $0xffff, v0  }
0x2bd: {  	v0 =	vld [tilespmem:s8+$0x130E0]  }
0x2be: {  	[tilespmem:s8+$0x6700] =	vst.add.f32.msk $0xffff, v1  }
0x2bf: {  	[tilespmem:s8+$0x6710] =	vst.add.f32.msk $0xffff, v2  }
0x2c0: {  	[tilespmem:s8+$0x6720] =	vst.add.f32.msk $0xffff, v3  }
0x2c1: {  	[tilespmem:s8+$0x6730] =	vst.add.f32.msk $0xffff, v4  }
0x2c2: {  	[tilespmem:s8+$0x6740] =	vst.add.f32.msk $0xffff, v5  }
0x2c3: {  	[tilespmem:s8+$0x6750] =	vst.add.f32.msk $0xffff, v6  }
0x2c4: {  	[tilespmem:s8+$0x6760] =	vst.add.f32.msk $0xffff, v7  }
0x2c5: {  	[tilespmem:s8+$0x6770] =	vst.add.f32.msk $0xffff, v8  }
0x2c6: {  	[tilespmem:s8+$0x6780] =	vst.add.f32.msk $0xffff, v9  }
0x2c7: {  	[tilespmem:s8+$0x6790] =	vst.add.f32.msk $0xffff, v10  }
0x2c8: {  	[tilespmem:s8+$0x67A0] =	vst.add.f32.msk $0xffff, v11  }
0x2c9: {  	[tilespmem:s8+$0x67B0] =	vst.add.f32.msk $0xffff, v12  }
0x2ca: {  	[tilespmem:s8+$0x67C0] =	vst.add.f32.msk $0xffff, v13  }
0x2cb: {  	[tilespmem:s8+$0x67D0] =	vst.add.f32.msk $0xffff, v14  }
0x2cc: {  	[tilespmem:s8+$0x67E0] =	vst.add.f32.msk $0xffff, v15  }
0x2cd: {  	[tilespmem:s8+$0x67F0] =	vst.add.f32.msk $0xffff, v16  }
0x2ce: {  	[tilespmem:s8+$0x6800] =	vst.add.f32.msk $0xffff, v17  }
0x2cf: {  	[tilespmem:s8+$0x6810] =	vst.add.f32.msk $0xffff, v18  }
0x2d0: {  	[tilespmem:s8+$0x6820] =	vst.add.f32.msk $0xffff, v19  }
0x2d1: {  	[tilespmem:s8+$0x6830] =	vst.add.f32.msk $0xffff, v20  }
0x2d2: {  	[tilespmem:s8+$0x6840] =	vst.add.f32.msk $0xffff, v21  }
0x2d3: {  	[tilespmem:s8+$0x6850] =	vst.add.f32.msk $0xffff, v22  }
0x2d4: {  	[tilespmem:s8+$0x6860] =	vst.add.f32.msk $0xffff, v23  }
0x2d5: {  	[tilespmem:s8+$0x6870] =	vst.add.f32.msk $0xffff, v24  }
0x2d6: {  	[tilespmem:s8+$0x6880] =	vst.add.f32.msk $0xffff, v25  }
0x2d7: {  	[tilespmem:s8+$0x6890] =	vst.add.f32.msk $0xffff, v26  }
0x2d8: {  	[tilespmem:s8+$0x68A0] =	vst.add.f32.msk $0xffff, v27  }
0x2d9: {  	[tilespmem:s8+$0x68B0] =	vst.add.f32.msk $0xffff, v28  }
0x2da: {  	[tilespmem:s8+$0x68C0] =	vst.add.f32.msk $0xffff, v29  }
0x2db: {  	s10 =	simm.s32 $0x800;
	s9 =	simm.s32 $0x0;
	[tilespmem:s8+$0x68D0] =	vst.add.f32.msk $0xffff, v30  }
.LBB2_14:
0x2dc: {  	s9 =	sadd.s32 $0x4, s9;
	[tilespmem:s8+$0x68E0] =	vst.add.f32.msk $0xffff, v0;
	s8 =	sshra.s32 s10, $0x2  }
0x2dd: {  	v0 =	vld [tilespmem:s8+$0x130F0];
	p1 =	slt.u32 s9, $0xC4  }
0x2de: {  	v1 =	vld [tilespmem:s8+$0x12F00]  }
0x2df: {  	v2 =	vld [tilespmem:s8+$0x12F10]  }
0x2e0: {  	v3 =	vld [tilespmem:s8+$0x12F20]  }
0x2e1: {  	v4 =	vld [tilespmem:s8+$0x12F30]  }
0x2e2: {  	[tilespmem:s8+$0x68F0] =	vst.add.f32.msk $0xffff, v0  }
0x2e3: {  	v5 =	vld [tilespmem:s8+$0x12F40]  }
0x2e4: {  	v6 =	vld [tilespmem:s8+$0x12F50]  }
0x2e5: {  	v7 =	vld [tilespmem:s8+$0x12F60]  }
0x2e6: {  	v8 =	vld [tilespmem:s8+$0x12F70]  }
0x2e7: {  	v9 =	vld [tilespmem:s8+$0x12F80]  }
0x2e8: {  	v10 =	vld [tilespmem:s8+$0x12F90]  }
0x2e9: {  	v11 =	vld [tilespmem:s8+$0x12FA0]  }
0x2ea: {  	v12 =	vld [tilespmem:s8+$0x12FB0]  }
0x2eb: {  	v13 =	vld [tilespmem:s8+$0x12FC0]  }
0x2ec: {  	v14 =	vld [tilespmem:s8+$0x12FD0]  }
0x2ed: {  	v15 =	vld [tilespmem:s8+$0x12FE0]  }
0x2ee: {  	v16 =	vld [tilespmem:s8+$0x12FF0]  }
0x2ef: {  	v17 =	vld [tilespmem:s8+$0x13000]  }
0x2f0: {  	v18 =	vld [tilespmem:s8+$0x13010]  }
0x2f1: {  	v19 =	vld [tilespmem:s8+$0x13020]  }
0x2f2: {  	v20 =	vld [tilespmem:s8+$0x13030]  }
0x2f3: {  	v21 =	vld [tilespmem:s8+$0x13040]  }
0x2f4: {  	v22 =	vld [tilespmem:s8+$0x13050]  }
0x2f5: {  	v23 =	vld [tilespmem:s8+$0x13060]  }
0x2f6: {  	v24 =	vld [tilespmem:s8+$0x13070]  }
0x2f7: {  	v25 =	vld [tilespmem:s8+$0x13080]  }
0x2f8: {  	v26 =	vld [tilespmem:s8+$0x13090]  }
0x2f9: {  	v27 =	vld [tilespmem:s8+$0x130A0]  }
0x2fa: {  	v28 =	vld [tilespmem:s8+$0x130B0]  }
0x2fb: {  	v29 =	vld [tilespmem:s8+$0x130C0]  }
0x2fc: {  	v30 =	vld [tilespmem:s8+$0x130D0]  }
0x2fd: {  	v0 =	vld [tilespmem:s8+$0x130E0]  }
0x2fe: {  	[tilespmem:s8+$0x6700] =	vst.add.f32.msk $0xffff, v1  }
0x2ff: {  	[tilespmem:s8+$0x6710] =	vst.add.f32.msk $0xffff, v2  }
0x300: {  	[tilespmem:s8+$0x6720] =	vst.add.f32.msk $0xffff, v3  }
0x301: {  	[tilespmem:s8+$0x6730] =	vst.add.f32.msk $0xffff, v4  }
0x302: {  	[tilespmem:s8+$0x6740] =	vst.add.f32.msk $0xffff, v5  }
0x303: {  	[tilespmem:s8+$0x6750] =	vst.add.f32.msk $0xffff, v6  }
0x304: {  	[tilespmem:s8+$0x6760] =	vst.add.f32.msk $0xffff, v7  }
0x305: {  	[tilespmem:s8+$0x6770] =	vst.add.f32.msk $0xffff, v8  }
0x306: {  	[tilespmem:s8+$0x6780] =	vst.add.f32.msk $0xffff, v9  }
0x307: {  	[tilespmem:s8+$0x6790] =	vst.add.f32.msk $0xffff, v10  }
0x308: {  	[tilespmem:s8+$0x67A0] =	vst.add.f32.msk $0xffff, v11  }
0x309: {  	[tilespmem:s8+$0x67B0] =	vst.add.f32.msk $0xffff, v12  }
0x30a: {  	[tilespmem:s8+$0x67C0] =	vst.add.f32.msk $0xffff, v13  }
0x30b: {  	[tilespmem:s8+$0x67D0] =	vst.add.f32.msk $0xffff, v14  }
0x30c: {  	[tilespmem:s8+$0x67E0] =	vst.add.f32.msk $0xffff, v15  }
0x30d: {  	[tilespmem:s8+$0x67F0] =	vst.add.f32.msk $0xffff, v16  }
0x30e: {  	[tilespmem:s8+$0x6800] =	vst.add.f32.msk $0xffff, v17  }
0x30f: {  	[tilespmem:s8+$0x6810] =	vst.add.f32.msk $0xffff, v18  }
0x310: {  	[tilespmem:s8+$0x6820] =	vst.add.f32.msk $0xffff, v19  }
0x311: {  	[tilespmem:s8+$0x6830] =	vst.add.f32.msk $0xffff, v20  }
0x312: {  	[tilespmem:s8+$0x6840] =	vst.add.f32.msk $0xffff, v21  }
0x313: {  	[tilespmem:s8+$0x6850] =	vst.add.f32.msk $0xffff, v22  }
0x314: {  	[tilespmem:s8+$0x6860] =	vst.add.f32.msk $0xffff, v23  }
0x315: {  	[tilespmem:s8+$0x6870] =	vst.add.f32.msk $0xffff, v24  }
0x316: {  	[tilespmem:s8+$0x6880] =	vst.add.f32.msk $0xffff, v25  }
.Ltmp6:
0x317: {  	[tilespmem:s8+$0x6890] =	vst.add.f32.msk $0xffff, v26;
	(pc) =	sbr.rel @p1 .LBB2_14-.Ltmp6, $4  }
0x318: {  	[tilespmem:s8+$0x68A0] =	vst.add.f32.msk $0xffff, v27  }
0x319: {  	[tilespmem:s8+$0x68B0] =	vst.add.f32.msk $0xffff, v28  }
0x31a: {  	[tilespmem:s8+$0x68C0] =	vst.add.f32.msk $0xffff, v29  }
0x31b: {  	s10 =	sadd.s32 $0x800, s10;
	[tilespmem:s8+$0x68D0] =	vst.add.f32.msk $0xffff, v30  }
0x31c: {  	[tilespmem:s8+$0x68E0] =	vst.add.f32.msk $0xffff, v0;
	s26 =	rddreg [dreg:$0xc]  }
0x31d: {  	[hbm4b:s26+s4] =	stream.linear.scatter [tilespmem:s30], [sflag:$0x5], $0x6400, $0x38;
	[tilespmem:$0x1B9C0] =	vst v63  }
0x31e: {  	_ =	swait.ge [sflag:s17], $0x6400  }
0x31f: {  	[sflag:s17] =	ssyncset.done $0x0  }
0x320: {  	[sflag:s17] =	ssyncadd.s32 $0xFFFF9C00  }
0x321: {  	_ =	swait.ge [sflag:s19], $0x6400  }
0x322: {  	s9 =	rddreg [dreg:$0xe]  }
0x323: {  	s31 =	rddreg [dreg:$0xd];
	s9 =	sadd.s32 $0x1, s9  }
0x324: {  	p1 =	sne.s32 s9, s31  }
.Ltmp7:
0x325: {  	_ = 	snop;
	(pc) =	sbr.rel @p1 .LBB2_1-.Ltmp7, $3  }
0x326: {  	_ =	sdelay $0x1  }
0x327: {  	[sflag:s19] =	ssyncset.done $0x0  }
0x328: {  	s21 =	simm.s32 $0xA;
	[sflag:s19] =	ssyncadd.s32 $0xFFFF9C00  }
0x329: {  	_ =	sfence.sel $0x180000  }
0x32a: {  	[bflag:$0x0] =	sbarrier.arrive $0xFFFF  }
0x32b: {  	_ =	strace $0x90000047  }
0x32c: {  	[bflag:$0x2] =	sbarrier.arrive $0xFFFF  }
0x32d: {  	s0 =	rddreg [dreg:$0x4]  }
0x32e: {  	s0 =	sadd.s32 @!p0 $0x100000, s0  }
0x32f: {  	[sflag:s0] =	ssyncadd.tile.s32 @!p0 $0x1;
	_ =	shalt  }
.Lfunc_end2:
_tile_overlayer_lowered:
.L_overlay_start_2:
0x330: {  	(tag) =	ssettag $0x2  }
0x331: {  	s0 =	rddreg [dreg:$0x0];
	s2 =	stileid.u32  }
0x332: {  	s1 =	rddreg [dreg:$0x1];
	p0 =	sne.s32 s2, $0x0  }
0x333: {  	s3 =	rddreg [dreg:$0x2];
	[bflag:$0x3] =	sbarrier.arrive $0xFFFF;
	s2 =	simm.s32 @!p0 $0x1C0A  }
0x334: {  	[timem:s3], [sflag:s2] =	dma.local @!p0 [hbm:s0], s1  }
0x335: {  	s0 =	simm.s32 @!p0 $0xA  }
0x336: {  	_ =	swait.ge @!p0 [sflag:s0], s1  }
0x337: {  	s1 =	ssub.s32 @!p0 $0x0, s1;
	[sflag:s0] =	ssyncset.done @!p0 $0x0  }
0x338: {  	[sflag:s0] =	ssyncadd.s32 @!p0 s1  }
0x339: {  	[bflag:$0x3] =	sbarrier.arrive $0xFFFF  }
0x33a: {  	_ =	shalt  }

</sc_bundles>
